<compile_context>
chip_gen: v7x
topology: tpu7x:2x2x1
jax: 0.10.2.dev20260603
libtpu: 0.0.44.dev20260713+nightly
codegen_flags: <defaults>
</compile_context>

<pallas_src>
import math
from functools import partial

import jax
import jax.numpy as jnp
from jax.experimental import pallas as pl
from jax.experimental.pallas import tpu as pltpu

_EPS = 1e-5

_CFG = {
    'sa1': {'ratio': 0.25, 'radius_list': [0.1, 0.2, 0.4],
            'max_sample_list': [16, 32, 128]},
    'sa2': {'ratio': 0.25, 'radius_list': [0.2, 0.4, 0.8],
            'max_sample_list': [32, 64, 128]},
    'sa3': {'ratio': 0.0078125, 'radius_list': [1000.0],
            'max_sample_list': [128]},
}


def _fps_body(npoint, xyz_ref, cent_ref, dist_ref):
    _, n, b = xyz_ref.shape
    x0 = xyz_ref[0]
    x1 = xyz_ref[1]
    x2 = xyz_ref[2]
    dist_ref[...] = jnp.full((n, b), 1e10, jnp.float32)
    iota = jax.lax.broadcasted_iota(jnp.int32, (n, b), 0)

    def step(i, far):
        sel = iota == far
        c0 = jnp.sum(jnp.where(sel, x0, 0.0), axis=0, keepdims=True)
        c1 = jnp.sum(jnp.where(sel, x1, 0.0), axis=0, keepdims=True)
        c2 = jnp.sum(jnp.where(sel, x2, 0.0), axis=0, keepdims=True)
        d = (x0 - c0) ** 2 + (x1 - c1) ** 2 + (x2 - c2) ** 2
        dist = jnp.minimum(dist_ref[...], d)
        dist_ref[...] = dist
        cent_ref[pl.ds(i, 1), :] = far
        mx = jnp.max(dist, axis=0, keepdims=True)
        return jnp.min(jnp.where(dist >= mx, iota, n), axis=0, keepdims=True)

    jax.lax.fori_loop(0, npoint, step,
                      jnp.zeros((1, b), jnp.int32))


def _fps(xyz, npoint):
    b, n, _ = xyz.shape
    xt = jnp.transpose(xyz, (2, 1, 0))
    cent = pl.pallas_call(
        partial(_fps_body, npoint),
        grid=(1,),
        in_specs=[pl.BlockSpec((3, n, b), lambda i: (0, 0, 0))],
        out_specs=pl.BlockSpec((npoint, b), lambda i: (0, 0)),
        out_shape=jax.ShapeDtypeStruct((npoint, b), jnp.int32),
        scratch_shapes=[pltpu.VMEM((n, b), jnp.float32)],
    )(xt)
    return cent.T


def _mm_first_body(x_ref, w_ref, b_ref, z_ref, s_ref, ss_ref):
    z = jnp.dot(x_ref[...], w_ref[...],
                preferred_element_type=jnp.float32) + b_ref[...]
    z_ref[...] = z
    co = z.shape[1]
    s_ref[...] = jnp.broadcast_to(jnp.sum(z, axis=0, keepdims=True), (8, co))
    ss_ref[...] = jnp.broadcast_to(jnp.sum(z * z, axis=0, keepdims=True),
                                   (8, co))


def _mm_aff_body(x_ref, sc_ref, sh_ref, w_ref, b_ref, z_ref, s_ref, ss_ref):
    xa = jnp.maximum(x_ref[...] * sc_ref[...] + sh_ref[...], 0.0)
    z = jnp.dot(xa, w_ref[...],
                preferred_element_type=jnp.float32) + b_ref[...]
    z_ref[...] = z
    co = z.shape[1]
    s_ref[...] = jnp.broadcast_to(jnp.sum(z, axis=0, keepdims=True), (8, co))
    ss_ref[...] = jnp.broadcast_to(jnp.sum(z * z, axis=0, keepdims=True),
                                   (8, co))


def _aff_max_body(ns, x_ref, sc_ref, sh_ref, o_ref):
    y = jnp.maximum(x_ref[...] * sc_ref[...] + sh_ref[...], 0.0)
    mt, c = y.shape
    o_ref[...] = jnp.max(y.reshape(mt // ns, ns, c), axis=1)


def _mm_stats(x, w, b, sc=None, sh=None, mt=1024):
    m, cin = x.shape
    co = w.shape[1]
    mt = min(mt, m)
    g = m // mt
    if sc is None:
        body = _mm_first_body
        ins = (x, w, b.reshape(1, co))
        in_specs = [pl.BlockSpec((mt, cin), lambda i: (i, 0)),
                    pl.BlockSpec((cin, co), lambda i: (0, 0)),
                    pl.BlockSpec((1, co), lambda i: (0, 0))]
    else:
        body = _mm_aff_body
        ins = (x, sc, sh, w, b.reshape(1, co))
        in_specs = [pl.BlockSpec((mt, cin), lambda i: (i, 0)),
                    pl.BlockSpec((1, cin), lambda i: (0, 0)),
                    pl.BlockSpec((1, cin), lambda i: (0, 0)),
                    pl.BlockSpec((cin, co), lambda i: (0, 0)),
                    pl.BlockSpec((1, co), lambda i: (0, 0))]
    z, s, ss = pl.pallas_call(
        body,
        grid=(g,),
        in_specs=in_specs,
        out_specs=[pl.BlockSpec((mt, co), lambda i: (i, 0)),
                   pl.BlockSpec((None, 8, co), lambda i: (i, 0, 0)),
                   pl.BlockSpec((None, 8, co), lambda i: (i, 0, 0))],
        out_shape=[jax.ShapeDtypeStruct((m, co), jnp.float32),
                   jax.ShapeDtypeStruct((g, 8, co), jnp.float32),
                   jax.ShapeDtypeStruct((g, 8, co), jnp.float32)],
    )(*ins)
    return z, s[:, 0, :], ss[:, 0, :]


def _bn_affine(s, ss, m, gamma, beta):
    mean = jnp.sum(s, axis=0) / m
    var = jnp.sum(ss, axis=0) / m - mean * mean
    scale = gamma / jnp.sqrt(var + _EPS)
    shift = beta - mean * scale
    return scale.reshape(1, -1), shift.reshape(1, -1)


def _aff_max(z, sc, sh, ns, mt=1024):
    m, c = z.shape
    mt = min(mt, m)
    g = m // mt
    return pl.pallas_call(
        partial(_aff_max_body, ns),
        grid=(g,),
        in_specs=[pl.BlockSpec((mt, c), lambda i: (i, 0)),
                  pl.BlockSpec((1, c), lambda i: (0, 0)),
                  pl.BlockSpec((1, c), lambda i: (0, 0))],
        out_specs=pl.BlockSpec((mt // ns, c), lambda i: (i, 0)),
        out_shape=jax.ShapeDtypeStruct((m // ns, c), jnp.float32),
    )(z, sc, sh)


def _mlp_max(grouped_flat, layers, ns):
    m = grouped_flat.shape[0]
    x = grouped_flat
    sc = sh = None
    for layer in layers:
        x, s, ss = _mm_stats(x, layer['W'], layer['b'], sc, sh)
        sc, sh = _bn_affine(s, ss, m, layer['gamma'], layer['beta'])
    return _aff_max(x, sc, sh, ns)


def _chain_stats_body(k, x_ref, *refs):
    wb = refs[:2 * k]
    aff = refs[2 * k:2 * k + 2 * (k - 1)]
    s_ref, ss_ref = refs[-2:]
    h = x_ref[...]
    for i in range(k):
        z = jnp.dot(h, wb[2 * i][...],
                    preferred_element_type=jnp.float32) + wb[2 * i + 1][...]
        if i < k - 1:
            h = jnp.maximum(z * aff[2 * i][...] + aff[2 * i + 1][...], 0.0)
    co = z.shape[1]
    s_ref[...] = jnp.broadcast_to(jnp.sum(z, axis=0, keepdims=True), (8, co))
    ss_ref[...] = jnp.broadcast_to(jnp.sum(z * z, axis=0, keepdims=True),
                                   (8, co))


def _chain_max_body(k, ns, x_ref, *refs):
    wb = refs[:2 * k]
    aff = refs[2 * k:2 * k + 2 * k]
    o_ref = refs[-1]
    h = x_ref[...]
    for i in range(k):
        z = jnp.dot(h, wb[2 * i][...],
                    preferred_element_type=jnp.float32) + wb[2 * i + 1][...]
        h = jnp.maximum(z * aff[2 * i][...] + aff[2 * i + 1][...], 0.0)
    mt, c = h.shape
    o_ref[...] = jnp.max(h.reshape(mt // ns, ns, c), axis=1)


def _row_spec(arr, mt):
    return pl.BlockSpec((mt, arr.shape[1]), lambda i: (i, 0))


def _full_spec(arr):
    return pl.BlockSpec(arr.shape, lambda i: (0,) * arr.ndim)


def _mlp_max_fused(x, layers, ns, mt=4096):
    m = x.shape[0]
    mt = min(mt, m)
    g = m // mt
    n_l = len(layers)
    wbs = []
    for layer in layers:
        wbs += [layer['W'], layer['b'].reshape(1, -1)]
    affs = []
    for k in range(1, n_l + 1):
        co = layers[k - 1]['W'].shape[1]
        args = [x] + wbs[:2 * k] + affs
        in_specs = ([_row_spec(x, mt)]
                    + [_full_spec(a) for a in args[1:]])
        s, ss = pl.pallas_call(
            partial(_chain_stats_body, k),
            grid=(g,),
            in_specs=in_specs,
            out_specs=[pl.BlockSpec((None, 8, co), lambda i: (i, 0, 0)),
                       pl.BlockSpec((None, 8, co), lambda i: (i, 0, 0))],
            out_shape=[jax.ShapeDtypeStruct((g, 8, co), jnp.float32),
                       jax.ShapeDtypeStruct((g, 8, co), jnp.float32)],
        )(*args)
        sc, sh = _bn_affine(s[:, 0, :], ss[:, 0, :], m,
                            layers[k - 1]['gamma'], layers[k - 1]['beta'])
        affs += [sc, sh]
    c_last = layers[-1]['W'].shape[1]
    args = [x] + wbs + affs
    in_specs = [_row_spec(x, mt)] + [_full_spec(a) for a in args[1:]]
    return pl.pallas_call(
        partial(_chain_max_body, n_l, ns),
        grid=(g,),
        in_specs=in_specs,
        out_specs=pl.BlockSpec((mt // ns, c_last), lambda i: (i, 0)),
        out_shape=jax.ShapeDtypeStruct((m // ns, c_last), jnp.float32),
    )(*args)


def _square_distance(src, dst):
    return (jnp.sum(src ** 2, -1, keepdims=True)
            - 2.0 * jnp.einsum('bmc,bnc->bmn', src, dst)
            + jnp.sum(dst ** 2, -1)[:, None, :])


def _ball_idx(radius, nsample, xyz, new_xyz):
    b, n, _ = xyz.shape
    sqr = _square_distance(jax.lax.stop_gradient(new_xyz),
                           jax.lax.stop_gradient(xyz))
    cand = jnp.where(sqr > radius ** 2, n,
                     jnp.broadcast_to(jnp.arange(n, dtype=jnp.int32),
                                      sqr.shape))
    neg, _ = jax.lax.top_k(-cand, nsample)
    idx = -neg
    first = idx[:, :, 0:1]
    first = jnp.where(first == n, 0, first)
    return jnp.where(idx == n, jnp.broadcast_to(first, idx.shape), idx)


def _gather_pts(points, idx):
    b = points.shape[0]
    s, ns = idx.shape[1], idx.shape[2]
    flat = idx.reshape(b, -1)
    out = jnp.take_along_axis(points, flat[..., None], axis=1)
    return out.reshape(b, s, ns, points.shape[-1])


def _sa_msg(xyz, feats, cfg, scale_params):
    b, n, _ = xyz.shape
    s = int(round(cfg['ratio'] * n))
    if s == 1:
        new_xyz = xyz[:, :1, :]
    else:
        fps_idx = _fps(xyz, s)
        new_xyz = jnp.take_along_axis(xyz, fps_idx[..., None], axis=1)
    outs = []
    for radius, ns, layers in zip(cfg['radius_list'], cfg['max_sample_list'],
                                  scale_params):
        idx = _ball_idx(radius, ns, xyz, new_xyz)
        g_xyz = _gather_pts(xyz, idx) - new_xyz[:, :, None, :]
        g_feat = _gather_pts(feats, idx)
        grouped = jnp.concatenate([g_feat, g_xyz], axis=-1)
        cin = grouped.shape[-1]
        flat = grouped.reshape(b * s * ns, cin)
        if cin <= 64:
            out = _mlp_max_fused(flat, layers, ns)
        else:
            out = _mlp_max(flat, layers, ns)
        outs.append(out.reshape(b, s, -1))
    return new_xyz, jnp.concatenate(outs, axis=-1)


def _head_body(x_ref, w1, b1, g1, be1, w2, b2, g2, be2, w3, b3, o_ref):
    def bn_relu(h, g, be):
        mean = jnp.mean(h, axis=0, keepdims=True)
        var = jnp.mean((h - mean) ** 2, axis=0, keepdims=True)
        return jnp.maximum((h - mean) / jnp.sqrt(var + _EPS) * g[...] + be[...],
                           0.0)

    h = jnp.dot(x_ref[...], w1[...], preferred_element_type=jnp.float32) + b1[...]
    h = bn_relu(h, g1, be1)
    h = jnp.dot(h, w2[...], preferred_element_type=jnp.float32) + b2[...]
    h = bn_relu(h, g2, be2)
    o = jnp.dot(h, w3[...], preferred_element_type=jnp.float32) + b3[...]
    mx = jnp.max(o, axis=-1, keepdims=True)
    sh = o - mx
    o_ref[...] = sh - jnp.log(jnp.sum(jnp.exp(sh), axis=-1, keepdims=True))


def _head(x, params):
    b = x.shape[0]
    w1, b1 = params['fc1']['W'], params['fc1']['b']
    w2, b2 = params['fc2']['W'], params['fc2']['b']
    w3, b3 = params['fc3']['W'], params['fc3']['b']
    g1, be1 = params['bn1']['gamma'], params['bn1']['beta']
    g2, be2 = params['bn2']['gamma'], params['bn2']['beta']
    nc = w3.shape[1]
    args = (x, w1, b1.reshape(1, -1), g1.reshape(1, -1), be1.reshape(1, -1),
            w2, b2.reshape(1, -1), g2.reshape(1, -1), be2.reshape(1, -1),
            w3, b3.reshape(1, -1))
    in_specs = [pl.BlockSpec(a.shape, lambda i: (0, 0)) for a in args]
    return pl.pallas_call(
        _head_body,
        grid=(1,),
        in_specs=in_specs,
        out_specs=pl.BlockSpec((b, nc), lambda i: (0, 0)),
        out_shape=jax.ShapeDtypeStruct((b, nc), jnp.float32),
    )(*args)


def _sa3_head_body(ns, x_ref, w1, b1, g1, be1, w2, b2, g2, be2, w3, b3,
                   g3, be3, hw1, hb1, hg1, hbe1, hw2, hb2, hg2, hbe2,
                   hw3, hb3, l3_ref, o_ref):
    def bn(z, g, be, relu=True):
        mean = jnp.mean(z, axis=0, keepdims=True)
        var = jnp.mean((z - mean) ** 2, axis=0, keepdims=True)
        y = (z - mean) / jnp.sqrt(var + _EPS) * g[...] + be[...]
        return jnp.maximum(y, 0.0) if relu else y

    h = x_ref[...]
    for w, bb, g, be in ((w1, b1, g1, be1), (w2, b2, g2, be2),
                         (w3, b3, g3, be3)):
        z = jnp.dot(h, w[...], preferred_element_type=jnp.float32) + bb[...]
        h = bn(z, g, be)
    m, c = h.shape
    l3 = jnp.max(h.reshape(m // ns, ns, c), axis=1)
    l3_ref[...] = l3
    h = l3
    for w, bb, g, be in ((hw1, hb1, hg1, hbe1), (hw2, hb2, hg2, hbe2)):
        z = jnp.dot(h, w[...], preferred_element_type=jnp.float32) + bb[...]
        h = bn(z, g, be)
    o = jnp.dot(h, hw3[...], preferred_element_type=jnp.float32) + hb3[...]
    mx = jnp.max(o, axis=-1, keepdims=True)
    sh = o - mx
    o_ref[...] = sh - jnp.log(jnp.sum(jnp.exp(sh), axis=-1, keepdims=True))


def _sa3_head(xyz, feats, layers, params):
    b, n, _ = xyz.shape
    new_xyz = xyz[:, :1, :]
    grouped = jnp.concatenate([feats, xyz - new_xyz], axis=-1)
    x = grouped.reshape(b * n, -1)
    args = [x]
    for layer in layers:
        args += [layer['W'], layer['b'].reshape(1, -1),
                 layer['gamma'].reshape(1, -1), layer['beta'].reshape(1, -1)]
    for fc, bn_name in (('fc1', 'bn1'), ('fc2', 'bn2')):
        args += [params[fc]['W'], params[fc]['b'].reshape(1, -1),
                 params[bn_name]['gamma'].reshape(1, -1),
                 params[bn_name]['beta'].reshape(1, -1)]
    args += [params['fc3']['W'], params['fc3']['b'].reshape(1, -1)]
    c_last = layers[-1]['W'].shape[1]
    nc = params['fc3']['W'].shape[1]
    l3, logits = pl.pallas_call(
        partial(_sa3_head_body, n),
        grid=(1,),
        in_specs=[_full_spec(a) for a in args],
        out_specs=[pl.BlockSpec((b, c_last), lambda i: (0, 0)),
                   pl.BlockSpec((b, nc), lambda i: (0, 0))],
        out_shape=[jax.ShapeDtypeStruct((b, c_last), jnp.float32),
                   jax.ShapeDtypeStruct((b, nc), jnp.float32)],
    )(*args)
    return logits, l3.reshape(b, 1, c_last)


def kernel(xyz, features, params):
    l1_xyz, l1_points = _sa_msg(xyz, features, _CFG['sa1'], params['sa1'])
    l2_xyz, l2_points = _sa_msg(l1_xyz, l1_points, _CFG['sa2'], params['sa2'])
    logits, l3_points = _sa3_head(l2_xyz, l2_points, params['sa3'][0], params)
    return logits, l3_points

# --- scband reference (transcript-rebuilt; emitter-appended) ---
"""Pipeline reference for scband-point-net-ppclassification-17540646436965 (READ-ONLY COPY).

The authoritative reference and input builder live on the scoring server;
editing this copy changes nothing except your own understanding.
"""

import jax, jax.numpy as jnp
import numpy as np
import math

B = 8
N = 2048
FEAT_DIM = 3
NUM_CLASS = 40
CONFIG = {
    'sa1': {'ratio': 0.25, 'radius_list': [0.1, 0.2, 0.4], 'max_sample_list': [16, 32, 128],
            'mlp_list': [[32, 32, 64], [64, 64, 128], [64, 96, 128]]},
    'sa2': {'ratio': 0.25, 'radius_list': [0.2, 0.4, 0.8], 'max_sample_list': [32, 64, 128],
            'mlp_list': [[64, 64, 128], [128, 128, 256], [128, 128, 256]]},
    'sa3': {'ratio': 0.0078125, 'radius_list': [1000.0], 'max_sample_list': [128],
            'mlp_list': [[256, 512, 1024]]},
}


def _init_mlp(key, in_ch, chans):
    layers = []
    for oc in chans:
        key, k = jax.random.split(key)
        layers.append({'W': jax.random.normal(k, (in_ch, oc), jnp.float32) * (1.0 / math.sqrt(in_ch)),
                       'b': jnp.zeros((oc,), jnp.float32),
                       'gamma': jnp.ones((oc,), jnp.float32),
                       'beta': jnp.zeros((oc,), jnp.float32)})
        in_ch = oc
    return layers, key


def _lin(key, i, o):
    key, k = jax.random.split(key)
    return {'W': jax.random.normal(k, (i, o), jnp.float32) * (1.0 / math.sqrt(i)),
            'b': jnp.zeros((o,), jnp.float32)}, key


def _init_params(key):
    params = {}
    in_feat = FEAT_DIM
    for name in ['sa1', 'sa2', 'sa3']:
        cfg = CONFIG[name]
        scales = []
        out_total = 0
        for mlp in cfg['mlp_list']:
            layers, key = _init_mlp(key, in_feat + 3, mlp)
            scales.append(layers)
            out_total += mlp[-1]
        params[name] = scales
        in_feat = out_total
    params['fc1'], key = _lin(key, 1024, 512)
    params['bn1'] = {'gamma': jnp.ones((512,)), 'beta': jnp.zeros((512,))}
    params['fc2'], key = _lin(key, 512, 256)
    params['bn2'] = {'gamma': jnp.ones((256,)), 'beta': jnp.zeros((256,))}
    params['fc3'], key = _lin(key, 256, NUM_CLASS)
    return params


def setup_inputs(seed: int = 0):
    key = jax.random.key(seed)
    k1, k2, k3 = jax.random.split(key, 3)
    xyz = jax.random.uniform(k1, (B, N, 3), jnp.float32)
    features = jax.random.normal(k2, (B, N, FEAT_DIM), jnp.float32)
    params = _init_params(k3)
    return {'xyz': xyz, 'features': features, 'params': params}


def square_distance(src, dst):
    return (jnp.sum(src ** 2, -1, keepdims=True)
            - 2.0 * jnp.einsum('bmc,bnc->bmn', src, dst)
            + jnp.sum(dst ** 2, -1)[:, None, :])


def farthest_point_sample(xyz, npoint):
    xyz = jax.lax.stop_gradient(xyz)
    Bv, Nv, _ = xyz.shape

    def body(i, state):
        centroids, distance, farthest = state
        centroid = jnp.take_along_axis(xyz, farthest[:, None, None], axis=1)
        dist = jnp.sum((xyz - centroid) ** 2, -1)
        distance = jnp.minimum(distance, dist)
        centroids = centroids.at[:, i].set(farthest)
        farthest = jnp.argmax(distance, axis=-1).astype(jnp.int32)
        return centroids, distance, farthest

    centroids = jnp.zeros((Bv, npoint), jnp.int32)
    distance = jnp.full((Bv, Nv), 1e10, jnp.float32)
    farthest = jnp.zeros((Bv,), jnp.int32)
    centroids, _, _ = jax.lax.fori_loop(0, npoint, body, (centroids, distance, farthest))
    return centroids


def index_points(points, idx):
    Bv = points.shape[0]
    idx_shape = idx.shape
    flat = idx.reshape(Bv, -1)
    out = jnp.take_along_axis(points, flat[..., None], axis=1)
    return out.reshape(*idx_shape, points.shape[-1])


def query_ball_point(radius, nsample, xyz, new_xyz):
    Bv, Nv, _ = xyz.shape
    S = new_xyz.shape[1]
    sqrdists = square_distance(jax.lax.stop_gradient(new_xyz), jax.lax.stop_gradient(xyz))
    group_idx = jnp.broadcast_to(jnp.arange(Nv, dtype=jnp.int32), (Bv, S, Nv))
    group_idx = jnp.where(sqrdists > radius ** 2, Nv, group_idx)
    group_idx = jnp.sort(group_idx, axis=-1)[:, :, :nsample]
    group_first = group_idx[:, :, 0:1]
    group_first = jnp.where(group_first == Nv, 0, group_first)
    group_idx = jnp.where(group_idx == Nv, jnp.broadcast_to(group_first, group_idx.shape), group_idx)
    return group_idx


def batch_norm(x, gamma, beta, axes):
    mean = jnp.mean(x, axis=axes, keepdims=True)
    var = jnp.var(x, axis=axes, keepdims=True)
    return (x - mean) / jnp.sqrt(var + 1e-5) * gamma + beta


def set_abstraction_msg(xyz, features, cfg, scale_params):
    Bv, Nv, _ = xyz.shape
    S = int(round(cfg['ratio'] * Nv))
    fps_idx = farthest_point_sample(xyz, S)
    new_xyz = index_points(xyz, fps_idx)
    outs = []
    for radius, nsample, layers in zip(cfg['radius_list'], cfg['max_sample_list'], scale_params):
        idx = query_ball_point(radius, nsample, xyz, new_xyz)
        grouped_xyz = index_points(xyz, idx) - new_xyz[:, :, None, :]
        grouped = jnp.concatenate([index_points(features, idx), grouped_xyz], axis=-1)
        x = grouped
        for layer in layers:
            x = x @ layer['W'] + layer['b']
            x = batch_norm(x, layer['gamma'], layer['beta'], (0, 1, 2))
            x = jax.nn.relu(x)
        outs.append(jnp.max(x, axis=2))
    return new_xyz, jnp.concatenate(outs, axis=-1)


def reference(xyz, features, params):
    l1_xyz, l1_points = set_abstraction_msg(xyz, features, CONFIG['sa1'], params['sa1'])
    l2_xyz, l2_points = set_abstraction_msg(l1_xyz, l1_points, CONFIG['sa2'], params['sa2'])
    l3_xyz, l3_points = set_abstraction_msg(l2_xyz, l2_points, CONFIG['sa3'], params['sa3'])
    Bv = xyz.shape[0]
    x = l3_points.reshape(Bv, 1024)
    x = jax.nn.relu(batch_norm(x @ params['fc1']['W'] + params['fc1']['b'],
                               params['bn1']['gamma'], params['bn1']['beta'], (0,)))
    x = jax.nn.relu(batch_norm(x @ params['fc2']['W'] + params['fc2']['b'],
                               params['bn2']['gamma'], params['bn2']['beta'], (0,)))
    x = x @ params['fc3']['W'] + params['fc3']['b']
    x = jax.nn.log_softmax(x, axis=-1)
    return (x, l3_points)

if __name__ == "__main__":
    import jax
    _d = setup_inputs()
    print(jax.jit(kernel)(*tuple(_d.values())))

</pallas_src>

<mosaic_0001>
module attributes {stable_mosaic.version = 14 : i64} {
  func.func @_fps_body(%arg0: i32, %arg1: memref<3x2048x8xf32, #tpu.memory_space<vmem>>, %arg2: memref<512x8xi32, #tpu.memory_space<vmem>>, %arg3: memref<2048x8xf32, #tpu.memory_space<vmem>>) attributes {dimension_semantics = [#tpu.dimension_semantics<arbitrary>], iteration_bounds = array<i64: 1>, scalar_prefetch = 0 : i64, scratch_operands = 1 : i64, tpu.core_type = #tpu.core_type<tc>, window_params = [{pipeline_mode = #tpu.pipeline_mode<synchronous>, transform_indices = @transform_0, window_bounds = array<i64: 3, 2048, 8>}, {pipeline_mode = #tpu.pipeline_mode<synchronous>, transform_indices = @transform_1, window_bounds = array<i64: 512, 8>}]} {
    %get3A = arith.constant 0 : index
    %get3A_0 = arith.constant 0 : index
    %get3A_1 = arith.constant 0 : index
    %get3A_2 = vector.load %arg1[%get3A, %get3A_0, %get3A_1] : memref<3x2048x8xf32, #tpu.memory_space<vmem>>, vector<1x2048x8xf32>
    %get3A_3 = vector.shape_cast %get3A_2 : vector<1x2048x8xf32> to vector<2048x8xf32>
    %get3A_4 = arith.constant 1 : index
    %get3A_5 = arith.constant 0 : index
    %get3A_6 = arith.constant 0 : index
    %get3A_7 = vector.load %arg1[%get3A_4, %get3A_5, %get3A_6] : memref<3x2048x8xf32, #tpu.memory_space<vmem>>, vector<1x2048x8xf32>
    %get3A_8 = vector.shape_cast %get3A_7 : vector<1x2048x8xf32> to vector<2048x8xf32>
    %get3A_9 = arith.constant 2 : index
    %get3A_10 = arith.constant 0 : index
    %get3A_11 = arith.constant 0 : index
    %get3A_12 = vector.load %arg1[%get3A_9, %get3A_10, %get3A_11] : memref<3x2048x8xf32, #tpu.memory_space<vmem>>, vector<1x2048x8xf32>
    %get3A_13 = vector.shape_cast %get3A_12 : vector<1x2048x8xf32> to vector<2048x8xf32>
    %broadcast_in_dim3A = arith.constant 1.000000e+10 : f32
    %broadcast_in_dim3A_14 = vector.broadcast %broadcast_in_dim3A : f32 to vector<2048x8xf32>
    %swap3A = arith.constant 0 : index
    %swap3A_15 = arith.constant 0 : index
    %swap3A_16 = vector.load %arg3[%swap3A, %swap3A_15] : memref<2048x8xf32, #tpu.memory_space<vmem>>, vector<2048x8xf32>
    tpu.vector_store %arg3[%swap3A, %swap3A_15], %broadcast_in_dim3A_14 {strides = array<i32>} : memref<2048x8xf32, #tpu.memory_space<vmem>>, vector<2048x8xf32>,
    %iota3A = tpu.iota {dimensions = array<i32: 0>} : vector<2048x8xi32>
    %broadcast_in_dim3A_17 = arith.constant 0 : i32
    %broadcast_in_dim3A_18 = vector.broadcast %broadcast_in_dim3A_17 : i32 to vector<1x8xi32>
    %scan3A = arith.constant 0 : i32
    %scan3A_19 = arith.constant 512 : i32
    %scan3A_20 = arith.addi %scan3A, %scan3A_19 : i32
    %scan3A_21 = arith.constant 1 : i32
    %scan3A_22 = scf.for %scan3A_24 = %scan3A to %scan3A_20 step %scan3A_21 iter_args(%scan3A_25 = %broadcast_in_dim3A_18) -> (vector<1x8xi32>)  : i32 {
      %eq3A = vector.broadcast %scan3A_25 : vector<1x8xi32> to vector<2048x8xi32>
      %eq3A_26 = arith.cmpi eq, %iota3A, %eq3A : vector<2048x8xi32>
      %jit3A = arith.constant 0.000000e+00 : f32
      %broadcast_in_dim3A_27 = vector.broadcast %jit3A : f32 to vector<2048x8xf32>
      %select_n3A = arith.select %eq3A_26, %get3A_3, %broadcast_in_dim3A_27 : vector<2048x8xi1>, vector<2048x8xf32>
      %reduce_sum3A = arith.constant dense<0.000000e+00> : vector<8xf32>
      %reduce_sum3A_28 = vector.multi_reduction <add>, %select_n3A, %reduce_sum3A [0] : vector<2048x8xf32> to vector<8xf32>
      %broadcast_in_dim3A_29 = vector.shape_cast %reduce_sum3A_28 : vector<8xf32> to vector<1x8xf32>
      %jit3A_30 = arith.constant 0.000000e+00 : f32
      %broadcast_in_dim3A_31 = vector.broadcast %jit3A_30 : f32 to vector<2048x8xf32>
      %select_n3A_32 = arith.select %eq3A_26, %get3A_8, %broadcast_in_dim3A_31 : vector<2048x8xi1>, vector<2048x8xf32>
      %reduce_sum3A_33 = arith.constant dense<0.000000e+00> : vector<8xf32>
      %reduce_sum3A_34 = vector.multi_reduction <add>, %select_n3A_32, %reduce_sum3A_33 [0] : vector<2048x8xf32> to vector<8xf32>
      %broadcast_in_dim3A_35 = vector.shape_cast %reduce_sum3A_34 : vector<8xf32> to vector<1x8xf32>
      %jit3A_36 = arith.constant 0.000000e+00 : f32
      %broadcast_in_dim3A_37 = vector.broadcast %jit3A_36 : f32 to vector<2048x8xf32>
      %select_n3A_38 = arith.select %eq3A_26, %get3A_13, %broadcast_in_dim3A_37 : vector<2048x8xi1>, vector<2048x8xf32>
      %reduce_sum3A_39 = arith.constant dense<0.000000e+00> : vector<8xf32>
      %reduce_sum3A_40 = vector.multi_reduction <add>, %select_n3A_38, %reduce_sum3A_39 [0] : vector<2048x8xf32> to vector<8xf32>
      %broadcast_in_dim3A_41 = vector.shape_cast %reduce_sum3A_40 : vector<8xf32> to vector<1x8xf32>
      %sub3A = vector.broadcast %broadcast_in_dim3A_29 : vector<1x8xf32> to vector<2048x8xf32>
      %sub3A_42 = arith.subf %get3A_3, %sub3A : vector<2048x8xf32>
      %integer_pow3A = arith.mulf %sub3A_42, %sub3A_42 : vector<2048x8xf32>
      %sub3A_43 = vector.broadcast %broadcast_in_dim3A_35 : vector<1x8xf32> to vector<2048x8xf32>
      %sub3A_44 = arith.subf %get3A_8, %sub3A_43 : vector<2048x8xf32>
      %integer_pow3A_45 = arith.mulf %sub3A_44, %sub3A_44 : vector<2048x8xf32>
      %add3A = arith.addf %integer_pow3A, %integer_pow3A_45 : vector<2048x8xf32>
      %sub3A_46 = vector.broadcast %broadcast_in_dim3A_41 : vector<1x8xf32> to vector<2048x8xf32>
      %sub3A_47 = arith.subf %get3A_13, %sub3A_46 : vector<2048x8xf32>
      %integer_pow3A_48 = arith.mulf %sub3A_47, %sub3A_47 : vector<2048x8xf32>
      %add3A_49 = arith.addf %add3A, %integer_pow3A_48 : vector<2048x8xf32>
      %get3A_50 = arith.constant 0 : index
      %get3A_51 = arith.constant 0 : index
      %get3A_52 = vector.load %arg3[%get3A_50, %get3A_51] : memref<2048x8xf32, #tpu.memory_space<vmem>>, vector<2048x8xf32>
      %min3A = arith.minimumf %get3A_52, %add3A_49 : vector<2048x8xf32>
      %swap3A_53 = arith.constant 0 : index
      %swap3A_54 = arith.constant 0 : index
      %swap3A_55 = vector.load %arg3[%swap3A_53, %swap3A_54] : memref<2048x8xf32, #tpu.memory_space<vmem>>, vector<2048x8xf32>
      tpu.vector_store %arg3[%swap3A_53, %swap3A_54], %min3A {strides = array<i32>} : memref<2048x8xf32, #tpu.memory_space<vmem>>, vector<2048x8xf32>,
      %swap3A_56 = arith.index_cast %scan3A_24 : i32 to index
      %swap3A_57 = arith.constant 0 : index
      %swap3A_58 = vector.load %arg2[%swap3A_56, %swap3A_57] : memref<512x8xi32, #tpu.memory_space<vmem>>, vector<1x8xi32>
      tpu.vector_store %arg2[%swap3A_56, %swap3A_57], %scan3A_25 {strides = array<i32>} : memref<512x8xi32, #tpu.memory_space<vmem>>, vector<1x8xi32>,
      %reduce_max3A = arith.constant dense<0xFF800000> : vector<8xf32>
      %reduce_max3A_59 = vector.multi_reduction <maximumf>, %min3A, %reduce_max3A [0] : vector<2048x8xf32> to vector<8xf32>
      %broadcast_in_dim3A_60 = vector.shape_cast %reduce_max3A_59 : vector<8xf32> to vector<1x8xf32>
      %ge3A = vector.broadcast %broadcast_in_dim3A_60 : vector<1x8xf32> to vector<2048x8xf32>
      %ge3A_61 = arith.cmpf oge, %min3A, %ge3A : vector<2048x8xf32>
      %jit3A_62 = arith.constant 2048 : i32
      %broadcast_in_dim3A_63 = vector.broadcast %jit3A_62 : i32 to vector<2048x8xi32>
      %select_n3A_64 = arith.select %ge3A_61, %iota3A, %broadcast_in_dim3A_63 : vector<2048x8xi1>, vector<2048x8xi32>
      %reduce_min3A = arith.constant dense<2147483647> : vector<8xi32>
      %reduce_min3A_65 = vector.multi_reduction <minsi>, %select_n3A_64, %reduce_min3A [0] : vector<2048x8xi32> to vector<8xi32>
      %broadcast_in_dim3A_66 = vector.shape_cast %reduce_min3A_65 : vector<8xi32> to vector<1x8xi32>
      scf.yield %broadcast_in_dim3A_66 : vector<1x8xi32>
    }
    %scan3A_23 = arith.constant 512 : i32
    return
  }
  func.func @transform_0(%arg0: i32) -> (i32, i32, i32) {
    %c0_i32 = arith.constant 0 : i32
    %c0_i32_0 = arith.constant 0 : i32
    %c0_i32_1 = arith.constant 0 : i32
    %c0_i32_2 = arith.constant 0 : i32
    return %c0_i32, %c0_i32_0, %c0_i32_1 : i32, i32, i32
  }
  func.func @transform_1(%arg0: i32) -> (i32, i32) {
    %c0_i32 = arith.constant 0 : i32
    %c0_i32_0 = arith.constant 0 : i32
    %c0_i32_1 = arith.constant 0 : i32
    return %c0_i32, %c0_i32_0 : i32, i32
  }
}

module attributes {stable_mosaic.version = 14 : i64} {
  func.func @_fps_body(%arg0: i32, %arg1: memref<3x512x8xf32, #tpu.memory_space<vmem>>, %arg2: memref<128x8xi32, #tpu.memory_space<vmem>>, %arg3: memref<512x8xf32, #tpu.memory_space<vmem>>) attributes {dimension_semantics = [#tpu.dimension_semantics<arbitrary>], iteration_bounds = array<i64: 1>, scalar_prefetch = 0 : i64, scratch_operands = 1 : i64, tpu.core_type = #tpu.core_type<tc>, window_params = [{pipeline_mode = #tpu.pipeline_mode<synchronous>, transform_indices = @transform_0, window_bounds = array<i64: 3, 512, 8>}, {pipeline_mode = #tpu.pipeline_mode<synchronous>, transform_indices = @transform_1, window_bounds = array<i64: 128, 8>}]} {
    %get3A = arith.constant 0 : index
    %get3A_0 = arith.constant 0 : index
    %get3A_1 = arith.constant 0 : index
    %get3A_2 = vector.load %arg1[%get3A, %get3A_0, %get3A_1] : memref<3x512x8xf32, #tpu.memory_space<vmem>>, vector<1x512x8xf32>
    %get3A_3 = vector.shape_cast %get3A_2 : vector<1x512x8xf32> to vector<512x8xf32>
    %get3A_4 = arith.constant 1 : index
    %get3A_5 = arith.constant 0 : index
    %get3A_6 = arith.constant 0 : index
    %get3A_7 = vector.load %arg1[%get3A_4, %get3A_5, %get3A_6] : memref<3x512x8xf32, #tpu.memory_space<vmem>>, vector<1x512x8xf32>
    %get3A_8 = vector.shape_cast %get3A_7 : vector<1x512x8xf32> to vector<512x8xf32>
    %get3A_9 = arith.constant 2 : index
    %get3A_10 = arith.constant 0 : index
    %get3A_11 = arith.constant 0 : index
    %get3A_12 = vector.load %arg1[%get3A_9, %get3A_10, %get3A_11] : memref<3x512x8xf32, #tpu.memory_space<vmem>>, vector<1x512x8xf32>
    %get3A_13 = vector.shape_cast %get3A_12 : vector<1x512x8xf32> to vector<512x8xf32>
    %broadcast_in_dim3A = arith.constant 1.000000e+10 : f32
    %broadcast_in_dim3A_14 = vector.broadcast %broadcast_in_dim3A : f32 to vector<512x8xf32>
    %swap3A = arith.constant 0 : index
    %swap3A_15 = arith.constant 0 : index
    %swap3A_16 = vector.load %arg3[%swap3A, %swap3A_15] : memref<512x8xf32, #tpu.memory_space<vmem>>, vector<512x8xf32>
    tpu.vector_store %arg3[%swap3A, %swap3A_15], %broadcast_in_dim3A_14 {strides = array<i32>} : memref<512x8xf32, #tpu.memory_space<vmem>>, vector<512x8xf32>,
    %iota3A = tpu.iota {dimensions = array<i32: 0>} : vector<512x8xi32>
    %broadcast_in_dim3A_17 = arith.constant 0 : i32
    %broadcast_in_dim3A_18 = vector.broadcast %broadcast_in_dim3A_17 : i32 to vector<1x8xi32>
    %scan3A = arith.constant 0 : i32
    %scan3A_19 = arith.constant 128 : i32
    %scan3A_20 = arith.addi %scan3A, %scan3A_19 : i32
    %scan3A_21 = arith.constant 1 : i32
    %scan3A_22 = scf.for %scan3A_24 = %scan3A to %scan3A_20 step %scan3A_21 iter_args(%scan3A_25 = %broadcast_in_dim3A_18) -> (vector<1x8xi32>)  : i32 {
      %eq3A = vector.broadcast %scan3A_25 : vector<1x8xi32> to vector<512x8xi32>
      %eq3A_26 = arith.cmpi eq, %iota3A, %eq3A : vector<512x8xi32>
      %jit3A = arith.constant 0.000000e+00 : f32
      %broadcast_in_dim3A_27 = vector.broadcast %jit3A : f32 to vector<512x8xf32>
      %select_n3A = arith.select %eq3A_26, %get3A_3, %broadcast_in_dim3A_27 : vector<512x8xi1>, vector<512x8xf32>
      %reduce_sum3A = arith.constant dense<0.000000e+00> : vector<8xf32>
      %reduce_sum3A_28 = vector.multi_reduction <add>, %select_n3A, %reduce_sum3A [0] : vector<512x8xf32> to vector<8xf32>
      %broadcast_in_dim3A_29 = vector.shape_cast %reduce_sum3A_28 : vector<8xf32> to vector<1x8xf32>
      %jit3A_30 = arith.constant 0.000000e+00 : f32
      %broadcast_in_dim3A_31 = vector.broadcast %jit3A_30 : f32 to vector<512x8xf32>
      %select_n3A_32 = arith.select %eq3A_26, %get3A_8, %broadcast_in_dim3A_31 : vector<512x8xi1>, vector<512x8xf32>
      %reduce_sum3A_33 = arith.constant dense<0.000000e+00> : vector<8xf32>
      %reduce_sum3A_34 = vector.multi_reduction <add>, %select_n3A_32, %reduce_sum3A_33 [0] : vector<512x8xf32> to vector<8xf32>
      %broadcast_in_dim3A_35 = vector.shape_cast %reduce_sum3A_34 : vector<8xf32> to vector<1x8xf32>
      %jit3A_36 = arith.constant 0.000000e+00 : f32
      %broadcast_in_dim3A_37 = vector.broadcast %jit3A_36 : f32 to vector<512x8xf32>
      %select_n3A_38 = arith.select %eq3A_26, %get3A_13, %broadcast_in_dim3A_37 : vector<512x8xi1>, vector<512x8xf32>
      %reduce_sum3A_39 = arith.constant dense<0.000000e+00> : vector<8xf32>
      %reduce_sum3A_40 = vector.multi_reduction <add>, %select_n3A_38, %reduce_sum3A_39 [0] : vector<512x8xf32> to vector<8xf32>
      %broadcast_in_dim3A_41 = vector.shape_cast %reduce_sum3A_40 : vector<8xf32> to vector<1x8xf32>
      %sub3A = vector.broadcast %broadcast_in_dim3A_29 : vector<1x8xf32> to vector<512x8xf32>
      %sub3A_42 = arith.subf %get3A_3, %sub3A : vector<512x8xf32>
      %integer_pow3A = arith.mulf %sub3A_42, %sub3A_42 : vector<512x8xf32>
      %sub3A_43 = vector.broadcast %broadcast_in_dim3A_35 : vector<1x8xf32> to vector<512x8xf32>
      %sub3A_44 = arith.subf %get3A_8, %sub3A_43 : vector<512x8xf32>
      %integer_pow3A_45 = arith.mulf %sub3A_44, %sub3A_44 : vector<512x8xf32>
      %add3A = arith.addf %integer_pow3A, %integer_pow3A_45 : vector<512x8xf32>
      %sub3A_46 = vector.broadcast %broadcast_in_dim3A_41 : vector<1x8xf32> to vector<512x8xf32>
      %sub3A_47 = arith.subf %get3A_13, %sub3A_46 : vector<512x8xf32>
      %integer_pow3A_48 = arith.mulf %sub3A_47, %sub3A_47 : vector<512x8xf32>
      %add3A_49 = arith.addf %add3A, %integer_pow3A_48 : vector<512x8xf32>
      %get3A_50 = arith.constant 0 : index
      %get3A_51 = arith.constant 0 : index
      %get3A_52 = vector.load %arg3[%get3A_50, %get3A_51] : memref<512x8xf32, #tpu.memory_space<vmem>>, vector<512x8xf32>
      %min3A = arith.minimumf %get3A_52, %add3A_49 : vector<512x8xf32>
      %swap3A_53 = arith.constant 0 : index
      %swap3A_54 = arith.constant 0 : index
      %swap3A_55 = vector.load %arg3[%swap3A_53, %swap3A_54] : memref<512x8xf32, #tpu.memory_space<vmem>>, vector<512x8xf32>
      tpu.vector_store %arg3[%swap3A_53, %swap3A_54], %min3A {strides = array<i32>} : memref<512x8xf32, #tpu.memory_space<vmem>>, vector<512x8xf32>,
      %swap3A_56 = arith.index_cast %scan3A_24 : i32 to index
      %swap3A_57 = arith.constant 0 : index
      %swap3A_58 = vector.load %arg2[%swap3A_56, %swap3A_57] : memref<128x8xi32, #tpu.memory_space<vmem>>, vector<1x8xi32>
      tpu.vector_store %arg2[%swap3A_56, %swap3A_57], %scan3A_25 {strides = array<i32>} : memref<128x8xi32, #tpu.memory_space<vmem>>, vector<1x8xi32>,
      %reduce_max3A = arith.constant dense<0xFF800000> : vector<8xf32>
      %reduce_max3A_59 = vector.multi_reduction <maximumf>, %min3A, %reduce_max3A [0] : vector<512x8xf32> to vector<8xf32>
      %broadcast_in_dim3A_60 = vector.shape_cast %reduce_max3A_59 : vector<8xf32> to vector<1x8xf32>
      %ge3A = vector.broadcast %broadcast_in_dim3A_60 : vector<1x8xf32> to vector<512x8xf32>
      %ge3A_61 = arith.cmpf oge, %min3A, %ge3A : vector<512x8xf32>
      %jit3A_62 = arith.constant 512 : i32
      %broadcast_in_dim3A_63 = vector.broadcast %jit3A_62 : i32 to vector<512x8xi32>
      %select_n3A_64 = arith.select %ge3A_61, %iota3A, %broadcast_in_dim3A_63 : vector<512x8xi1>, vector<512x8xi32>
      %reduce_min3A = arith.constant dense<2147483647> : vector<8xi32>
      %reduce_min3A_65 = vector.multi_reduction <minsi>, %select_n3A_64, %reduce_min3A [0] : vector<512x8xi32> to vector<8xi32>
      %broadcast_in_dim3A_66 = vector.shape_cast %reduce_min3A_65 : vector<8xi32> to vector<1x8xi32>
      scf.yield %broadcast_in_dim3A_66 : vector<1x8xi32>
    }
    %scan3A_23 = arith.constant 128 : i32
    return
  }
  func.func @transform_0(%arg0: i32) -> (i32, i32, i32) {
    %c0_i32 = arith.constant 0 : i32
    %c0_i32_0 = arith.constant 0 : i32
    %c0_i32_1 = arith.constant 0 : i32
    %c0_i32_2 = arith.constant 0 : i32
    return %c0_i32, %c0_i32_0, %c0_i32_1 : i32, i32, i32
  }
  func.func @transform_1(%arg0: i32) -> (i32, i32) {
    %c0_i32 = arith.constant 0 : i32
    %c0_i32_0 = arith.constant 0 : i32
    %c0_i32_1 = arith.constant 0 : i32
    return %c0_i32, %c0_i32_0 : i32, i32
  }
}

module attributes {stable_mosaic.version = 14 : i64} {
  func.func @_chain_stats_body(%arg0: i32, %arg1: memref<4096x6xf32, #tpu.memory_space<vmem>>, %arg2: memref<6x32xf32, #tpu.memory_space<vmem>>, %arg3: memref<1x32xf32, #tpu.memory_space<vmem>>, %arg4: memref<1x8x32xf32, #tpu.memory_space<vmem>>, %arg5: memref<1x8x32xf32, #tpu.memory_space<vmem>>) attributes {dimension_semantics = [#tpu.dimension_semantics<arbitrary>], iteration_bounds = array<i64: 16>, scalar_prefetch = 0 : i64, scratch_operands = 0 : i64, tpu.core_type = #tpu.core_type<tc>, window_params = [{transform_indices = @transform_0, window_bounds = array<i64: 4096, 6>}, {pipeline_mode = #tpu.pipeline_mode<synchronous>, transform_indices = @transform_1, window_bounds = array<i64: 6, 32>}, {pipeline_mode = #tpu.pipeline_mode<synchronous>, transform_indices = @transform_2, window_bounds = array<i64: 1, 32>}, {transform_indices = @transform_3, window_bounds = array<i64: 1, 8, 32>}, {transform_indices = @transform_4, window_bounds = array<i64: 1, 8, 32>}]} {
    %get3A = arith.constant 0 : index
    %get3A_0 = arith.constant 0 : index
    %get3A_1 = vector.load %arg1[%get3A, %get3A_0] : memref<4096x6xf32, #tpu.memory_space<vmem>>, vector<4096x6xf32>
    %get3A_2 = arith.constant 0 : index
    %get3A_3 = arith.constant 0 : index
    %get3A_4 = vector.load %arg2[%get3A_2, %get3A_3] : memref<6x32xf32, #tpu.memory_space<vmem>>, vector<6x32xf32>
    %dot_general3A = arith.constant dense<0.000000e+00> : vector<4096x32xf32>
    %dot_general3A_5 = tpu.matmul %get3A_1, %get3A_4, %dot_general3A {dimension_numbers = #tpu.dot_dimension_numbers<[1], [0], [0], [1], [0, 0, 1, 1], [], []>, transpose_lhs_hint = false} : vector<4096x6xf32>, vector<6x32xf32>, vector<4096x32xf32> -> vector<4096x32xf32>
    %get3A_6 = arith.constant 0 : index
    %get3A_7 = arith.constant 0 : index
    %get3A_8 = vector.load %arg3[%get3A_6, %get3A_7] : memref<1x32xf32, #tpu.memory_space<vmem>>, vector<1x32xf32>
    %add3A = vector.broadcast %get3A_8 : vector<1x32xf32> to vector<4096x32xf32>
    %add3A_9 = arith.addf %dot_general3A_5, %add3A : vector<4096x32xf32>
    %reduce_sum3A = arith.constant dense<0.000000e+00> : vector<32xf32>
    %reduce_sum3A_10 = vector.multi_reduction <add>, %add3A_9, %reduce_sum3A [0] : vector<4096x32xf32> to vector<32xf32>
    %broadcast_in_dim3A = vector.shape_cast %reduce_sum3A_10 : vector<32xf32> to vector<1x32xf32>
    %broadcast_in_dim3A_11 = vector.shape_cast %broadcast_in_dim3A : vector<1x32xf32> to vector<1x32xf32>
    %broadcast_in_dim3A_12 = vector.broadcast %broadcast_in_dim3A_11 : vector<1x32xf32> to vector<8x32xf32>
    %swap3A = arith.constant 0 : index
    %swap3A_13 = arith.constant 0 : index
    %swap3A_14 = arith.constant 0 : index
    %swap3A_15 = vector.load %arg4[%swap3A, %swap3A_13, %swap3A_14] : memref<1x8x32xf32, #tpu.memory_space<vmem>>, vector<1x8x32xf32>
    %swap3A_16 = vector.shape_cast %swap3A_15 : vector<1x8x32xf32> to vector<8x32xf32>
    %swap3A_17 = vector.shape_cast %broadcast_in_dim3A_12 : vector<8x32xf32> to vector<1x8x32xf32>
    tpu.vector_store %arg4[%swap3A, %swap3A_13, %swap3A_14], %swap3A_17 {strides = array<i32>} : memref<1x8x32xf32, #tpu.memory_space<vmem>>, vector<1x8x32xf32>,
    %mul3A = arith.mulf %add3A_9, %add3A_9 : vector<4096x32xf32>
    %reduce_sum3A_18 = arith.constant dense<0.000000e+00> : vector<32xf32>
    %reduce_sum3A_19 = vector.multi_reduction <add>, %mul3A, %reduce_sum3A_18 [0] : vector<4096x32xf32> to vector<32xf32>
    %broadcast_in_dim3A_20 = vector.shape_cast %reduce_sum3A_19 : vector<32xf32> to vector<1x32xf32>
    %broadcast_in_dim3A_21 = vector.shape_cast %broadcast_in_dim3A_20 : vector<1x32xf32> to vector<1x32xf32>
    %broadcast_in_dim3A_22 = vector.broadcast %broadcast_in_dim3A_21 : vector<1x32xf32> to vector<8x32xf32>
    %swap3A_23 = arith.constant 0 : index
    %swap3A_24 = arith.constant 0 : index
    %swap3A_25 = arith.constant 0 : index
    %swap3A_26 = vector.load %arg5[%swap3A_23, %swap3A_24, %swap3A_25] : memref<1x8x32xf32, #tpu.memory_space<vmem>>, vector<1x8x32xf32>
    %swap3A_27 = vector.shape_cast %swap3A_26 : vector<1x8x32xf32> to vector<8x32xf32>
    %swap3A_28 = vector.shape_cast %broadcast_in_dim3A_22 : vector<8x32xf32> to vector<1x8x32xf32>
    tpu.vector_store %arg5[%swap3A_23, %swap3A_24, %swap3A_25], %swap3A_28 {strides = array<i32>} : memref<1x8x32xf32, #tpu.memory_space<vmem>>, vector<1x8x32xf32>,
    return
  }
  func.func @transform_0(%arg0: i32) -> (i32, i32) {
    %c0_i32 = arith.constant 0 : i32
    %c0_i32_0 = arith.constant 0 : i32
    return %arg0, %c0_i32 : i32, i32
  }
  func.func @transform_1(%arg0: i32) -> (i32, i32) {
    %c0_i32 = arith.constant 0 : i32
    %c0_i32_0 = arith.constant 0 : i32
    %c0_i32_1 = arith.constant 0 : i32
    return %c0_i32, %c0_i32_0 : i32, i32
  }
  func.func @transform_2(%arg0: i32) -> (i32, i32) {
    %c0_i32 = arith.constant 0 : i32
    %c0_i32_0 = arith.constant 0 : i32
    %c0_i32_1 = arith.constant 0 : i32
    return %c0_i32, %c0_i32_0 : i32, i32
  }
  func.func @transform_3(%arg0: i32) -> (i32, i32, i32) {
    %c0_i32 = arith.constant 0 : i32
    %c0_i32_0 = arith.constant 0 : i32
    %c0_i32_1 = arith.constant 0 : i32
    return %arg0, %c0_i32, %c0_i32_0 : i32, i32, i32
  }
  func.func @transform_4(%arg0: i32) -> (i32, i32, i32) {
    %c0_i32 = arith.constant 0 : i32
    %c0_i32_0 = arith.constant 0 : i32
    %c0_i32_1 = arith.constant 0 : i32
    return %arg0, %c0_i32, %c0_i32_0 : i32, i32, i32
  }
}

module attributes {stable_mosaic.version = 14 : i64} {
  func.func @_chain_stats_body(%arg0: i32, %arg1: memref<4096x6xf32, #tpu.memory_space<vmem>>, %arg2: memref<6x32xf32, #tpu.memory_space<vmem>>, %arg3: memref<1x32xf32, #tpu.memory_space<vmem>>, %arg4: memref<32x32xf32, #tpu.memory_space<vmem>>, %arg5: memref<1x32xf32, #tpu.memory_space<vmem>>, %arg6: memref<1x32xf32, #tpu.memory_space<vmem>>, %arg7: memref<1x32xf32, #tpu.memory_space<vmem>>, %arg8: memref<1x8x32xf32, #tpu.memory_space<vmem>>, %arg9: memref<1x8x32xf32, #tpu.memory_space<vmem>>) attributes {dimension_semantics = [#tpu.dimension_semantics<arbitrary>], iteration_bounds = array<i64: 16>, scalar_prefetch = 0 : i64, scratch_operands = 0 : i64, tpu.core_type = #tpu.core_type<tc>, window_params = [{transform_indices = @transform_0, window_bounds = array<i64: 4096, 6>}, {pipeline_mode = #tpu.pipeline_mode<synchronous>, transform_indices = @transform_1, window_bounds = array<i64: 6, 32>}, {pipeline_mode = #tpu.pipeline_mode<synchronous>, transform_indices = @transform_2, window_bounds = array<i64: 1, 32>}, {pipeline_mode = #tpu.pipeline_mode<synchronous>, transform_indices = @transform_3, window_bounds = array<i64: 32, 32>}, {pipeline_mode = #tpu.pipeline_mode<synchronous>, transform_indices = @transform_4, window_bounds = array<i64: 1, 32>}, {pipeline_mode = #tpu.pipeline_mode<synchronous>, transform_indices = @transform_5, window_bounds = array<i64: 1, 32>}, {pipeline_mode = #tpu.pipeline_mode<synchronous>, transform_indices = @transform_6, window_bounds = array<i64: 1, 32>}, {transform_indices = @transform_7, window_bounds = array<i64: 1, 8, 32>}, {transform_indices = @transform_8, window_bounds = array<i64: 1, 8, 32>}]} {
    %get3A = arith.constant 0 : index
    %get3A_0 = arith.constant 0 : index
    %get3A_1 = vector.load %arg1[%get3A, %get3A_0] : memref<4096x6xf32, #tpu.memory_space<vmem>>, vector<4096x6xf32>
    %get3A_2 = arith.constant 0 : index
    %get3A_3 = arith.constant 0 : index
    %get3A_4 = vector.load %arg2[%get3A_2, %get3A_3] : memref<6x32xf32, #tpu.memory_space<vmem>>, vector<6x32xf32>
    %dot_general3A = arith.constant dense<0.000000e+00> : vector<4096x32xf32>
    %dot_general3A_5 = tpu.matmul %get3A_1, %get3A_4, %dot_general3A {dimension_numbers = #tpu.dot_dimension_numbers<[1], [0], [0], [1], [0, 0, 1, 1], [], []>, transpose_lhs_hint = false} : vector<4096x6xf32>, vector<6x32xf32>, vector<4096x32xf32> -> vector<4096x32xf32>
    %get3A_6 = arith.constant 0 : index
    %get3A_7 = arith.constant 0 : index
    %get3A_8 = vector.load %arg3[%get3A_6, %get3A_7] : memref<1x32xf32, #tpu.memory_space<vmem>>, vector<1x32xf32>
    %add3A = vector.broadcast %get3A_8 : vector<1x32xf32> to vector<4096x32xf32>
    %add3A_9 = arith.addf %dot_general3A_5, %add3A : vector<4096x32xf32>
    %get3A_10 = arith.constant 0 : index
    %get3A_11 = arith.constant 0 : index
    %get3A_12 = vector.load %arg6[%get3A_10, %get3A_11] : memref<1x32xf32, #tpu.memory_space<vmem>>, vector<1x32xf32>
    %mul3A = vector.broadcast %get3A_12 : vector<1x32xf32> to vector<4096x32xf32>
    %mul3A_13 = arith.mulf %add3A_9, %mul3A : vector<4096x32xf32>
    %get3A_14 = arith.constant 0 : index
    %get3A_15 = arith.constant 0 : index
    %get3A_16 = vector.load %arg7[%get3A_14, %get3A_15] : memref<1x32xf32, #tpu.memory_space<vmem>>, vector<1x32xf32>
    %add3A_17 = vector.broadcast %get3A_16 : vector<1x32xf32> to vector<4096x32xf32>
    %add3A_18 = arith.addf %mul3A_13, %add3A_17 : vector<4096x32xf32>
    %max3A = arith.constant 0.000000e+00 : f32
    %max3A_19 = vector.broadcast %max3A : f32 to vector<4096x32xf32>
    %max3A_20 = arith.maximumf %add3A_18, %max3A_19 : vector<4096x32xf32>
    %get3A_21 = arith.constant 0 : index
    %get3A_22 = arith.constant 0 : index
    %get3A_23 = vector.load %arg4[%get3A_21, %get3A_22] : memref<32x32xf32, #tpu.memory_space<vmem>>, vector<32x32xf32>
    %dot_general3A_24 = arith.constant dense<0.000000e+00> : vector<4096x32xf32>
    %dot_general3A_25 = tpu.matmul %max3A_20, %get3A_23, %dot_general3A_24 {dimension_numbers = #tpu.dot_dimension_numbers<[1], [0], [0], [1], [0, 0, 1, 1], [], []>, transpose_lhs_hint = false} : vector<4096x32xf32>, vector<32x32xf32>, vector<4096x32xf32> -> vector<4096x32xf32>
    %get3A_26 = arith.constant 0 : index
    %get3A_27 = arith.constant 0 : index
    %get3A_28 = vector.load %arg5[%get3A_26, %get3A_27] : memref<1x32xf32, #tpu.memory_space<vmem>>, vector<1x32xf32>
    %add3A_29 = vector.broadcast %get3A_28 : vector<1x32xf32> to vector<4096x32xf32>
    %add3A_30 = arith.addf %dot_general3A_25, %add3A_29 : vector<4096x32xf32>
    %reduce_sum3A = arith.constant dense<0.000000e+00> : vector<32xf32>
    %reduce_sum3A_31 = vector.multi_reduction <add>, %add3A_30, %reduce_sum3A [0] : vector<4096x32xf32> to vector<32xf32>
    %broadcast_in_dim3A = vector.shape_cast %reduce_sum3A_31 : vector<32xf32> to vector<1x32xf32>
    %broadcast_in_dim3A_32 = vector.shape_cast %broadcast_in_dim3A : vector<1x32xf32> to vector<1x32xf32>
    %broadcast_in_dim3A_33 = vector.broadcast %broadcast_in_dim3A_32 : vector<1x32xf32> to vector<8x32xf32>
    %swap3A = arith.constant 0 : index
    %swap3A_34 = arith.constant 0 : index
    %swap3A_35 = arith.constant 0 : index
    %swap3A_36 = vector.load %arg8[%swap3A, %swap3A_34, %swap3A_35] : memref<1x8x32xf32, #tpu.memory_space<vmem>>, vector<1x8x32xf32>
    %swap3A_37 = vector.shape_cast %swap3A_36 : vector<1x8x32xf32> to vector<8x32xf32>
    %swap3A_38 = vector.shape_cast %broadcast_in_dim3A_33 : vector<8x32xf32> to vector<1x8x32xf32>
    tpu.vector_store %arg8[%swap3A, %swap3A_34, %swap3A_35], %swap3A_38 {strides = array<i32>} : memref<1x8x32xf32, #tpu.memory_space<vmem>>, vector<1x8x32xf32>,
    %mul3A_39 = arith.mulf %add3A_30, %add3A_30 : vector<4096x32xf32>
    %reduce_sum3A_40 = arith.constant dense<0.000000e+00> : vector<32xf32>
    %reduce_sum3A_41 = vector.multi_reduction <add>, %mul3A_39, %reduce_sum3A_40 [0] : vector<4096x32xf32> to vector<32xf32>
    %broadcast_in_dim3A_42 = vector.shape_cast %reduce_sum3A_41 : vector<32xf32> to vector<1x32xf32>
    %broadcast_in_dim3A_43 = vector.shape_cast %broadcast_in_dim3A_42 : vector<1x32xf32> to vector<1x32xf32>
    %broadcast_in_dim3A_44 = vector.broadcast %broadcast_in_dim3A_43 : vector<1x32xf32> to vector<8x32xf32>
    %swap3A_45 = arith.constant 0 : index
    %swap3A_46 = arith.constant 0 : index
    %swap3A_47 = arith.constant 0 : index
    %swap3A_48 = vector.load %arg9[%swap3A_45, %swap3A_46, %swap3A_47] : memref<1x8x32xf32, #tpu.memory_space<vmem>>, vector<1x8x32xf32>
    %swap3A_49 = vector.shape_cast %swap3A_48 : vector<1x8x32xf32> to vector<8x32xf32>
    %swap3A_50 = vector.shape_cast %broadcast_in_dim3A_44 : vector<8x32xf32> to vector<1x8x32xf32>
    tpu.vector_store %arg9[%swap3A_45, %swap3A_46, %swap3A_47], %swap3A_50 {strides = array<i32>} : memref<1x8x32xf32, #tpu.memory_space<vmem>>, vector<1x8x32xf32>,
    return
  }
  func.func @transform_0(%arg0: i32) -> (i32, i32) {
    %c0_i32 = arith.constant 0 : i32
    %c0_i32_0 = arith.constant 0 : i32
    return %arg0, %c0_i32 : i32, i32
  }
  func.func @transform_1(%arg0: i32) -> (i32, i32) {
    %c0_i32 = arith.constant 0 : i32
    %c0_i32_0 = arith.constant 0 : i32
    %c0_i32_1 = arith.constant 0 : i32
    return %c0_i32, %c0_i32_0 : i32, i32
  }
  func.func @transform_2(%arg0: i32) -> (i32, i32) {
    %c0_i32 = arith.constant 0 : i32
    %c0_i32_0 = arith.constant 0 : i32
    %c0_i32_1 = arith.constant 0 : i32
    return %c0_i32, %c0_i32_0 : i32, i32
  }
  func.func @transform_3(%arg0: i32) -> (i32, i32) {
    %c0_i32 = arith.constant 0 : i32
    %c0_i32_0 = arith.constant 0 : i32
    %c0_i32_1 = arith.constant 0 : i32
    return %c0_i32, %c0_i32_0 : i32, i32
  }
  func.func @transform_4(%arg0: i32) -> (i32, i32) {
    %c0_i32 = arith.constant 0 : i32
    %c0_i32_0 = arith.constant 0 : i32
    %c0_i32_1 = arith.constant 0 : i32
    return %c0_i32, %c0_i32_0 : i32, i32
  }
  func.func @transform_5(%arg0: i32) -> (i32, i32) {
    %c0_i32 = arith.constant 0 : i32
    %c0_i32_0 = arith.constant 0 : i32
    %c0_i32_1 = arith.constant 0 : i32
    return %c0_i32, %c0_i32_0 : i32, i32
  }
  func.func @transform_6(%arg0: i32) -> (i32, i32) {
    %c0_i32 = arith.constant 0 : i32
    %c0_i32_0 = arith.constant 0 : i32
    %c0_i32_1 = arith.constant 0 : i32
    return %c0_i32, %c0_i32_0 : i32, i32
  }
  func.func @transform_7(%arg0: i32) -> (i32, i32, i32) {
    %c0_i32 = arith.constant 0 : i32
    %c0_i32_0 = arith.constant 0 : i32
    %c0_i32_1 = arith.constant 0 : i32
    return %arg0, %c0_i32, %c0_i32_0 : i32, i32, i32
  }
  func.func @transform_8(%arg0: i32) -> (i32, i32, i32) {
    %c0_i32 = arith.constant 0 : i32
    %c0_i32_0 = arith.constant 0 : i32
    %c0_i32_1 = arith.constant 0 : i32
    return %arg0, %c0_i32, %c0_i32_0 : i32, i32, i32
  }
}

module attributes {stable_mosaic.version = 14 : i64} {
  func.func @_chain_stats_body(%arg0: i32, %arg1: memref<4096x6xf32, #tpu.memory_space<vmem>>, %arg2: memref<6x32xf32, #tpu.memory_space<vmem>>, %arg3: memref<1x32xf32, #tpu.memory_space<vmem>>, %arg4: memref<32x32xf32, #tpu.memory_space<vmem>>, %arg5: memref<1x32xf32, #tpu.memory_space<vmem>>, %arg6: memref<32x64xf32, #tpu.memory_space<vmem>>, %arg7: memref<1x64xf32, #tpu.memory_space<vmem>>, %arg8: memref<1x32xf32, #tpu.memory_space<vmem>>, %arg9: memref<1x32xf32, #tpu.memory_space<vmem>>, %arg10: memref<1x32xf32, #tpu.memory_space<vmem>>, %arg11: memref<1x32xf32, #tpu.memory_space<vmem>>, %arg12: memref<1x8x64xf32, #tpu.memory_space<vmem>>, %arg13: memref<1x8x64xf32, #tpu.memory_space<vmem>>) attributes {dimension_semantics = [#tpu.dimension_semantics<arbitrary>], iteration_bounds = array<i64: 16>, scalar_prefetch = 0 : i64, scratch_operands = 0 : i64, tpu.core_type = #tpu.core_type<tc>, window_params = [{transform_indices = @transform_0, window_bounds = array<i64: 4096, 6>}, {pipeline_mode = #tpu.pipeline_mode<synchronous>, transform_indices = @transform_1, window_bounds = array<i64: 6, 32>}, {pipeline_mode = #tpu.pipeline_mode<synchronous>, transform_indices = @transform_2, window_bounds = array<i64: 1, 32>}, {pipeline_mode = #tpu.pipeline_mode<synchronous>, transform_indices = @transform_3, window_bounds = array<i64: 32, 32>}, {pipeline_mode = #tpu.pipeline_mode<synchronous>, transform_indices = @transform_4, window_bounds = array<i64: 1, 32>}, {pipeline_mode = #tpu.pipeline_mode<synchronous>, transform_indices = @transform_5, window_bounds = array<i64: 32, 64>}, {pipeline_mode = #tpu.pipeline_mode<synchronous>, transform_indices = @transform_6, window_bounds = array<i64: 1, 64>}, {pipeline_mode = #tpu.pipeline_mode<synchronous>, transform_indices = @transform_7, window_bounds = array<i64: 1, 32>}, {pipeline_mode = #tpu.pipeline_mode<synchronous>, transform_indices = @transform_8, window_bounds = array<i64: 1, 32>}, {pipeline_mode = #tpu.pipeline_mode<synchronous>, transform_indices = @transform_9, window_bounds = array<i64: 1, 32>}, {pipeline_mode = #tpu.pipeline_mode<synchronous>, transform_indices = @transform_10, window_bounds = array<i64: 1, 32>}, {transform_indices = @transform_11, window_bounds = array<i64: 1, 8, 64>}, {transform_indices = @transform_12, window_bounds = array<i64: 1, 8, 64>}]} {
    %get3A = arith.constant 0 : index
    %get3A_0 = arith.constant 0 : index
    %get3A_1 = vector.load %arg1[%get3A, %get3A_0] : memref<4096x6xf32, #tpu.memory_space<vmem>>, vector<4096x6xf32>
    %get3A_2 = arith.constant 0 : index
    %get3A_3 = arith.constant 0 : index
    %get3A_4 = vector.load %arg2[%get3A_2, %get3A_3] : memref<6x32xf32, #tpu.memory_space<vmem>>, vector<6x32xf32>
    %dot_general3A = arith.constant dense<0.000000e+00> : vector<4096x32xf32>
    %dot_general3A_5 = tpu.matmul %get3A_1, %get3A_4, %dot_general3A {dimension_numbers = #tpu.dot_dimension_numbers<[1], [0], [0], [1], [0, 0, 1, 1], [], []>, transpose_lhs_hint = false} : vector<4096x6xf32>, vector<6x32xf32>, vector<4096x32xf32> -> vector<4096x32xf32>
    %get3A_6 = arith.constant 0 : index
    %get3A_7 = arith.constant 0 : index
    %get3A_8 = vector.load %arg3[%get3A_6, %get3A_7] : memref<1x32xf32, #tpu.memory_space<vmem>>, vector<1x32xf32>
    %add3A = vector.broadcast %get3A_8 : vector<1x32xf32> to vector<4096x32xf32>
    %add3A_9 = arith.addf %dot_general3A_5, %add3A : vector<4096x32xf32>
    %get3A_10 = arith.constant 0 : index
    %get3A_11 = arith.constant 0 : index
    %get3A_12 = vector.load %arg8[%get3A_10, %get3A_11] : memref<1x32xf32, #tpu.memory_space<vmem>>, vector<1x32xf32>
    %mul3A = vector.broadcast %get3A_12 : vector<1x32xf32> to vector<4096x32xf32>
    %mul3A_13 = arith.mulf %add3A_9, %mul3A : vector<4096x32xf32>
    %get3A_14 = arith.constant 0 : index
    %get3A_15 = arith.constant 0 : index
    %get3A_16 = vector.load %arg9[%get3A_14, %get3A_15] : memref<1x32xf32, #tpu.memory_space<vmem>>, vector<1x32xf32>
    %add3A_17 = vector.broadcast %get3A_16 : vector<1x32xf32> to vector<4096x32xf32>
    %add3A_18 = arith.addf %mul3A_13, %add3A_17 : vector<4096x32xf32>
    %max3A = arith.constant 0.000000e+00 : f32
    %max3A_19 = vector.broadcast %max3A : f32 to vector<4096x32xf32>
    %max3A_20 = arith.maximumf %add3A_18, %max3A_19 : vector<4096x32xf32>
    %get3A_21 = arith.constant 0 : index
    %get3A_22 = arith.constant 0 : index
    %get3A_23 = vector.load %arg4[%get3A_21, %get3A_22] : memref<32x32xf32, #tpu.memory_space<vmem>>, vector<32x32xf32>
    %dot_general3A_24 = arith.constant dense<0.000000e+00> : vector<4096x32xf32>
    %dot_general3A_25 = tpu.matmul %max3A_20, %get3A_23, %dot_general3A_24 {dimension_numbers = #tpu.dot_dimension_numbers<[1], [0], [0], [1], [0, 0, 1, 1], [], []>, transpose_lhs_hint = false} : vector<4096x32xf32>, vector<32x32xf32>, vector<4096x32xf32> -> vector<4096x32xf32>
    %get3A_26 = arith.constant 0 : index
    %get3A_27 = arith.constant 0 : index
    %get3A_28 = vector.load %arg5[%get3A_26, %get3A_27] : memref<1x32xf32, #tpu.memory_space<vmem>>, vector<1x32xf32>
    %add3A_29 = vector.broadcast %get3A_28 : vector<1x32xf32> to vector<4096x32xf32>
    %add3A_30 = arith.addf %dot_general3A_25, %add3A_29 : vector<4096x32xf32>
    %get3A_31 = arith.constant 0 : index
    %get3A_32 = arith.constant 0 : index
    %get3A_33 = vector.load %arg10[%get3A_31, %get3A_32] : memref<1x32xf32, #tpu.memory_space<vmem>>, vector<1x32xf32>
    %mul3A_34 = vector.broadcast %get3A_33 : vector<1x32xf32> to vector<4096x32xf32>
    %mul3A_35 = arith.mulf %add3A_30, %mul3A_34 : vector<4096x32xf32>
    %get3A_36 = arith.constant 0 : index
    %get3A_37 = arith.constant 0 : index
    %get3A_38 = vector.load %arg11[%get3A_36, %get3A_37] : memref<1x32xf32, #tpu.memory_space<vmem>>, vector<1x32xf32>
    %add3A_39 = vector.broadcast %get3A_38 : vector<1x32xf32> to vector<4096x32xf32>
    %add3A_40 = arith.addf %mul3A_35, %add3A_39 : vector<4096x32xf32>
    %max3A_41 = arith.constant 0.000000e+00 : f32
    %max3A_42 = vector.broadcast %max3A_41 : f32 to vector<4096x32xf32>
    %max3A_43 = arith.maximumf %add3A_40, %max3A_42 : vector<4096x32xf32>
    %get3A_44 = arith.constant 0 : index
    %get3A_45 = arith.constant 0 : index
    %get3A_46 = vector.load %arg6[%get3A_44, %get3A_45] : memref<32x64xf32, #tpu.memory_space<vmem>>, vector<32x64xf32>
    %dot_general3A_47 = arith.constant dense<0.000000e+00> : vector<4096x64xf32>
    %dot_general3A_48 = tpu.matmul %max3A_43, %get3A_46, %dot_general3A_47 {dimension_numbers = #tpu.dot_dimension_numbers<[1], [0], [0], [1], [0, 0, 1, 1], [], []>, transpose_lhs_hint = false} : vector<4096x32xf32>, vector<32x64xf32>, vector<4096x64xf32> -> vector<4096x64xf32>
    %get3A_49 = arith.constant 0 : index
    %get3A_50 = arith.constant 0 : index
    %get3A_51 = vector.load %arg7[%get3A_49, %get3A_50] : memref<1x64xf32, #tpu.memory_space<vmem>>, vector<1x64xf32>
    %add3A_52 = vector.broadcast %get3A_51 : vector<1x64xf32> to vector<4096x64xf32>
    %add3A_53 = arith.addf %dot_general3A_48, %add3A_52 : vector<4096x64xf32>
    %reduce_sum3A = arith.constant dense<0.000000e+00> : vector<64xf32>
    %reduce_sum3A_54 = vector.multi_reduction <add>, %add3A_53, %reduce_sum3A [0] : vector<4096x64xf32> to vector<64xf32>
    %broadcast_in_dim3A = vector.shape_cast %reduce_sum3A_54 : vector<64xf32> to vector<1x64xf32>
    %broadcast_in_dim3A_55 = vector.shape_cast %broadcast_in_dim3A : vector<1x64xf32> to vector<1x64xf32>
    %broadcast_in_dim3A_56 = vector.broadcast %broadcast_in_dim3A_55 : vector<1x64xf32> to vector<8x64xf32>
    %swap3A = arith.constant 0 : index
    %swap3A_57 = arith.constant 0 : index
    %swap3A_58 = arith.constant 0 : index
    %swap3A_59 = vector.load %arg12[%swap3A, %swap3A_57, %swap3A_58] : memref<1x8x64xf32, #tpu.memory_space<vmem>>, vector<1x8x64xf32>
    %swap3A_60 = vector.shape_cast %swap3A_59 : vector<1x8x64xf32> to vector<8x64xf32>
    %swap3A_61 = vector.shape_cast %broadcast_in_dim3A_56 : vector<8x64xf32> to vector<1x8x64xf32>
    tpu.vector_store %arg12[%swap3A, %swap3A_57, %swap3A_58], %swap3A_61 {strides = array<i32>} : memref<1x8x64xf32, #tpu.memory_space<vmem>>, vector<1x8x64xf32>,
    %mul3A_62 = arith.mulf %add3A_53, %add3A_53 : vector<4096x64xf32>
    %reduce_sum3A_63 = arith.constant dense<0.000000e+00> : vector<64xf32>
    %reduce_sum3A_64 = vector.multi_reduction <add>, %mul3A_62, %reduce_sum3A_63 [0] : vector<4096x64xf32> to vector<64xf32>
    %broadcast_in_dim3A_65 = vector.shape_cast %reduce_sum3A_64 : vector<64xf32> to vector<1x64xf32>
    %broadcast_in_dim3A_66 = vector.shape_cast %broadcast_in_dim3A_65 : vector<1x64xf32> to vector<1x64xf32>
    %broadcast_in_dim3A_67 = vector.broadcast %broadcast_in_dim3A_66 : vector<1x64xf32> to vector<8x64xf32>
    %swap3A_68 = arith.constant 0 : index
    %swap3A_69 = arith.constant 0 : index
    %swap3A_70 = arith.constant 0 : index
    %swap3A_71 = vector.load %arg13[%swap3A_68, %swap3A_69, %swap3A_70] : memref<1x8x64xf32, #tpu.memory_space<vmem>>, vector<1x8x64xf32>
    %swap3A_72 = vector.shape_cast %swap3A_71 : vector<1x8x64xf32> to vector<8x64xf32>
    %swap3A_73 = vector.shape_cast %broadcast_in_dim3A_67 : vector<8x64xf32> to vector<1x8x64xf32>
    tpu.vector_store %arg13[%swap3A_68, %swap3A_69, %swap3A_70], %swap3A_73 {strides = array<i32>} : memref<1x8x64xf32, #tpu.memory_space<vmem>>, vector<1x8x64xf32>,
    return
  }
  func.func @transform_0(%arg0: i32) -> (i32, i32) {
    %c0_i32 = arith.constant 0 : i32
    %c0_i32_0 = arith.constant 0 : i32
    return %arg0, %c0_i32 : i32, i32
  }
  func.func @transform_1(%arg0: i32) -> (i32, i32) {
    %c0_i32 = arith.constant 0 : i32
    %c0_i32_0 = arith.constant 0 : i32
    %c0_i32_1 = arith.constant 0 : i32
    return %c0_i32, %c0_i32_0 : i32, i32
  }
  func.func @transform_2(%arg0: i32) -> (i32, i32) {
    %c0_i32 = arith.constant 0 : i32
    %c0_i32_0 = arith.constant 0 : i32
    %c0_i32_1 = arith.constant 0 : i32
    return %c0_i32, %c0_i32_0 : i32, i32
  }
  func.func @transform_3(%arg0: i32) -> (i32, i32) {
    %c0_i32 = arith.constant 0 : i32
    %c0_i32_0 = arith.constant 0 : i32
    %c0_i32_1 = arith.constant 0 : i32
    return %c0_i32, %c0_i32_0 : i32, i32
  }
  func.func @transform_4(%arg0: i32) -> (i32, i32) {
    %c0_i32 = arith.constant 0 : i32
    %c0_i32_0 = arith.constant 0 : i32
    %c0_i32_1 = arith.constant 0 : i32
    return %c0_i32, %c0_i32_0 : i32, i32
  }
  func.func @transform_5(%arg0: i32) -> (i32, i32) {
    %c0_i32 = arith.constant 0 : i32
    %c0_i32_0 = arith.constant 0 : i32
    %c0_i32_1 = arith.constant 0 : i32
    return %c0_i32, %c0_i32_0 : i32, i32
  }
  func.func @transform_6(%arg0: i32) -> (i32, i32) {
    %c0_i32 = arith.constant 0 : i32
    %c0_i32_0 = arith.constant 0 : i32
    %c0_i32_1 = arith.constant 0 : i32
    return %c0_i32, %c0_i32_0 : i32, i32
  }
  func.func @transform_7(%arg0: i32) -> (i32, i32) {
    %c0_i32 = arith.constant 0 : i32
    %c0_i32_0 = arith.constant 0 : i32
    %c0_i32_1 = arith.constant 0 : i32
    return %c0_i32, %c0_i32_0 : i32, i32
  }
  func.func @transform_8(%arg0: i32) -> (i32, i32) {
    %c0_i32 = arith.constant 0 : i32
    %c0_i32_0 = arith.constant 0 : i32
    %c0_i32_1 = arith.constant 0 : i32
    return %c0_i32, %c0_i32_0 : i32, i32
  }
  func.func @transform_9(%arg0: i32) -> (i32, i32) {
    %c0_i32 = arith.constant 0 : i32
    %c0_i32_0 = arith.constant 0 : i32
    %c0_i32_1 = arith.constant 0 : i32
    return %c0_i32, %c0_i32_0 : i32, i32
  }
  func.func @transform_10(%arg0: i32) -> (i32, i32) {
    %c0_i32 = arith.constant 0 : i32
    %c0_i32_0 = arith.constant 0 : i32
    %c0_i32_1 = arith.constant 0 : i32
    return %c0_i32, %c0_i32_0 : i32, i32
  }
  func.func @transform_11(%arg0: i32) -> (i32, i32, i32) {
    %c0_i32 = arith.constant 0 : i32
    %c0_i32_0 = arith.constant 0 : i32
    %c0_i32_1 = arith.constant 0 : i32
    return %arg0, %c0_i32, %c0_i32_0 : i32, i32, i32
  }
  func.func @transform_12(%arg0: i32) -> (i32, i32, i32) {
    %c0_i32 = arith.constant 0 : i32
    %c0_i32_0 = arith.constant 0 : i32
    %c0_i32_1 = arith.constant 0 : i32
    return %arg0, %c0_i32, %c0_i32_0 : i32, i32, i32
  }
}

module attributes {stable_mosaic.version = 14 : i64} {
  func.func @_chain_stats_body(%arg0: i32, %arg1: memref<4096x6xf32, #tpu.memory_space<vmem>>, %arg2: memref<6x64xf32, #tpu.memory_space<vmem>>, %arg3: memref<1x64xf32, #tpu.memory_space<vmem>>, %arg4: memref<1x8x64xf32, #tpu.memory_space<vmem>>, %arg5: memref<1x8x64xf32, #tpu.memory_space<vmem>>) attributes {dimension_semantics = [#tpu.dimension_semantics<arbitrary>], iteration_bounds = array<i64: 32>, scalar_prefetch = 0 : i64, scratch_operands = 0 : i64, tpu.core_type = #tpu.core_type<tc>, window_params = [{transform_indices = @transform_0, window_bounds = array<i64: 4096, 6>}, {pipeline_mode = #tpu.pipeline_mode<synchronous>, transform_indices = @transform_1, window_bounds = array<i64: 6, 64>}, {pipeline_mode = #tpu.pipeline_mode<synchronous>, transform_indices = @transform_2, window_bounds = array<i64: 1, 64>}, {transform_indices = @transform_3, window_bounds = array<i64: 1, 8, 64>}, {transform_indices = @transform_4, window_bounds = array<i64: 1, 8, 64>}]} {
    %get3A = arith.constant 0 : index
    %get3A_0 = arith.constant 0 : index
    %get3A_1 = vector.load %arg1[%get3A, %get3A_0] : memref<4096x6xf32, #tpu.memory_space<vmem>>, vector<4096x6xf32>
    %get3A_2 = arith.constant 0 : index
    %get3A_3 = arith.constant 0 : index
    %get3A_4 = vector.load %arg2[%get3A_2, %get3A_3] : memref<6x64xf32, #tpu.memory_space<vmem>>, vector<6x64xf32>
    %dot_general3A = arith.constant dense<0.000000e+00> : vector<4096x64xf32>
    %dot_general3A_5 = tpu.matmul %get3A_1, %get3A_4, %dot_general3A {dimension_numbers = #tpu.dot_dimension_numbers<[1], [0], [0], [1], [0, 0, 1, 1], [], []>, transpose_lhs_hint = false} : vector<4096x6xf32>, vector<6x64xf32>, vector<4096x64xf32> -> vector<4096x64xf32>
    %get3A_6 = arith.constant 0 : index
    %get3A_7 = arith.constant 0 : index
    %get3A_8 = vector.load %arg3[%get3A_6, %get3A_7] : memref<1x64xf32, #tpu.memory_space<vmem>>, vector<1x64xf32>
    %add3A = vector.broadcast %get3A_8 : vector<1x64xf32> to vector<4096x64xf32>
    %add3A_9 = arith.addf %dot_general3A_5, %add3A : vector<4096x64xf32>
    %reduce_sum3A = arith.constant dense<0.000000e+00> : vector<64xf32>
    %reduce_sum3A_10 = vector.multi_reduction <add>, %add3A_9, %reduce_sum3A [0] : vector<4096x64xf32> to vector<64xf32>
    %broadcast_in_dim3A = vector.shape_cast %reduce_sum3A_10 : vector<64xf32> to vector<1x64xf32>
    %broadcast_in_dim3A_11 = vector.shape_cast %broadcast_in_dim3A : vector<1x64xf32> to vector<1x64xf32>
    %broadcast_in_dim3A_12 = vector.broadcast %broadcast_in_dim3A_11 : vector<1x64xf32> to vector<8x64xf32>
    %swap3A = arith.constant 0 : index
    %swap3A_13 = arith.constant 0 : index
    %swap3A_14 = arith.constant 0 : index
    %swap3A_15 = vector.load %arg4[%swap3A, %swap3A_13, %swap3A_14] : memref<1x8x64xf32, #tpu.memory_space<vmem>>, vector<1x8x64xf32>
    %swap3A_16 = vector.shape_cast %swap3A_15 : vector<1x8x64xf32> to vector<8x64xf32>
    %swap3A_17 = vector.shape_cast %broadcast_in_dim3A_12 : vector<8x64xf32> to vector<1x8x64xf32>
    tpu.vector_store %arg4[%swap3A, %swap3A_13, %swap3A_14], %swap3A_17 {strides = array<i32>} : memref<1x8x64xf32, #tpu.memory_space<vmem>>, vector<1x8x64xf32>,
    %mul3A = arith.mulf %add3A_9, %add3A_9 : vector<4096x64xf32>
    %reduce_sum3A_18 = arith.constant dense<0.000000e+00> : vector<64xf32>
    %reduce_sum3A_19 = vector.multi_reduction <add>, %mul3A, %reduce_sum3A_18 [0] : vector<4096x64xf32> to vector<64xf32>
    %broadcast_in_dim3A_20 = vector.shape_cast %reduce_sum3A_19 : vector<64xf32> to vector<1x64xf32>
    %broadcast_in_dim3A_21 = vector.shape_cast %broadcast_in_dim3A_20 : vector<1x64xf32> to vector<1x64xf32>
    %broadcast_in_dim3A_22 = vector.broadcast %broadcast_in_dim3A_21 : vector<1x64xf32> to vector<8x64xf32>
    %swap3A_23 = arith.constant 0 : index
    %swap3A_24 = arith.constant 0 : index
    %swap3A_25 = arith.constant 0 : index
    %swap3A_26 = vector.load %arg5[%swap3A_23, %swap3A_24, %swap3A_25] : memref<1x8x64xf32, #tpu.memory_space<vmem>>, vector<1x8x64xf32>
    %swap3A_27 = vector.shape_cast %swap3A_26 : vector<1x8x64xf32> to vector<8x64xf32>
    %swap3A_28 = vector.shape_cast %broadcast_in_dim3A_22 : vector<8x64xf32> to vector<1x8x64xf32>
    tpu.vector_store %arg5[%swap3A_23, %swap3A_24, %swap3A_25], %swap3A_28 {strides = array<i32>} : memref<1x8x64xf32, #tpu.memory_space<vmem>>, vector<1x8x64xf32>,
    return
  }
  func.func @transform_0(%arg0: i32) -> (i32, i32) {
    %c0_i32 = arith.constant 0 : i32
    %c0_i32_0 = arith.constant 0 : i32
    return %arg0, %c0_i32 : i32, i32
  }
  func.func @transform_1(%arg0: i32) -> (i32, i32) {
    %c0_i32 = arith.constant 0 : i32
    %c0_i32_0 = arith.constant 0 : i32
    %c0_i32_1 = arith.constant 0 : i32
    return %c0_i32, %c0_i32_0 : i32, i32
  }
  func.func @transform_2(%arg0: i32) -> (i32, i32) {
    %c0_i32 = arith.constant 0 : i32
    %c0_i32_0 = arith.constant 0 : i32
    %c0_i32_1 = arith.constant 0 : i32
    return %c0_i32, %c0_i32_0 : i32, i32
  }
  func.func @transform_3(%arg0: i32) -> (i32, i32, i32) {
    %c0_i32 = arith.constant 0 : i32
    %c0_i32_0 = arith.constant 0 : i32
    %c0_i32_1 = arith.constant 0 : i32
    return %arg0, %c0_i32, %c0_i32_0 : i32, i32, i32
  }
  func.func @transform_4(%arg0: i32) -> (i32, i32, i32) {
    %c0_i32 = arith.constant 0 : i32
    %c0_i32_0 = arith.constant 0 : i32
    %c0_i32_1 = arith.constant 0 : i32
    return %arg0, %c0_i32, %c0_i32_0 : i32, i32, i32
  }
}

module attributes {stable_mosaic.version = 14 : i64} {
  func.func @_chain_stats_body(%arg0: i32, %arg1: memref<4096x6xf32, #tpu.memory_space<vmem>>, %arg2: memref<6x64xf32, #tpu.memory_space<vmem>>, %arg3: memref<1x64xf32, #tpu.memory_space<vmem>>, %arg4: memref<64x64xf32, #tpu.memory_space<vmem>>, %arg5: memref<1x64xf32, #tpu.memory_space<vmem>>, %arg6: memref<1x64xf32, #tpu.memory_space<vmem>>, %arg7: memref<1x64xf32, #tpu.memory_space<vmem>>, %arg8: memref<1x8x64xf32, #tpu.memory_space<vmem>>, %arg9: memref<1x8x64xf32, #tpu.memory_space<vmem>>) attributes {dimension_semantics = [#tpu.dimension_semantics<arbitrary>], iteration_bounds = array<i64: 32>, scalar_prefetch = 0 : i64, scratch_operands = 0 : i64, tpu.core_type = #tpu.core_type<tc>, window_params = [{transform_indices = @transform_0, window_bounds = array<i64: 4096, 6>}, {pipeline_mode = #tpu.pipeline_mode<synchronous>, transform_indices = @transform_1, window_bounds = array<i64: 6, 64>}, {pipeline_mode = #tpu.pipeline_mode<synchronous>, transform_indices = @transform_2, window_bounds = array<i64: 1, 64>}, {pipeline_mode = #tpu.pipeline_mode<synchronous>, transform_indices = @transform_3, window_bounds = array<i64: 64, 64>}, {pipeline_mode = #tpu.pipeline_mode<synchronous>, transform_indices = @transform_4, window_bounds = array<i64: 1, 64>}, {pipeline_mode = #tpu.pipeline_mode<synchronous>, transform_indices = @transform_5, window_bounds = array<i64: 1, 64>}, {pipeline_mode = #tpu.pipeline_mode<synchronous>, transform_indices = @transform_6, window_bounds = array<i64: 1, 64>}, {transform_indices = @transform_7, window_bounds = array<i64: 1, 8, 64>}, {transform_indices = @transform_8, window_bounds = array<i64: 1, 8, 64>}]} {
    %get3A = arith.constant 0 : index
    %get3A_0 = arith.constant 0 : index
    %get3A_1 = vector.load %arg1[%get3A, %get3A_0] : memref<4096x6xf32, #tpu.memory_space<vmem>>, vector<4096x6xf32>
    %get3A_2 = arith.constant 0 : index
    %get3A_3 = arith.constant 0 : index
    %get3A_4 = vector.load %arg2[%get3A_2, %get3A_3] : memref<6x64xf32, #tpu.memory_space<vmem>>, vector<6x64xf32>
    %dot_general3A = arith.constant dense<0.000000e+00> : vector<4096x64xf32>
    %dot_general3A_5 = tpu.matmul %get3A_1, %get3A_4, %dot_general3A {dimension_numbers = #tpu.dot_dimension_numbers<[1], [0], [0], [1], [0, 0, 1, 1], [], []>, transpose_lhs_hint = false} : vector<4096x6xf32>, vector<6x64xf32>, vector<4096x64xf32> -> vector<4096x64xf32>
    %get3A_6 = arith.constant 0 : index
    %get3A_7 = arith.constant 0 : index
    %get3A_8 = vector.load %arg3[%get3A_6, %get3A_7] : memref<1x64xf32, #tpu.memory_space<vmem>>, vector<1x64xf32>
    %add3A = vector.broadcast %get3A_8 : vector<1x64xf32> to vector<4096x64xf32>
    %add3A_9 = arith.addf %dot_general3A_5, %add3A : vector<4096x64xf32>
    %get3A_10 = arith.constant 0 : index
    %get3A_11 = arith.constant 0 : index
    %get3A_12 = vector.load %arg6[%get3A_10, %get3A_11] : memref<1x64xf32, #tpu.memory_space<vmem>>, vector<1x64xf32>
    %mul3A = vector.broadcast %get3A_12 : vector<1x64xf32> to vector<4096x64xf32>
    %mul3A_13 = arith.mulf %add3A_9, %mul3A : vector<4096x64xf32>
    %get3A_14 = arith.constant 0 : index
    %get3A_15 = arith.constant 0 : index
    %get3A_16 = vector.load %arg7[%get3A_14, %get3A_15] : memref<1x64xf32, #tpu.memory_space<vmem>>, vector<1x64xf32>
    %add3A_17 = vector.broadcast %get3A_16 : vector<1x64xf32> to vector<4096x64xf32>
    %add3A_18 = arith.addf %mul3A_13, %add3A_17 : vector<4096x64xf32>
    %max3A = arith.constant 0.000000e+00 : f32
    %max3A_19 = vector.broadcast %max3A : f32 to vector<4096x64xf32>
    %max3A_20 = arith.maximumf %add3A_18, %max3A_19 : vector<4096x64xf32>
    %get3A_21 = arith.constant 0 : index
    %get3A_22 = arith.constant 0 : index
    %get3A_23 = vector.load %arg4[%get3A_21, %get3A_22] : memref<64x64xf32, #tpu.memory_space<vmem>>, vector<64x64xf32>
    %dot_general3A_24 = arith.constant dense<0.000000e+00> : vector<4096x64xf32>
    %dot_general3A_25 = tpu.matmul %max3A_20, %get3A_23, %dot_general3A_24 {dimension_numbers = #tpu.dot_dimension_numbers<[1], [0], [0], [1], [0, 0, 1, 1], [], []>, transpose_lhs_hint = false} : vector<4096x64xf32>, vector<64x64xf32>, vector<4096x64xf32> -> vector<4096x64xf32>
    %get3A_26 = arith.constant 0 : index
    %get3A_27 = arith.constant 0 : index
    %get3A_28 = vector.load %arg5[%get3A_26, %get3A_27] : memref<1x64xf32, #tpu.memory_space<vmem>>, vector<1x64xf32>
    %add3A_29 = vector.broadcast %get3A_28 : vector<1x64xf32> to vector<4096x64xf32>
    %add3A_30 = arith.addf %dot_general3A_25, %add3A_29 : vector<4096x64xf32>
    %reduce_sum3A = arith.constant dense<0.000000e+00> : vector<64xf32>
    %reduce_sum3A_31 = vector.multi_reduction <add>, %add3A_30, %reduce_sum3A [0] : vector<4096x64xf32> to vector<64xf32>
    %broadcast_in_dim3A = vector.shape_cast %reduce_sum3A_31 : vector<64xf32> to vector<1x64xf32>
    %broadcast_in_dim3A_32 = vector.shape_cast %broadcast_in_dim3A : vector<1x64xf32> to vector<1x64xf32>
    %broadcast_in_dim3A_33 = vector.broadcast %broadcast_in_dim3A_32 : vector<1x64xf32> to vector<8x64xf32>
    %swap3A = arith.constant 0 : index
    %swap3A_34 = arith.constant 0 : index
    %swap3A_35 = arith.constant 0 : index
    %swap3A_36 = vector.load %arg8[%swap3A, %swap3A_34, %swap3A_35] : memref<1x8x64xf32, #tpu.memory_space<vmem>>, vector<1x8x64xf32>
    %swap3A_37 = vector.shape_cast %swap3A_36 : vector<1x8x64xf32> to vector<8x64xf32>
    %swap3A_38 = vector.shape_cast %broadcast_in_dim3A_33 : vector<8x64xf32> to vector<1x8x64xf32>
    tpu.vector_store %arg8[%swap3A, %swap3A_34, %swap3A_35], %swap3A_38 {strides = array<i32>} : memref<1x8x64xf32, #tpu.memory_space<vmem>>, vector<1x8x64xf32>,
    %mul3A_39 = arith.mulf %add3A_30, %add3A_30 : vector<4096x64xf32>
    %reduce_sum3A_40 = arith.constant dense<0.000000e+00> : vector<64xf32>
    %reduce_sum3A_41 = vector.multi_reduction <add>, %mul3A_39, %reduce_sum3A_40 [0] : vector<4096x64xf32> to vector<64xf32>
    %broadcast_in_dim3A_42 = vector.shape_cast %reduce_sum3A_41 : vector<64xf32> to vector<1x64xf32>
    %broadcast_in_dim3A_43 = vector.shape_cast %broadcast_in_dim3A_42 : vector<1x64xf32> to vector<1x64xf32>
    %broadcast_in_dim3A_44 = vector.broadcast %broadcast_in_dim3A_43 : vector<1x64xf32> to vector<8x64xf32>
    %swap3A_45 = arith.constant 0 : index
    %swap3A_46 = arith.constant 0 : index
    %swap3A_47 = arith.constant 0 : index
    %swap3A_48 = vector.load %arg9[%swap3A_45, %swap3A_46, %swap3A_47] : memref<1x8x64xf32, #tpu.memory_space<vmem>>, vector<1x8x64xf32>
    %swap3A_49 = vector.shape_cast %swap3A_48 : vector<1x8x64xf32> to vector<8x64xf32>
    %swap3A_50 = vector.shape_cast %broadcast_in_dim3A_44 : vector<8x64xf32> to vector<1x8x64xf32>
    tpu.vector_store %arg9[%swap3A_45, %swap3A_46, %swap3A_47], %swap3A_50 {strides = array<i32>} : memref<1x8x64xf32, #tpu.memory_space<vmem>>, vector<1x8x64xf32>,
    return
  }
  func.func @transform_0(%arg0: i32) -> (i32, i32) {
    %c0_i32 = arith.constant 0 : i32
    %c0_i32_0 = arith.constant 0 : i32
    return %arg0, %c0_i32 : i32, i32
  }
  func.func @transform_1(%arg0: i32) -> (i32, i32) {
    %c0_i32 = arith.constant 0 : i32
    %c0_i32_0 = arith.constant 0 : i32
    %c0_i32_1 = arith.constant 0 : i32
    return %c0_i32, %c0_i32_0 : i32, i32
  }
  func.func @transform_2(%arg0: i32) -> (i32, i32) {
    %c0_i32 = arith.constant 0 : i32
    %c0_i32_0 = arith.constant 0 : i32
    %c0_i32_1 = arith.constant 0 : i32
    return %c0_i32, %c0_i32_0 : i32, i32
  }
  func.func @transform_3(%arg0: i32) -> (i32, i32) {
    %c0_i32 = arith.constant 0 : i32
    %c0_i32_0 = arith.constant 0 : i32
    %c0_i32_1 = arith.constant 0 : i32
    return %c0_i32, %c0_i32_0 : i32, i32
  }
  func.func @transform_4(%arg0: i32) -> (i32, i32) {
    %c0_i32 = arith.constant 0 : i32
    %c0_i32_0 = arith.constant 0 : i32
    %c0_i32_1 = arith.constant 0 : i32
    return %c0_i32, %c0_i32_0 : i32, i32
  }
  func.func @transform_5(%arg0: i32) -> (i32, i32) {
    %c0_i32 = arith.constant 0 : i32
    %c0_i32_0 = arith.constant 0 : i32
    %c0_i32_1 = arith.constant 0 : i32
    return %c0_i32, %c0_i32_0 : i32, i32
  }
  func.func @transform_6(%arg0: i32) -> (i32, i32) {
    %c0_i32 = arith.constant 0 : i32
    %c0_i32_0 = arith.constant 0 : i32
    %c0_i32_1 = arith.constant 0 : i32
    return %c0_i32, %c0_i32_0 : i32, i32
  }
  func.func @transform_7(%arg0: i32) -> (i32, i32, i32) {
    %c0_i32 = arith.constant 0 : i32
    %c0_i32_0 = arith.constant 0 : i32
    %c0_i32_1 = arith.constant 0 : i32
    return %arg0, %c0_i32, %c0_i32_0 : i32, i32, i32
  }
  func.func @transform_8(%arg0: i32) -> (i32, i32, i32) {
    %c0_i32 = arith.constant 0 : i32
    %c0_i32_0 = arith.constant 0 : i32
    %c0_i32_1 = arith.constant 0 : i32
    return %arg0, %c0_i32, %c0_i32_0 : i32, i32, i32
  }
}

module attributes {stable_mosaic.version = 14 : i64} {
  func.func @_chain_stats_body(%arg0: i32, %arg1: memref<4096x6xf32, #tpu.memory_space<vmem>>, %arg2: memref<6x64xf32, #tpu.memory_space<vmem>>, %arg3: memref<1x64xf32, #tpu.memory_space<vmem>>, %arg4: memref<64x64xf32, #tpu.memory_space<vmem>>, %arg5: memref<1x64xf32, #tpu.memory_space<vmem>>, %arg6: memref<64x128xf32, #tpu.memory_space<vmem>>, %arg7: memref<1x128xf32, #tpu.memory_space<vmem>>, %arg8: memref<1x64xf32, #tpu.memory_space<vmem>>, %arg9: memref<1x64xf32, #tpu.memory_space<vmem>>, %arg10: memref<1x64xf32, #tpu.memory_space<vmem>>, %arg11: memref<1x64xf32, #tpu.memory_space<vmem>>, %arg12: memref<1x8x128xf32, #tpu.memory_space<vmem>>, %arg13: memref<1x8x128xf32, #tpu.memory_space<vmem>>) attributes {dimension_semantics = [#tpu.dimension_semantics<arbitrary>], iteration_bounds = array<i64: 32>, scalar_prefetch = 0 : i64, scratch_operands = 0 : i64, tpu.core_type = #tpu.core_type<tc>, window_params = [{transform_indices = @transform_0, window_bounds = array<i64: 4096, 6>}, {pipeline_mode = #tpu.pipeline_mode<synchronous>, transform_indices = @transform_1, window_bounds = array<i64: 6, 64>}, {pipeline_mode = #tpu.pipeline_mode<synchronous>, transform_indices = @transform_2, window_bounds = array<i64: 1, 64>}, {pipeline_mode = #tpu.pipeline_mode<synchronous>, transform_indices = @transform_3, window_bounds = array<i64: 64, 64>}, {pipeline_mode = #tpu.pipeline_mode<synchronous>, transform_indices = @transform_4, window_bounds = array<i64: 1, 64>}, {pipeline_mode = #tpu.pipeline_mode<synchronous>, transform_indices = @transform_5, window_bounds = array<i64: 64, 128>}, {pipeline_mode = #tpu.pipeline_mode<synchronous>, transform_indices = @transform_6, window_bounds = array<i64: 1, 128>}, {pipeline_mode = #tpu.pipeline_mode<synchronous>, transform_indices = @transform_7, window_bounds = array<i64: 1, 64>}, {pipeline_mode = #tpu.pipeline_mode<synchronous>, transform_indices = @transform_8, window_bounds = array<i64: 1, 64>}, {pipeline_mode = #tpu.pipeline_mode<synchronous>, transform_indices = @transform_9, window_bounds = array<i64: 1, 64>}, {pipeline_mode = #tpu.pipeline_mode<synchronous>, transform_indices = @transform_10, window_bounds = array<i64: 1, 64>}, {transform_indices = @transform_11, window_bounds = array<i64: 1, 8, 128>}, {transform_indices = @transform_12, window_bounds = array<i64: 1, 8, 128>}]} {
    %get3A = arith.constant 0 : index
    %get3A_0 = arith.constant 0 : index
    %get3A_1 = vector.load %arg1[%get3A, %get3A_0] : memref<4096x6xf32, #tpu.memory_space<vmem>>, vector<4096x6xf32>
    %get3A_2 = arith.constant 0 : index
    %get3A_3 = arith.constant 0 : index
    %get3A_4 = vector.load %arg2[%get3A_2, %get3A_3] : memref<6x64xf32, #tpu.memory_space<vmem>>, vector<6x64xf32>
    %dot_general3A = arith.constant dense<0.000000e+00> : vector<4096x64xf32>
    %dot_general3A_5 = tpu.matmul %get3A_1, %get3A_4, %dot_general3A {dimension_numbers = #tpu.dot_dimension_numbers<[1], [0], [0], [1], [0, 0, 1, 1], [], []>, transpose_lhs_hint = false} : vector<4096x6xf32>, vector<6x64xf32>, vector<4096x64xf32> -> vector<4096x64xf32>
    %get3A_6 = arith.constant 0 : index
    %get3A_7 = arith.constant 0 : index
    %get3A_8 = vector.load %arg3[%get3A_6, %get3A_7] : memref<1x64xf32, #tpu.memory_space<vmem>>, vector<1x64xf32>
    %add3A = vector.broadcast %get3A_8 : vector<1x64xf32> to vector<4096x64xf32>
    %add3A_9 = arith.addf %dot_general3A_5, %add3A : vector<4096x64xf32>
    %get3A_10 = arith.constant 0 : index
    %get3A_11 = arith.constant 0 : index
    %get3A_12 = vector.load %arg8[%get3A_10, %get3A_11] : memref<1x64xf32, #tpu.memory_space<vmem>>, vector<1x64xf32>
    %mul3A = vector.broadcast %get3A_12 : vector<1x64xf32> to vector<4096x64xf32>
    %mul3A_13 = arith.mulf %add3A_9, %mul3A : vector<4096x64xf32>
    %get3A_14 = arith.constant 0 : index
    %get3A_15 = arith.constant 0 : index
    %get3A_16 = vector.load %arg9[%get3A_14, %get3A_15] : memref<1x64xf32, #tpu.memory_space<vmem>>, vector<1x64xf32>
    %add3A_17 = vector.broadcast %get3A_16 : vector<1x64xf32> to vector<4096x64xf32>
    %add3A_18 = arith.addf %mul3A_13, %add3A_17 : vector<4096x64xf32>
    %max3A = arith.constant 0.000000e+00 : f32
    %max3A_19 = vector.broadcast %max3A : f32 to vector<4096x64xf32>
    %max3A_20 = arith.maximumf %add3A_18, %max3A_19 : vector<4096x64xf32>
    %get3A_21 = arith.constant 0 : index
    %get3A_22 = arith.constant 0 : index
    %get3A_23 = vector.load %arg4[%get3A_21, %get3A_22] : memref<64x64xf32, #tpu.memory_space<vmem>>, vector<64x64xf32>
    %dot_general3A_24 = arith.constant dense<0.000000e+00> : vector<4096x64xf32>
    %dot_general3A_25 = tpu.matmul %max3A_20, %get3A_23, %dot_general3A_24 {dimension_numbers = #tpu.dot_dimension_numbers<[1], [0], [0], [1], [0, 0, 1, 1], [], []>, transpose_lhs_hint = false} : vector<4096x64xf32>, vector<64x64xf32>, vector<4096x64xf32> -> vector<4096x64xf32>
    %get3A_26 = arith.constant 0 : index
    %get3A_27 = arith.constant 0 : index
    %get3A_28 = vector.load %arg5[%get3A_26, %get3A_27] : memref<1x64xf32, #tpu.memory_space<vmem>>, vector<1x64xf32>
    %add3A_29 = vector.broadcast %get3A_28 : vector<1x64xf32> to vector<4096x64xf32>
    %add3A_30 = arith.addf %dot_general3A_25, %add3A_29 : vector<4096x64xf32>
    %get3A_31 = arith.constant 0 : index
    %get3A_32 = arith.constant 0 : index
    %get3A_33 = vector.load %arg10[%get3A_31, %get3A_32] : memref<1x64xf32, #tpu.memory_space<vmem>>, vector<1x64xf32>
    %mul3A_34 = vector.broadcast %get3A_33 : vector<1x64xf32> to vector<4096x64xf32>
    %mul3A_35 = arith.mulf %add3A_30, %mul3A_34 : vector<4096x64xf32>
    %get3A_36 = arith.constant 0 : index
    %get3A_37 = arith.constant 0 : index
    %get3A_38 = vector.load %arg11[%get3A_36, %get3A_37] : memref<1x64xf32, #tpu.memory_space<vmem>>, vector<1x64xf32>
    %add3A_39 = vector.broadcast %get3A_38 : vector<1x64xf32> to vector<4096x64xf32>
    %add3A_40 = arith.addf %mul3A_35, %add3A_39 : vector<4096x64xf32>
    %max3A_41 = arith.constant 0.000000e+00 : f32
    %max3A_42 = vector.broadcast %max3A_41 : f32 to vector<4096x64xf32>
    %max3A_43 = arith.maximumf %add3A_40, %max3A_42 : vector<4096x64xf32>
    %get3A_44 = arith.constant 0 : index
    %get3A_45 = arith.constant 0 : index
    %get3A_46 = vector.load %arg6[%get3A_44, %get3A_45] : memref<64x128xf32, #tpu.memory_space<vmem>>, vector<64x128xf32>
    %dot_general3A_47 = arith.constant dense<0.000000e+00> : vector<4096x128xf32>
    %dot_general3A_48 = tpu.matmul %max3A_43, %get3A_46, %dot_general3A_47 {dimension_numbers = #tpu.dot_dimension_numbers<[1], [0], [0], [1], [0, 0, 1, 1], [], []>, transpose_lhs_hint = false} : vector<4096x64xf32>, vector<64x128xf32>, vector<4096x128xf32> -> vector<4096x128xf32>
    %get3A_49 = arith.constant 0 : index
    %get3A_50 = arith.constant 0 : index
    %get3A_51 = vector.load %arg7[%get3A_49, %get3A_50] : memref<1x128xf32, #tpu.memory_space<vmem>>, vector<1x128xf32>
    %add3A_52 = vector.broadcast %get3A_51 : vector<1x128xf32> to vector<4096x128xf32>
    %add3A_53 = arith.addf %dot_general3A_48, %add3A_52 : vector<4096x128xf32>
    %reduce_sum3A = arith.constant dense<0.000000e+00> : vector<128xf32>
    %reduce_sum3A_54 = vector.multi_reduction <add>, %add3A_53, %reduce_sum3A [0] : vector<4096x128xf32> to vector<128xf32>
    %broadcast_in_dim3A = vector.shape_cast %reduce_sum3A_54 : vector<128xf32> to vector<1x128xf32>
    %broadcast_in_dim3A_55 = vector.shape_cast %broadcast_in_dim3A : vector<1x128xf32> to vector<1x128xf32>
    %broadcast_in_dim3A_56 = vector.broadcast %broadcast_in_dim3A_55 : vector<1x128xf32> to vector<8x128xf32>
    %swap3A = arith.constant 0 : index
    %swap3A_57 = arith.constant 0 : index
    %swap3A_58 = arith.constant 0 : index
    %swap3A_59 = vector.load %arg12[%swap3A, %swap3A_57, %swap3A_58] : memref<1x8x128xf32, #tpu.memory_space<vmem>>, vector<1x8x128xf32>
    %swap3A_60 = vector.shape_cast %swap3A_59 : vector<1x8x128xf32> to vector<8x128xf32>
    %swap3A_61 = vector.shape_cast %broadcast_in_dim3A_56 : vector<8x128xf32> to vector<1x8x128xf32>
    tpu.vector_store %arg12[%swap3A, %swap3A_57, %swap3A_58], %swap3A_61 {strides = array<i32>} : memref<1x8x128xf32, #tpu.memory_space<vmem>>, vector<1x8x128xf32>,
    %mul3A_62 = arith.mulf %add3A_53, %add3A_53 : vector<4096x128xf32>
    %reduce_sum3A_63 = arith.constant dense<0.000000e+00> : vector<128xf32>
    %reduce_sum3A_64 = vector.multi_reduction <add>, %mul3A_62, %reduce_sum3A_63 [0] : vector<4096x128xf32> to vector<128xf32>
    %broadcast_in_dim3A_65 = vector.shape_cast %reduce_sum3A_64 : vector<128xf32> to vector<1x128xf32>
    %broadcast_in_dim3A_66 = vector.shape_cast %broadcast_in_dim3A_65 : vector<1x128xf32> to vector<1x128xf32>
    %broadcast_in_dim3A_67 = vector.broadcast %broadcast_in_dim3A_66 : vector<1x128xf32> to vector<8x128xf32>
    %swap3A_68 = arith.constant 0 : index
    %swap3A_69 = arith.constant 0 : index
    %swap3A_70 = arith.constant 0 : index
    %swap3A_71 = vector.load %arg13[%swap3A_68, %swap3A_69, %swap3A_70] : memref<1x8x128xf32, #tpu.memory_space<vmem>>, vector<1x8x128xf32>
    %swap3A_72 = vector.shape_cast %swap3A_71 : vector<1x8x128xf32> to vector<8x128xf32>
    %swap3A_73 = vector.shape_cast %broadcast_in_dim3A_67 : vector<8x128xf32> to vector<1x8x128xf32>
    tpu.vector_store %arg13[%swap3A_68, %swap3A_69, %swap3A_70], %swap3A_73 {strides = array<i32>} : memref<1x8x128xf32, #tpu.memory_space<vmem>>, vector<1x8x128xf32>,
    return
  }
  func.func @transform_0(%arg0: i32) -> (i32, i32) {
    %c0_i32 = arith.constant 0 : i32
    %c0_i32_0 = arith.constant 0 : i32
    return %arg0, %c0_i32 : i32, i32
  }
  func.func @transform_1(%arg0: i32) -> (i32, i32) {
    %c0_i32 = arith.constant 0 : i32
    %c0_i32_0 = arith.constant 0 : i32
    %c0_i32_1 = arith.constant 0 : i32
    return %c0_i32, %c0_i32_0 : i32, i32
  }
  func.func @transform_2(%arg0: i32) -> (i32, i32) {
    %c0_i32 = arith.constant 0 : i32
    %c0_i32_0 = arith.constant 0 : i32
    %c0_i32_1 = arith.constant 0 : i32
    return %c0_i32, %c0_i32_0 : i32, i32
  }
  func.func @transform_3(%arg0: i32) -> (i32, i32) {
    %c0_i32 = arith.constant 0 : i32
    %c0_i32_0 = arith.constant 0 : i32
    %c0_i32_1 = arith.constant 0 : i32
    return %c0_i32, %c0_i32_0 : i32, i32
  }
  func.func @transform_4(%arg0: i32) -> (i32, i32) {
    %c0_i32 = arith.constant 0 : i32
    %c0_i32_0 = arith.constant 0 : i32
    %c0_i32_1 = arith.constant 0 : i32
    return %c0_i32, %c0_i32_0 : i32, i32
  }
  func.func @transform_5(%arg0: i32) -> (i32, i32) {
    %c0_i32 = arith.constant 0 : i32
    %c0_i32_0 = arith.constant 0 : i32
    %c0_i32_1 = arith.constant 0 : i32
    return %c0_i32, %c0_i32_0 : i32, i32
  }
  func.func @transform_6(%arg0: i32) -> (i32, i32) {
    %c0_i32 = arith.constant 0 : i32
    %c0_i32_0 = arith.constant 0 : i32
    %c0_i32_1 = arith.constant 0 : i32
    return %c0_i32, %c0_i32_0 : i32, i32
  }
  func.func @transform_7(%arg0: i32) -> (i32, i32) {
    %c0_i32 = arith.constant 0 : i32
    %c0_i32_0 = arith.constant 0 : i32
    %c0_i32_1 = arith.constant 0 : i32
    return %c0_i32, %c0_i32_0 : i32, i32
  }
  func.func @transform_8(%arg0: i32) -> (i32, i32) {
    %c0_i32 = arith.constant 0 : i32
    %c0_i32_0 = arith.constant 0 : i32
    %c0_i32_1 = arith.constant 0 : i32
    return %c0_i32, %c0_i32_0 : i32, i32
  }
  func.func @transform_9(%arg0: i32) -> (i32, i32) {
    %c0_i32 = arith.constant 0 : i32
    %c0_i32_0 = arith.constant 0 : i32
    %c0_i32_1 = arith.constant 0 : i32
    return %c0_i32, %c0_i32_0 : i32, i32
  }
  func.func @transform_10(%arg0: i32) -> (i32, i32) {
    %c0_i32 = arith.constant 0 : i32
    %c0_i32_0 = arith.constant 0 : i32
    %c0_i32_1 = arith.constant 0 : i32
    return %c0_i32, %c0_i32_0 : i32, i32
  }
  func.func @transform_11(%arg0: i32) -> (i32, i32, i32) {
    %c0_i32 = arith.constant 0 : i32
    %c0_i32_0 = arith.constant 0 : i32
    %c0_i32_1 = arith.constant 0 : i32
    return %arg0, %c0_i32, %c0_i32_0 : i32, i32, i32
  }
  func.func @transform_12(%arg0: i32) -> (i32, i32, i32) {
    %c0_i32 = arith.constant 0 : i32
    %c0_i32_0 = arith.constant 0 : i32
    %c0_i32_1 = arith.constant 0 : i32
    return %arg0, %c0_i32, %c0_i32_0 : i32, i32, i32
  }
}

module attributes {stable_mosaic.version = 14 : i64} {
  func.func @_chain_stats_body(%arg0: i32, %arg1: memref<4096x6xf32, #tpu.memory_space<vmem>>, %arg2: memref<6x64xf32, #tpu.memory_space<vmem>>, %arg3: memref<1x64xf32, #tpu.memory_space<vmem>>, %arg4: memref<1x8x64xf32, #tpu.memory_space<vmem>>, %arg5: memref<1x8x64xf32, #tpu.memory_space<vmem>>) attributes {dimension_semantics = [#tpu.dimension_semantics<arbitrary>], iteration_bounds = array<i64: 128>, scalar_prefetch = 0 : i64, scratch_operands = 0 : i64, tpu.core_type = #tpu.core_type<tc>, window_params = [{transform_indices = @transform_0, window_bounds = array<i64: 4096, 6>}, {pipeline_mode = #tpu.pipeline_mode<synchronous>, transform_indices = @transform_1, window_bounds = array<i64: 6, 64>}, {pipeline_mode = #tpu.pipeline_mode<synchronous>, transform_indices = @transform_2, window_bounds = array<i64: 1, 64>}, {transform_indices = @transform_3, window_bounds = array<i64: 1, 8, 64>}, {transform_indices = @transform_4, window_bounds = array<i64: 1, 8, 64>}]} {
    %get3A = arith.constant 0 : index
    %get3A_0 = arith.constant 0 : index
    %get3A_1 = vector.load %arg1[%get3A, %get3A_0] : memref<4096x6xf32, #tpu.memory_space<vmem>>, vector<4096x6xf32>
    %get3A_2 = arith.constant 0 : index
    %get3A_3 = arith.constant 0 : index
    %get3A_4 = vector.load %arg2[%get3A_2, %get3A_3] : memref<6x64xf32, #tpu.memory_space<vmem>>, vector<6x64xf32>
    %dot_general3A = arith.constant dense<0.000000e+00> : vector<4096x64xf32>
    %dot_general3A_5 = tpu.matmul %get3A_1, %get3A_4, %dot_general3A {dimension_numbers = #tpu.dot_dimension_numbers<[1], [0], [0], [1], [0, 0, 1, 1], [], []>, transpose_lhs_hint = false} : vector<4096x6xf32>, vector<6x64xf32>, vector<4096x64xf32> -> vector<4096x64xf32>
    %get3A_6 = arith.constant 0 : index
    %get3A_7 = arith.constant 0 : index
    %get3A_8 = vector.load %arg3[%get3A_6, %get3A_7] : memref<1x64xf32, #tpu.memory_space<vmem>>, vector<1x64xf32>
    %add3A = vector.broadcast %get3A_8 : vector<1x64xf32> to vector<4096x64xf32>
    %add3A_9 = arith.addf %dot_general3A_5, %add3A : vector<4096x64xf32>
    %reduce_sum3A = arith.constant dense<0.000000e+00> : vector<64xf32>
    %reduce_sum3A_10 = vector.multi_reduction <add>, %add3A_9, %reduce_sum3A [0] : vector<4096x64xf32> to vector<64xf32>
    %broadcast_in_dim3A = vector.shape_cast %reduce_sum3A_10 : vector<64xf32> to vector<1x64xf32>
    %broadcast_in_dim3A_11 = vector.shape_cast %broadcast_in_dim3A : vector<1x64xf32> to vector<1x64xf32>
    %broadcast_in_dim3A_12 = vector.broadcast %broadcast_in_dim3A_11 : vector<1x64xf32> to vector<8x64xf32>
    %swap3A = arith.constant 0 : index
    %swap3A_13 = arith.constant 0 : index
    %swap3A_14 = arith.constant 0 : index
    %swap3A_15 = vector.load %arg4[%swap3A, %swap3A_13, %swap3A_14] : memref<1x8x64xf32, #tpu.memory_space<vmem>>, vector<1x8x64xf32>
    %swap3A_16 = vector.shape_cast %swap3A_15 : vector<1x8x64xf32> to vector<8x64xf32>
    %swap3A_17 = vector.shape_cast %broadcast_in_dim3A_12 : vector<8x64xf32> to vector<1x8x64xf32>
    tpu.vector_store %arg4[%swap3A, %swap3A_13, %swap3A_14], %swap3A_17 {strides = array<i32>} : memref<1x8x64xf32, #tpu.memory_space<vmem>>, vector<1x8x64xf32>,
    %mul3A = arith.mulf %add3A_9, %add3A_9 : vector<4096x64xf32>
    %reduce_sum3A_18 = arith.constant dense<0.000000e+00> : vector<64xf32>
    %reduce_sum3A_19 = vector.multi_reduction <add>, %mul3A, %reduce_sum3A_18 [0] : vector<4096x64xf32> to vector<64xf32>
    %broadcast_in_dim3A_20 = vector.shape_cast %reduce_sum3A_19 : vector<64xf32> to vector<1x64xf32>
    %broadcast_in_dim3A_21 = vector.shape_cast %broadcast_in_dim3A_20 : vector<1x64xf32> to vector<1x64xf32>
    %broadcast_in_dim3A_22 = vector.broadcast %broadcast_in_dim3A_21 : vector<1x64xf32> to vector<8x64xf32>
    %swap3A_23 = arith.constant 0 : index
    %swap3A_24 = arith.constant 0 : index
    %swap3A_25 = arith.constant 0 : index
    %swap3A_26 = vector.load %arg5[%swap3A_23, %swap3A_24, %swap3A_25] : memref<1x8x64xf32, #tpu.memory_space<vmem>>, vector<1x8x64xf32>
    %swap3A_27 = vector.shape_cast %swap3A_26 : vector<1x8x64xf32> to vector<8x64xf32>
    %swap3A_28 = vector.shape_cast %broadcast_in_dim3A_22 : vector<8x64xf32> to vector<1x8x64xf32>
    tpu.vector_store %arg5[%swap3A_23, %swap3A_24, %swap3A_25], %swap3A_28 {strides = array<i32>} : memref<1x8x64xf32, #tpu.memory_space<vmem>>, vector<1x8x64xf32>,
    return
  }
  func.func @transform_0(%arg0: i32) -> (i32, i32) {
    %c0_i32 = arith.constant 0 : i32
    %c0_i32_0 = arith.constant 0 : i32
    return %arg0, %c0_i32 : i32, i32
  }
  func.func @transform_1(%arg0: i32) -> (i32, i32) {
    %c0_i32 = arith.constant 0 : i32
    %c0_i32_0 = arith.constant 0 : i32
    %c0_i32_1 = arith.constant 0 : i32
    return %c0_i32, %c0_i32_0 : i32, i32
  }
  func.func @transform_2(%arg0: i32) -> (i32, i32) {
    %c0_i32 = arith.constant 0 : i32
    %c0_i32_0 = arith.constant 0 : i32
    %c0_i32_1 = arith.constant 0 : i32
    return %c0_i32, %c0_i32_0 : i32, i32
  }
  func.func @transform_3(%arg0: i32) -> (i32, i32, i32) {
    %c0_i32 = arith.constant 0 : i32
    %c0_i32_0 = arith.constant 0 : i32
    %c0_i32_1 = arith.constant 0 : i32
    return %arg0, %c0_i32, %c0_i32_0 : i32, i32, i32
  }
  func.func @transform_4(%arg0: i32) -> (i32, i32, i32) {
    %c0_i32 = arith.constant 0 : i32
    %c0_i32_0 = arith.constant 0 : i32
    %c0_i32_1 = arith.constant 0 : i32
    return %arg0, %c0_i32, %c0_i32_0 : i32, i32, i32
  }
}

module attributes {stable_mosaic.version = 14 : i64} {
  func.func @_chain_stats_body(%arg0: i32, %arg1: memref<4096x6xf32, #tpu.memory_space<vmem>>, %arg2: memref<6x64xf32, #tpu.memory_space<vmem>>, %arg3: memref<1x64xf32, #tpu.memory_space<vmem>>, %arg4: memref<64x96xf32, #tpu.memory_space<vmem>>, %arg5: memref<1x96xf32, #tpu.memory_space<vmem>>, %arg6: memref<1x64xf32, #tpu.memory_space<vmem>>, %arg7: memref<1x64xf32, #tpu.memory_space<vmem>>, %arg8: memref<1x8x96xf32, #tpu.memory_space<vmem>>, %arg9: memref<1x8x96xf32, #tpu.memory_space<vmem>>) attributes {dimension_semantics = [#tpu.dimension_semantics<arbitrary>], iteration_bounds = array<i64: 128>, scalar_prefetch = 0 : i64, scratch_operands = 0 : i64, tpu.core_type = #tpu.core_type<tc>, window_params = [{transform_indices = @transform_0, window_bounds = array<i64: 4096, 6>}, {pipeline_mode = #tpu.pipeline_mode<synchronous>, transform_indices = @transform_1, window_bounds = array<i64: 6, 64>}, {pipeline_mode = #tpu.pipeline_mode<synchronous>, transform_indices = @transform_2, window_bounds = array<i64: 1, 64>}, {pipeline_mode = #tpu.pipeline_mode<synchronous>, transform_indices = @transform_3, window_bounds = array<i64: 64, 96>}, {pipeline_mode = #tpu.pipeline_mode<synchronous>, transform_indices = @transform_4, window_bounds = array<i64: 1, 96>}, {pipeline_mode = #tpu.pipeline_mode<synchronous>, transform_indices = @transform_5, window_bounds = array<i64: 1, 64>}, {pipeline_mode = #tpu.pipeline_mode<synchronous>, transform_indices = @transform_6, window_bounds = array<i64: 1, 64>}, {transform_indices = @transform_7, window_bounds = array<i64: 1, 8, 96>}, {transform_indices = @transform_8, window_bounds = array<i64: 1, 8, 96>}]} {
    %get3A = arith.constant 0 : index
    %get3A_0 = arith.constant 0 : index
    %get3A_1 = vector.load %arg1[%get3A, %get3A_0] : memref<4096x6xf32, #tpu.memory_space<vmem>>, vector<4096x6xf32>
    %get3A_2 = arith.constant 0 : index
    %get3A_3 = arith.constant 0 : index
    %get3A_4 = vector.load %arg2[%get3A_2, %get3A_3] : memref<6x64xf32, #tpu.memory_space<vmem>>, vector<6x64xf32>
    %dot_general3A = arith.constant dense<0.000000e+00> : vector<4096x64xf32>
    %dot_general3A_5 = tpu.matmul %get3A_1, %get3A_4, %dot_general3A {dimension_numbers = #tpu.dot_dimension_numbers<[1], [0], [0], [1], [0, 0, 1, 1], [], []>, transpose_lhs_hint = false} : vector<4096x6xf32>, vector<6x64xf32>, vector<4096x64xf32> -> vector<4096x64xf32>
    %get3A_6 = arith.constant 0 : index
    %get3A_7 = arith.constant 0 : index
    %get3A_8 = vector.load %arg3[%get3A_6, %get3A_7] : memref<1x64xf32, #tpu.memory_space<vmem>>, vector<1x64xf32>
    %add3A = vector.broadcast %get3A_8 : vector<1x64xf32> to vector<4096x64xf32>
    %add3A_9 = arith.addf %dot_general3A_5, %add3A : vector<4096x64xf32>
    %get3A_10 = arith.constant 0 : index
    %get3A_11 = arith.constant 0 : index
    %get3A_12 = vector.load %arg6[%get3A_10, %get3A_11] : memref<1x64xf32, #tpu.memory_space<vmem>>, vector<1x64xf32>
    %mul3A = vector.broadcast %get3A_12 : vector<1x64xf32> to vector<4096x64xf32>
    %mul3A_13 = arith.mulf %add3A_9, %mul3A : vector<4096x64xf32>
    %get3A_14 = arith.constant 0 : index
    %get3A_15 = arith.constant 0 : index
    %get3A_16 = vector.load %arg7[%get3A_14, %get3A_15] : memref<1x64xf32, #tpu.memory_space<vmem>>, vector<1x64xf32>
    %add3A_17 = vector.broadcast %get3A_16 : vector<1x64xf32> to vector<4096x64xf32>
    %add3A_18 = arith.addf %mul3A_13, %add3A_17 : vector<4096x64xf32>
    %max3A = arith.constant 0.000000e+00 : f32
    %max3A_19 = vector.broadcast %max3A : f32 to vector<4096x64xf32>
    %max3A_20 = arith.maximumf %add3A_18, %max3A_19 : vector<4096x64xf32>
    %get3A_21 = arith.constant 0 : index
    %get3A_22 = arith.constant 0 : index
    %get3A_23 = vector.load %arg4[%get3A_21, %get3A_22] : memref<64x96xf32, #tpu.memory_space<vmem>>, vector<64x96xf32>
    %dot_general3A_24 = arith.constant dense<0.000000e+00> : vector<4096x96xf32>
    %dot_general3A_25 = tpu.matmul %max3A_20, %get3A_23, %dot_general3A_24 {dimension_numbers = #tpu.dot_dimension_numbers<[1], [0], [0], [1], [0, 0, 1, 1], [], []>, transpose_lhs_hint = false} : vector<4096x64xf32>, vector<64x96xf32>, vector<4096x96xf32> -> vector<4096x96xf32>
    %get3A_26 = arith.constant 0 : index
    %get3A_27 = arith.constant 0 : index
    %get3A_28 = vector.load %arg5[%get3A_26, %get3A_27] : memref<1x96xf32, #tpu.memory_space<vmem>>, vector<1x96xf32>
    %add3A_29 = vector.broadcast %get3A_28 : vector<1x96xf32> to vector<4096x96xf32>
    %add3A_30 = arith.addf %dot_general3A_25, %add3A_29 : vector<4096x96xf32>
    %reduce_sum3A = arith.constant dense<0.000000e+00> : vector<96xf32>
    %reduce_sum3A_31 = vector.multi_reduction <add>, %add3A_30, %reduce_sum3A [0] : vector<4096x96xf32> to vector<96xf32>
    %broadcast_in_dim3A = vector.shape_cast %reduce_sum3A_31 : vector<96xf32> to vector<1x96xf32>
    %broadcast_in_dim3A_32 = vector.shape_cast %broadcast_in_dim3A : vector<1x96xf32> to vector<1x96xf32>
    %broadcast_in_dim3A_33 = vector.broadcast %broadcast_in_dim3A_32 : vector<1x96xf32> to vector<8x96xf32>
    %swap3A = arith.constant 0 : index
    %swap3A_34 = arith.constant 0 : index
    %swap3A_35 = arith.constant 0 : index
    %swap3A_36 = vector.load %arg8[%swap3A, %swap3A_34, %swap3A_35] : memref<1x8x96xf32, #tpu.memory_space<vmem>>, vector<1x8x96xf32>
    %swap3A_37 = vector.shape_cast %swap3A_36 : vector<1x8x96xf32> to vector<8x96xf32>
    %swap3A_38 = vector.shape_cast %broadcast_in_dim3A_33 : vector<8x96xf32> to vector<1x8x96xf32>
    tpu.vector_store %arg8[%swap3A, %swap3A_34, %swap3A_35], %swap3A_38 {strides = array<i32>} : memref<1x8x96xf32, #tpu.memory_space<vmem>>, vector<1x8x96xf32>,
    %mul3A_39 = arith.mulf %add3A_30, %add3A_30 : vector<4096x96xf32>
    %reduce_sum3A_40 = arith.constant dense<0.000000e+00> : vector<96xf32>
    %reduce_sum3A_41 = vector.multi_reduction <add>, %mul3A_39, %reduce_sum3A_40 [0] : vector<4096x96xf32> to vector<96xf32>
    %broadcast_in_dim3A_42 = vector.shape_cast %reduce_sum3A_41 : vector<96xf32> to vector<1x96xf32>
    %broadcast_in_dim3A_43 = vector.shape_cast %broadcast_in_dim3A_42 : vector<1x96xf32> to vector<1x96xf32>
    %broadcast_in_dim3A_44 = vector.broadcast %broadcast_in_dim3A_43 : vector<1x96xf32> to vector<8x96xf32>
    %swap3A_45 = arith.constant 0 : index
    %swap3A_46 = arith.constant 0 : index
    %swap3A_47 = arith.constant 0 : index
    %swap3A_48 = vector.load %arg9[%swap3A_45, %swap3A_46, %swap3A_47] : memref<1x8x96xf32, #tpu.memory_space<vmem>>, vector<1x8x96xf32>
    %swap3A_49 = vector.shape_cast %swap3A_48 : vector<1x8x96xf32> to vector<8x96xf32>
    %swap3A_50 = vector.shape_cast %broadcast_in_dim3A_44 : vector<8x96xf32> to vector<1x8x96xf32>
    tpu.vector_store %arg9[%swap3A_45, %swap3A_46, %swap3A_47], %swap3A_50 {strides = array<i32>} : memref<1x8x96xf32, #tpu.memory_space<vmem>>, vector<1x8x96xf32>,
    return
  }
  func.func @transform_0(%arg0: i32) -> (i32, i32) {
    %c0_i32 = arith.constant 0 : i32
    %c0_i32_0 = arith.constant 0 : i32
    return %arg0, %c0_i32 : i32, i32
  }
  func.func @transform_1(%arg0: i32) -> (i32, i32) {
    %c0_i32 = arith.constant 0 : i32
    %c0_i32_0 = arith.constant 0 : i32
    %c0_i32_1 = arith.constant 0 : i32
    return %c0_i32, %c0_i32_0 : i32, i32
  }
  func.func @transform_2(%arg0: i32) -> (i32, i32) {
    %c0_i32 = arith.constant 0 : i32
    %c0_i32_0 = arith.constant 0 : i32
    %c0_i32_1 = arith.constant 0 : i32
    return %c0_i32, %c0_i32_0 : i32, i32
  }
  func.func @transform_3(%arg0: i32) -> (i32, i32) {
    %c0_i32 = arith.constant 0 : i32
    %c0_i32_0 = arith.constant 0 : i32
    %c0_i32_1 = arith.constant 0 : i32
    return %c0_i32, %c0_i32_0 : i32, i32
  }
  func.func @transform_4(%arg0: i32) -> (i32, i32) {
    %c0_i32 = arith.constant 0 : i32
    %c0_i32_0 = arith.constant 0 : i32
    %c0_i32_1 = arith.constant 0 : i32
    return %c0_i32, %c0_i32_0 : i32, i32
  }
  func.func @transform_5(%arg0: i32) -> (i32, i32) {
    %c0_i32 = arith.constant 0 : i32
    %c0_i32_0 = arith.constant 0 : i32
    %c0_i32_1 = arith.constant 0 : i32
    return %c0_i32, %c0_i32_0 : i32, i32
  }
  func.func @transform_6(%arg0: i32) -> (i32, i32) {
    %c0_i32 = arith.constant 0 : i32
    %c0_i32_0 = arith.constant 0 : i32
    %c0_i32_1 = arith.constant 0 : i32
    return %c0_i32, %c0_i32_0 : i32, i32
  }
  func.func @transform_7(%arg0: i32) -> (i32, i32, i32) {
    %c0_i32 = arith.constant 0 : i32
    %c0_i32_0 = arith.constant 0 : i32
    %c0_i32_1 = arith.constant 0 : i32
    return %arg0, %c0_i32, %c0_i32_0 : i32, i32, i32
  }
  func.func @transform_8(%arg0: i32) -> (i32, i32, i32) {
    %c0_i32 = arith.constant 0 : i32
    %c0_i32_0 = arith.constant 0 : i32
    %c0_i32_1 = arith.constant 0 : i32
    return %arg0, %c0_i32, %c0_i32_0 : i32, i32, i32
  }
}

module attributes {stable_mosaic.version = 14 : i64} {
  func.func @_chain_stats_body(%arg0: i32, %arg1: memref<4096x6xf32, #tpu.memory_space<vmem>>, %arg2: memref<6x64xf32, #tpu.memory_space<vmem>>, %arg3: memref<1x64xf32, #tpu.memory_space<vmem>>, %arg4: memref<64x96xf32, #tpu.memory_space<vmem>>, %arg5: memref<1x96xf32, #tpu.memory_space<vmem>>, %arg6: memref<96x128xf32, #tpu.memory_space<vmem>>, %arg7: memref<1x128xf32, #tpu.memory_space<vmem>>, %arg8: memref<1x64xf32, #tpu.memory_space<vmem>>, %arg9: memref<1x64xf32, #tpu.memory_space<vmem>>, %arg10: memref<1x96xf32, #tpu.memory_space<vmem>>, %arg11: memref<1x96xf32, #tpu.memory_space<vmem>>, %arg12: memref<1x8x128xf32, #tpu.memory_space<vmem>>, %arg13: memref<1x8x128xf32, #tpu.memory_space<vmem>>) attributes {dimension_semantics = [#tpu.dimension_semantics<arbitrary>], iteration_bounds = array<i64: 128>, scalar_prefetch = 0 : i64, scratch_operands = 0 : i64, tpu.core_type = #tpu.core_type<tc>, window_params = [{transform_indices = @transform_0, window_bounds = array<i64: 4096, 6>}, {pipeline_mode = #tpu.pipeline_mode<synchronous>, transform_indices = @transform_1, window_bounds = array<i64: 6, 64>}, {pipeline_mode = #tpu.pipeline_mode<synchronous>, transform_indices = @transform_2, window_bounds = array<i64: 1, 64>}, {pipeline_mode = #tpu.pipeline_mode<synchronous>, transform_indices = @transform_3, window_bounds = array<i64: 64, 96>}, {pipeline_mode = #tpu.pipeline_mode<synchronous>, transform_indices = @transform_4, window_bounds = array<i64: 1, 96>}, {pipeline_mode = #tpu.pipeline_mode<synchronous>, transform_indices = @transform_5, window_bounds = array<i64: 96, 128>}, {pipeline_mode = #tpu.pipeline_mode<synchronous>, transform_indices = @transform_6, window_bounds = array<i64: 1, 128>}, {pipeline_mode = #tpu.pipeline_mode<synchronous>, transform_indices = @transform_7, window_bounds = array<i64: 1, 64>}, {pipeline_mode = #tpu.pipeline_mode<synchronous>, transform_indices = @transform_8, window_bounds = array<i64: 1, 64>}, {pipeline_mode = #tpu.pipeline_mode<synchronous>, transform_indices = @transform_9, window_bounds = array<i64: 1, 96>}, {pipeline_mode = #tpu.pipeline_mode<synchronous>, transform_indices = @transform_10, window_bounds = array<i64: 1, 96>}, {transform_indices = @transform_11, window_bounds = array<i64: 1, 8, 128>}, {transform_indices = @transform_12, window_bounds = array<i64: 1, 8, 128>}]} {
    %get3A = arith.constant 0 : index
    %get3A_0 = arith.constant 0 : index
    %get3A_1 = vector.load %arg1[%get3A, %get3A_0] : memref<4096x6xf32, #tpu.memory_space<vmem>>, vector<4096x6xf32>
    %get3A_2 = arith.constant 0 : index
    %get3A_3 = arith.constant 0 : index
    %get3A_4 = vector.load %arg2[%get3A_2, %get3A_3] : memref<6x64xf32, #tpu.memory_space<vmem>>, vector<6x64xf32>
    %dot_general3A = arith.constant dense<0.000000e+00> : vector<4096x64xf32>
    %dot_general3A_5 = tpu.matmul %get3A_1, %get3A_4, %dot_general3A {dimension_numbers = #tpu.dot_dimension_numbers<[1], [0], [0], [1], [0, 0, 1, 1], [], []>, transpose_lhs_hint = false} : vector<4096x6xf32>, vector<6x64xf32>, vector<4096x64xf32> -> vector<4096x64xf32>
    %get3A_6 = arith.constant 0 : index
    %get3A_7 = arith.constant 0 : index
    %get3A_8 = vector.load %arg3[%get3A_6, %get3A_7] : memref<1x64xf32, #tpu.memory_space<vmem>>, vector<1x64xf32>
    %add3A = vector.broadcast %get3A_8 : vector<1x64xf32> to vector<4096x64xf32>
    %add3A_9 = arith.addf %dot_general3A_5, %add3A : vector<4096x64xf32>
    %get3A_10 = arith.constant 0 : index
    %get3A_11 = arith.constant 0 : index
    %get3A_12 = vector.load %arg8[%get3A_10, %get3A_11] : memref<1x64xf32, #tpu.memory_space<vmem>>, vector<1x64xf32>
    %mul3A = vector.broadcast %get3A_12 : vector<1x64xf32> to vector<4096x64xf32>
    %mul3A_13 = arith.mulf %add3A_9, %mul3A : vector<4096x64xf32>
    %get3A_14 = arith.constant 0 : index
    %get3A_15 = arith.constant 0 : index
    %get3A_16 = vector.load %arg9[%get3A_14, %get3A_15] : memref<1x64xf32, #tpu.memory_space<vmem>>, vector<1x64xf32>
    %add3A_17 = vector.broadcast %get3A_16 : vector<1x64xf32> to vector<4096x64xf32>
    %add3A_18 = arith.addf %mul3A_13, %add3A_17 : vector<4096x64xf32>
    %max3A = arith.constant 0.000000e+00 : f32
    %max3A_19 = vector.broadcast %max3A : f32 to vector<4096x64xf32>
    %max3A_20 = arith.maximumf %add3A_18, %max3A_19 : vector<4096x64xf32>
    %get3A_21 = arith.constant 0 : index
    %get3A_22 = arith.constant 0 : index
    %get3A_23 = vector.load %arg4[%get3A_21, %get3A_22] : memref<64x96xf32, #tpu.memory_space<vmem>>, vector<64x96xf32>
    %dot_general3A_24 = arith.constant dense<0.000000e+00> : vector<4096x96xf32>
    %dot_general3A_25 = tpu.matmul %max3A_20, %get3A_23, %dot_general3A_24 {dimension_numbers = #tpu.dot_dimension_numbers<[1], [0], [0], [1], [0, 0, 1, 1], [], []>, transpose_lhs_hint = false} : vector<4096x64xf32>, vector<64x96xf32>, vector<4096x96xf32> -> vector<4096x96xf32>
    %get3A_26 = arith.constant 0 : index
    %get3A_27 = arith.constant 0 : index
    %get3A_28 = vector.load %arg5[%get3A_26, %get3A_27] : memref<1x96xf32, #tpu.memory_space<vmem>>, vector<1x96xf32>
    %add3A_29 = vector.broadcast %get3A_28 : vector<1x96xf32> to vector<4096x96xf32>
    %add3A_30 = arith.addf %dot_general3A_25, %add3A_29 : vector<4096x96xf32>
    %get3A_31 = arith.constant 0 : index
    %get3A_32 = arith.constant 0 : index
    %get3A_33 = vector.load %arg10[%get3A_31, %get3A_32] : memref<1x96xf32, #tpu.memory_space<vmem>>, vector<1x96xf32>
    %mul3A_34 = vector.broadcast %get3A_33 : vector<1x96xf32> to vector<4096x96xf32>
    %mul3A_35 = arith.mulf %add3A_30, %mul3A_34 : vector<4096x96xf32>
    %get3A_36 = arith.constant 0 : index
    %get3A_37 = arith.constant 0 : index
    %get3A_38 = vector.load %arg11[%get3A_36, %get3A_37] : memref<1x96xf32, #tpu.memory_space<vmem>>, vector<1x96xf32>
    %add3A_39 = vector.broadcast %get3A_38 : vector<1x96xf32> to vector<4096x96xf32>
    %add3A_40 = arith.addf %mul3A_35, %add3A_39 : vector<4096x96xf32>
    %max3A_41 = arith.constant 0.000000e+00 : f32
    %max3A_42 = vector.broadcast %max3A_41 : f32 to vector<4096x96xf32>
    %max3A_43 = arith.maximumf %add3A_40, %max3A_42 : vector<4096x96xf32>
    %get3A_44 = arith.constant 0 : index
    %get3A_45 = arith.constant 0 : index
    %get3A_46 = vector.load %arg6[%get3A_44, %get3A_45] : memref<96x128xf32, #tpu.memory_space<vmem>>, vector<96x128xf32>
    %dot_general3A_47 = arith.constant dense<0.000000e+00> : vector<4096x128xf32>
    %dot_general3A_48 = tpu.matmul %max3A_43, %get3A_46, %dot_general3A_47 {dimension_numbers = #tpu.dot_dimension_numbers<[1], [0], [0], [1], [0, 0, 1, 1], [], []>, transpose_lhs_hint = false} : vector<4096x96xf32>, vector<96x128xf32>, vector<4096x128xf32> -> vector<4096x128xf32>
    %get3A_49 = arith.constant 0 : index
    %get3A_50 = arith.constant 0 : index
    %get3A_51 = vector.load %arg7[%get3A_49, %get3A_50] : memref<1x128xf32, #tpu.memory_space<vmem>>, vector<1x128xf32>
    %add3A_52 = vector.broadcast %get3A_51 : vector<1x128xf32> to vector<4096x128xf32>
    %add3A_53 = arith.addf %dot_general3A_48, %add3A_52 : vector<4096x128xf32>
    %reduce_sum3A = arith.constant dense<0.000000e+00> : vector<128xf32>
    %reduce_sum3A_54 = vector.multi_reduction <add>, %add3A_53, %reduce_sum3A [0] : vector<4096x128xf32> to vector<128xf32>
    %broadcast_in_dim3A = vector.shape_cast %reduce_sum3A_54 : vector<128xf32> to vector<1x128xf32>
    %broadcast_in_dim3A_55 = vector.shape_cast %broadcast_in_dim3A : vector<1x128xf32> to vector<1x128xf32>
    %broadcast_in_dim3A_56 = vector.broadcast %broadcast_in_dim3A_55 : vector<1x128xf32> to vector<8x128xf32>
    %swap3A = arith.constant 0 : index
    %swap3A_57 = arith.constant 0 : index
    %swap3A_58 = arith.constant 0 : index
    %swap3A_59 = vector.load %arg12[%swap3A, %swap3A_57, %swap3A_58] : memref<1x8x128xf32, #tpu.memory_space<vmem>>, vector<1x8x128xf32>
    %swap3A_60 = vector.shape_cast %swap3A_59 : vector<1x8x128xf32> to vector<8x128xf32>
    %swap3A_61 = vector.shape_cast %broadcast_in_dim3A_56 : vector<8x128xf32> to vector<1x8x128xf32>
    tpu.vector_store %arg12[%swap3A, %swap3A_57, %swap3A_58], %swap3A_61 {strides = array<i32>} : memref<1x8x128xf32, #tpu.memory_space<vmem>>, vector<1x8x128xf32>,
    %mul3A_62 = arith.mulf %add3A_53, %add3A_53 : vector<4096x128xf32>
    %reduce_sum3A_63 = arith.constant dense<0.000000e+00> : vector<128xf32>
    %reduce_sum3A_64 = vector.multi_reduction <add>, %mul3A_62, %reduce_sum3A_63 [0] : vector<4096x128xf32> to vector<128xf32>
    %broadcast_in_dim3A_65 = vector.shape_cast %reduce_sum3A_64 : vector<128xf32> to vector<1x128xf32>
    %broadcast_in_dim3A_66 = vector.shape_cast %broadcast_in_dim3A_65 : vector<1x128xf32> to vector<1x128xf32>
    %broadcast_in_dim3A_67 = vector.broadcast %broadcast_in_dim3A_66 : vector<1x128xf32> to vector<8x128xf32>
    %swap3A_68 = arith.constant 0 : index
    %swap3A_69 = arith.constant 0 : index
    %swap3A_70 = arith.constant 0 : index
    %swap3A_71 = vector.load %arg13[%swap3A_68, %swap3A_69, %swap3A_70] : memref<1x8x128xf32, #tpu.memory_space<vmem>>, vector<1x8x128xf32>
    %swap3A_72 = vector.shape_cast %swap3A_71 : vector<1x8x128xf32> to vector<8x128xf32>
    %swap3A_73 = vector.shape_cast %broadcast_in_dim3A_67 : vector<8x128xf32> to vector<1x8x128xf32>
    tpu.vector_store %arg13[%swap3A_68, %swap3A_69, %swap3A_70], %swap3A_73 {strides = array<i32>} : memref<1x8x128xf32, #tpu.memory_space<vmem>>, vector<1x8x128xf32>,
    return
  }
  func.func @transform_0(%arg0: i32) -> (i32, i32) {
    %c0_i32 = arith.constant 0 : i32
    %c0_i32_0 = arith.constant 0 : i32
    return %arg0, %c0_i32 : i32, i32
  }
  func.func @transform_1(%arg0: i32) -> (i32, i32) {
    %c0_i32 = arith.constant 0 : i32
    %c0_i32_0 = arith.constant 0 : i32
    %c0_i32_1 = arith.constant 0 : i32
    return %c0_i32, %c0_i32_0 : i32, i32
  }
  func.func @transform_2(%arg0: i32) -> (i32, i32) {
    %c0_i32 = arith.constant 0 : i32
    %c0_i32_0 = arith.constant 0 : i32
    %c0_i32_1 = arith.constant 0 : i32
    return %c0_i32, %c0_i32_0 : i32, i32
  }
  func.func @transform_3(%arg0: i32) -> (i32, i32) {
    %c0_i32 = arith.constant 0 : i32
    %c0_i32_0 = arith.constant 0 : i32
    %c0_i32_1 = arith.constant 0 : i32
    return %c0_i32, %c0_i32_0 : i32, i32
  }
  func.func @transform_4(%arg0: i32) -> (i32, i32) {
    %c0_i32 = arith.constant 0 : i32
    %c0_i32_0 = arith.constant 0 : i32
    %c0_i32_1 = arith.constant 0 : i32
    return %c0_i32, %c0_i32_0 : i32, i32
  }
  func.func @transform_5(%arg0: i32) -> (i32, i32) {
    %c0_i32 = arith.constant 0 : i32
    %c0_i32_0 = arith.constant 0 : i32
    %c0_i32_1 = arith.constant 0 : i32
    return %c0_i32, %c0_i32_0 : i32, i32
  }
  func.func @transform_6(%arg0: i32) -> (i32, i32) {
    %c0_i32 = arith.constant 0 : i32
    %c0_i32_0 = arith.constant 0 : i32
    %c0_i32_1 = arith.constant 0 : i32
    return %c0_i32, %c0_i32_0 : i32, i32
  }
  func.func @transform_7(%arg0: i32) -> (i32, i32) {
    %c0_i32 = arith.constant 0 : i32
    %c0_i32_0 = arith.constant 0 : i32
    %c0_i32_1 = arith.constant 0 : i32
    return %c0_i32, %c0_i32_0 : i32, i32
  }
  func.func @transform_8(%arg0: i32) -> (i32, i32) {
    %c0_i32 = arith.constant 0 : i32
    %c0_i32_0 = arith.constant 0 : i32
    %c0_i32_1 = arith.constant 0 : i32
    return %c0_i32, %c0_i32_0 : i32, i32
  }
  func.func @transform_9(%arg0: i32) -> (i32, i32) {
    %c0_i32 = arith.constant 0 : i32
    %c0_i32_0 = arith.constant 0 : i32
    %c0_i32_1 = arith.constant 0 : i32
    return %c0_i32, %c0_i32_0 : i32, i32
  }
  func.func @transform_10(%arg0: i32) -> (i32, i32) {
    %c0_i32 = arith.constant 0 : i32
    %c0_i32_0 = arith.constant 0 : i32
    %c0_i32_1 = arith.constant 0 : i32
    return %c0_i32, %c0_i32_0 : i32, i32
  }
  func.func @transform_11(%arg0: i32) -> (i32, i32, i32) {
    %c0_i32 = arith.constant 0 : i32
    %c0_i32_0 = arith.constant 0 : i32
    %c0_i32_1 = arith.constant 0 : i32
    return %arg0, %c0_i32, %c0_i32_0 : i32, i32, i32
  }
  func.func @transform_12(%arg0: i32) -> (i32, i32, i32) {
    %c0_i32 = arith.constant 0 : i32
    %c0_i32_0 = arith.constant 0 : i32
    %c0_i32_1 = arith.constant 0 : i32
    return %arg0, %c0_i32, %c0_i32_0 : i32, i32, i32
  }
}

module attributes {stable_mosaic.version = 14 : i64} {
  func.func @_chain_max_body(%arg0: i32, %arg1: memref<4096x6xf32, #tpu.memory_space<vmem>>, %arg2: memref<6x32xf32, #tpu.memory_space<vmem>>, %arg3: memref<1x32xf32, #tpu.memory_space<vmem>>, %arg4: memref<32x32xf32, #tpu.memory_space<vmem>>, %arg5: memref<1x32xf32, #tpu.memory_space<vmem>>, %arg6: memref<32x64xf32, #tpu.memory_space<vmem>>, %arg7: memref<1x64xf32, #tpu.memory_space<vmem>>, %arg8: memref<1x32xf32, #tpu.memory_space<vmem>>, %arg9: memref<1x32xf32, #tpu.memory_space<vmem>>, %arg10: memref<1x32xf32, #tpu.memory_space<vmem>>, %arg11: memref<1x32xf32, #tpu.memory_space<vmem>>, %arg12: memref<1x64xf32, #tpu.memory_space<vmem>>, %arg13: memref<1x64xf32, #tpu.memory_space<vmem>>, %arg14: memref<256x64xf32, #tpu.memory_space<vmem>>) attributes {dimension_semantics = [#tpu.dimension_semantics<arbitrary>], iteration_bounds = array<i64: 16>, scalar_prefetch = 0 : i64, scratch_operands = 0 : i64, tpu.core_type = #tpu.core_type<tc>, window_params = [{transform_indices = @transform_0, window_bounds = array<i64: 4096, 6>}, {pipeline_mode = #tpu.pipeline_mode<synchronous>, transform_indices = @transform_1, window_bounds = array<i64: 6, 32>}, {pipeline_mode = #tpu.pipeline_mode<synchronous>, transform_indices = @transform_2, window_bounds = array<i64: 1, 32>}, {pipeline_mode = #tpu.pipeline_mode<synchronous>, transform_indices = @transform_3, window_bounds = array<i64: 32, 32>}, {pipeline_mode = #tpu.pipeline_mode<synchronous>, transform_indices = @transform_4, window_bounds = array<i64: 1, 32>}, {pipeline_mode = #tpu.pipeline_mode<synchronous>, transform_indices = @transform_5, window_bounds = array<i64: 32, 64>}, {pipeline_mode = #tpu.pipeline_mode<synchronous>, transform_indices = @transform_6, window_bounds = array<i64: 1, 64>}, {pipeline_mode = #tpu.pipeline_mode<synchronous>, transform_indices = @transform_7, window_bounds = array<i64: 1, 32>}, {pipeline_mode = #tpu.pipeline_mode<synchronous>, transform_indices = @transform_8, window_bounds = array<i64: 1, 32>}, {pipeline_mode = #tpu.pipeline_mode<synchronous>, transform_indices = @transform_9, window_bounds = array<i64: 1, 32>}, {pipeline_mode = #tpu.pipeline_mode<synchronous>, transform_indices = @transform_10, window_bounds = array<i64: 1, 32>}, {pipeline_mode = #tpu.pipeline_mode<synchronous>, transform_indices = @transform_11, window_bounds = array<i64: 1, 64>}, {pipeline_mode = #tpu.pipeline_mode<synchronous>, transform_indices = @transform_12, window_bounds = array<i64: 1, 64>}, {transform_indices = @transform_13, window_bounds = array<i64: 256, 64>}]} {
    %get3A = arith.constant 0 : index
    %get3A_0 = arith.constant 0 : index
    %get3A_1 = vector.load %arg1[%get3A, %get3A_0] : memref<4096x6xf32, #tpu.memory_space<vmem>>, vector<4096x6xf32>
    %get3A_2 = arith.constant 0 : index
    %get3A_3 = arith.constant 0 : index
    %get3A_4 = vector.load %arg2[%get3A_2, %get3A_3] : memref<6x32xf32, #tpu.memory_space<vmem>>, vector<6x32xf32>
    %dot_general3A = arith.constant dense<0.000000e+00> : vector<4096x32xf32>
    %dot_general3A_5 = tpu.matmul %get3A_1, %get3A_4, %dot_general3A {dimension_numbers = #tpu.dot_dimension_numbers<[1], [0], [0], [1], [0, 0, 1, 1], [], []>, transpose_lhs_hint = false} : vector<4096x6xf32>, vector<6x32xf32>, vector<4096x32xf32> -> vector<4096x32xf32>
    %get3A_6 = arith.constant 0 : index
    %get3A_7 = arith.constant 0 : index
    %get3A_8 = vector.load %arg3[%get3A_6, %get3A_7] : memref<1x32xf32, #tpu.memory_space<vmem>>, vector<1x32xf32>
    %add3A = vector.broadcast %get3A_8 : vector<1x32xf32> to vector<4096x32xf32>
    %add3A_9 = arith.addf %dot_general3A_5, %add3A : vector<4096x32xf32>
    %get3A_10 = arith.constant 0 : index
    %get3A_11 = arith.constant 0 : index
    %get3A_12 = vector.load %arg8[%get3A_10, %get3A_11] : memref<1x32xf32, #tpu.memory_space<vmem>>, vector<1x32xf32>
    %mul3A = vector.broadcast %get3A_12 : vector<1x32xf32> to vector<4096x32xf32>
    %mul3A_13 = arith.mulf %add3A_9, %mul3A : vector<4096x32xf32>
    %get3A_14 = arith.constant 0 : index
    %get3A_15 = arith.constant 0 : index
    %get3A_16 = vector.load %arg9[%get3A_14, %get3A_15] : memref<1x32xf32, #tpu.memory_space<vmem>>, vector<1x32xf32>
    %add3A_17 = vector.broadcast %get3A_16 : vector<1x32xf32> to vector<4096x32xf32>
    %add3A_18 = arith.addf %mul3A_13, %add3A_17 : vector<4096x32xf32>
    %max3A = arith.constant 0.000000e+00 : f32
    %max3A_19 = vector.broadcast %max3A : f32 to vector<4096x32xf32>
    %max3A_20 = arith.maximumf %add3A_18, %max3A_19 : vector<4096x32xf32>
    %get3A_21 = arith.constant 0 : index
    %get3A_22 = arith.constant 0 : index
    %get3A_23 = vector.load %arg4[%get3A_21, %get3A_22] : memref<32x32xf32, #tpu.memory_space<vmem>>, vector<32x32xf32>
    %dot_general3A_24 = arith.constant dense<0.000000e+00> : vector<4096x32xf32>
    %dot_general3A_25 = tpu.matmul %max3A_20, %get3A_23, %dot_general3A_24 {dimension_numbers = #tpu.dot_dimension_numbers<[1], [0], [0], [1], [0, 0, 1, 1], [], []>, transpose_lhs_hint = false} : vector<4096x32xf32>, vector<32x32xf32>, vector<4096x32xf32> -> vector<4096x32xf32>
    %get3A_26 = arith.constant 0 : index
    %get3A_27 = arith.constant 0 : index
    %get3A_28 = vector.load %arg5[%get3A_26, %get3A_27] : memref<1x32xf32, #tpu.memory_space<vmem>>, vector<1x32xf32>
    %add3A_29 = vector.broadcast %get3A_28 : vector<1x32xf32> to vector<4096x32xf32>
    %add3A_30 = arith.addf %dot_general3A_25, %add3A_29 : vector<4096x32xf32>
    %get3A_31 = arith.constant 0 : index
    %get3A_32 = arith.constant 0 : index
    %get3A_33 = vector.load %arg10[%get3A_31, %get3A_32] : memref<1x32xf32, #tpu.memory_space<vmem>>, vector<1x32xf32>
    %mul3A_34 = vector.broadcast %get3A_33 : vector<1x32xf32> to vector<4096x32xf32>
    %mul3A_35 = arith.mulf %add3A_30, %mul3A_34 : vector<4096x32xf32>
    %get3A_36 = arith.constant 0 : index
    %get3A_37 = arith.constant 0 : index
    %get3A_38 = vector.load %arg11[%get3A_36, %get3A_37] : memref<1x32xf32, #tpu.memory_space<vmem>>, vector<1x32xf32>
    %add3A_39 = vector.broadcast %get3A_38 : vector<1x32xf32> to vector<4096x32xf32>
    %add3A_40 = arith.addf %mul3A_35, %add3A_39 : vector<4096x32xf32>
    %max3A_41 = arith.constant 0.000000e+00 : f32
    %max3A_42 = vector.broadcast %max3A_41 : f32 to vector<4096x32xf32>
    %max3A_43 = arith.maximumf %add3A_40, %max3A_42 : vector<4096x32xf32>
    %get3A_44 = arith.constant 0 : index
    %get3A_45 = arith.constant 0 : index
    %get3A_46 = vector.load %arg6[%get3A_44, %get3A_45] : memref<32x64xf32, #tpu.memory_space<vmem>>, vector<32x64xf32>
    %dot_general3A_47 = arith.constant dense<0.000000e+00> : vector<4096x64xf32>
    %dot_general3A_48 = tpu.matmul %max3A_43, %get3A_46, %dot_general3A_47 {dimension_numbers = #tpu.dot_dimension_numbers<[1], [0], [0], [1], [0, 0, 1, 1], [], []>, transpose_lhs_hint = false} : vector<4096x32xf32>, vector<32x64xf32>, vector<4096x64xf32> -> vector<4096x64xf32>
    %get3A_49 = arith.constant 0 : index
    %get3A_50 = arith.constant 0 : index
    %get3A_51 = vector.load %arg7[%get3A_49, %get3A_50] : memref<1x64xf32, #tpu.memory_space<vmem>>, vector<1x64xf32>
    %add3A_52 = vector.broadcast %get3A_51 : vector<1x64xf32> to vector<4096x64xf32>
    %add3A_53 = arith.addf %dot_general3A_48, %add3A_52 : vector<4096x64xf32>
    %get3A_54 = arith.constant 0 : index
    %get3A_55 = arith.constant 0 : index
    %get3A_56 = vector.load %arg12[%get3A_54, %get3A_55] : memref<1x64xf32, #tpu.memory_space<vmem>>, vector<1x64xf32>
    %mul3A_57 = vector.broadcast %get3A_56 : vector<1x64xf32> to vector<4096x64xf32>
    %mul3A_58 = arith.mulf %add3A_53, %mul3A_57 : vector<4096x64xf32>
    %get3A_59 = arith.constant 0 : index
    %get3A_60 = arith.constant 0 : index
    %get3A_61 = vector.load %arg13[%get3A_59, %get3A_60] : memref<1x64xf32, #tpu.memory_space<vmem>>, vector<1x64xf32>
    %add3A_62 = vector.broadcast %get3A_61 : vector<1x64xf32> to vector<4096x64xf32>
    %add3A_63 = arith.addf %mul3A_58, %add3A_62 : vector<4096x64xf32>
    %max3A_64 = arith.constant 0.000000e+00 : f32
    %max3A_65 = vector.broadcast %max3A_64 : f32 to vector<4096x64xf32>
    %max3A_66 = arith.maximumf %add3A_63, %max3A_65 : vector<4096x64xf32>
    %reshape3A = vector.shape_cast %max3A_66 : vector<4096x64xf32> to vector<256x16x64xf32>
    %reduce_max3A = arith.constant dense<0xFF800000> : vector<256x64xf32>
    %reduce_max3A_67 = vector.multi_reduction <maximumf>, %reshape3A, %reduce_max3A [1] : vector<256x16x64xf32> to vector<256x64xf32>
    %swap3A = arith.constant 0 : index
    %swap3A_68 = arith.constant 0 : index
    %swap3A_69 = vector.load %arg14[%swap3A, %swap3A_68] : memref<256x64xf32, #tpu.memory_space<vmem>>, vector<256x64xf32>
    tpu.vector_store %arg14[%swap3A, %swap3A_68], %reduce_max3A_67 {strides = array<i32>} : memref<256x64xf32, #tpu.memory_space<vmem>>, vector<256x64xf32>,
    return
  }
  func.func @transform_0(%arg0: i32) -> (i32, i32) {
    %c0_i32 = arith.constant 0 : i32
    %c0_i32_0 = arith.constant 0 : i32
    return %arg0, %c0_i32 : i32, i32
  }
  func.func @transform_1(%arg0: i32) -> (i32, i32) {
    %c0_i32 = arith.constant 0 : i32
    %c0_i32_0 = arith.constant 0 : i32
    %c0_i32_1 = arith.constant 0 : i32
    return %c0_i32, %c0_i32_0 : i32, i32
  }
  func.func @transform_2(%arg0: i32) -> (i32, i32) {
    %c0_i32 = arith.constant 0 : i32
    %c0_i32_0 = arith.constant 0 : i32
    %c0_i32_1 = arith.constant 0 : i32
    return %c0_i32, %c0_i32_0 : i32, i32
  }
  func.func @transform_3(%arg0: i32) -> (i32, i32) {
    %c0_i32 = arith.constant 0 : i32
    %c0_i32_0 = arith.constant 0 : i32
    %c0_i32_1 = arith.constant 0 : i32
    return %c0_i32, %c0_i32_0 : i32, i32
  }
  func.func @transform_4(%arg0: i32) -> (i32, i32) {
    %c0_i32 = arith.constant 0 : i32
    %c0_i32_0 = arith.constant 0 : i32
    %c0_i32_1 = arith.constant 0 : i32
    return %c0_i32, %c0_i32_0 : i32, i32
  }
  func.func @transform_5(%arg0: i32) -> (i32, i32) {
    %c0_i32 = arith.constant 0 : i32
    %c0_i32_0 = arith.constant 0 : i32
    %c0_i32_1 = arith.constant 0 : i32
    return %c0_i32, %c0_i32_0 : i32, i32
  }
  func.func @transform_6(%arg0: i32) -> (i32, i32) {
    %c0_i32 = arith.constant 0 : i32
    %c0_i32_0 = arith.constant 0 : i32
    %c0_i32_1 = arith.constant 0 : i32
    return %c0_i32, %c0_i32_0 : i32, i32
  }
  func.func @transform_7(%arg0: i32) -> (i32, i32) {
    %c0_i32 = arith.constant 0 : i32
    %c0_i32_0 = arith.constant 0 : i32
    %c0_i32_1 = arith.constant 0 : i32
    return %c0_i32, %c0_i32_0 : i32, i32
  }
  func.func @transform_8(%arg0: i32) -> (i32, i32) {
    %c0_i32 = arith.constant 0 : i32
    %c0_i32_0 = arith.constant 0 : i32
    %c0_i32_1 = arith.constant 0 : i32
    return %c0_i32, %c0_i32_0 : i32, i32
  }
  func.func @transform_9(%arg0: i32) -> (i32, i32) {
    %c0_i32 = arith.constant 0 : i32
    %c0_i32_0 = arith.constant 0 : i32
    %c0_i32_1 = arith.constant 0 : i32
    return %c0_i32, %c0_i32_0 : i32, i32
  }
  func.func @transform_10(%arg0: i32) -> (i32, i32) {
    %c0_i32 = arith.constant 0 : i32
    %c0_i32_0 = arith.constant 0 : i32
    %c0_i32_1 = arith.constant 0 : i32
    return %c0_i32, %c0_i32_0 : i32, i32
  }
  func.func @transform_11(%arg0: i32) -> (i32, i32) {
    %c0_i32 = arith.constant 0 : i32
    %c0_i32_0 = arith.constant 0 : i32
    %c0_i32_1 = arith.constant 0 : i32
    return %c0_i32, %c0_i32_0 : i32, i32
  }
  func.func @transform_12(%arg0: i32) -> (i32, i32) {
    %c0_i32 = arith.constant 0 : i32
    %c0_i32_0 = arith.constant 0 : i32
    %c0_i32_1 = arith.constant 0 : i32
    return %c0_i32, %c0_i32_0 : i32, i32
  }
  func.func @transform_13(%arg0: i32) -> (i32, i32) {
    %c0_i32 = arith.constant 0 : i32
    %c0_i32_0 = arith.constant 0 : i32
    return %arg0, %c0_i32 : i32, i32
  }
}

module attributes {stable_mosaic.version = 14 : i64} {
  func.func @_chain_max_body(%arg0: i32, %arg1: memref<4096x6xf32, #tpu.memory_space<vmem>>, %arg2: memref<6x64xf32, #tpu.memory_space<vmem>>, %arg3: memref<1x64xf32, #tpu.memory_space<vmem>>, %arg4: memref<64x64xf32, #tpu.memory_space<vmem>>, %arg5: memref<1x64xf32, #tpu.memory_space<vmem>>, %arg6: memref<64x128xf32, #tpu.memory_space<vmem>>, %arg7: memref<1x128xf32, #tpu.memory_space<vmem>>, %arg8: memref<1x64xf32, #tpu.memory_space<vmem>>, %arg9: memref<1x64xf32, #tpu.memory_space<vmem>>, %arg10: memref<1x64xf32, #tpu.memory_space<vmem>>, %arg11: memref<1x64xf32, #tpu.memory_space<vmem>>, %arg12: memref<1x128xf32, #tpu.memory_space<vmem>>, %arg13: memref<1x128xf32, #tpu.memory_space<vmem>>, %arg14: memref<128x128xf32, #tpu.memory_space<vmem>>) attributes {dimension_semantics = [#tpu.dimension_semantics<arbitrary>], iteration_bounds = array<i64: 32>, scalar_prefetch = 0 : i64, scratch_operands = 0 : i64, tpu.core_type = #tpu.core_type<tc>, window_params = [{transform_indices = @transform_0, window_bounds = array<i64: 4096, 6>}, {pipeline_mode = #tpu.pipeline_mode<synchronous>, transform_indices = @transform_1, window_bounds = array<i64: 6, 64>}, {pipeline_mode = #tpu.pipeline_mode<synchronous>, transform_indices = @transform_2, window_bounds = array<i64: 1, 64>}, {pipeline_mode = #tpu.pipeline_mode<synchronous>, transform_indices = @transform_3, window_bounds = array<i64: 64, 64>}, {pipeline_mode = #tpu.pipeline_mode<synchronous>, transform_indices = @transform_4, window_bounds = array<i64: 1, 64>}, {pipeline_mode = #tpu.pipeline_mode<synchronous>, transform_indices = @transform_5, window_bounds = array<i64: 64, 128>}, {pipeline_mode = #tpu.pipeline_mode<synchronous>, transform_indices = @transform_6, window_bounds = array<i64: 1, 128>}, {pipeline_mode = #tpu.pipeline_mode<synchronous>, transform_indices = @transform_7, window_bounds = array<i64: 1, 64>}, {pipeline_mode = #tpu.pipeline_mode<synchronous>, transform_indices = @transform_8, window_bounds = array<i64: 1, 64>}, {pipeline_mode = #tpu.pipeline_mode<synchronous>, transform_indices = @transform_9, window_bounds = array<i64: 1, 64>}, {pipeline_mode = #tpu.pipeline_mode<synchronous>, transform_indices = @transform_10, window_bounds = array<i64: 1, 64>}, {pipeline_mode = #tpu.pipeline_mode<synchronous>, transform_indices = @transform_11, window_bounds = array<i64: 1, 128>}, {pipeline_mode = #tpu.pipeline_mode<synchronous>, transform_indices = @transform_12, window_bounds = array<i64: 1, 128>}, {transform_indices = @transform_13, window_bounds = array<i64: 128, 128>}]} {
    %get3A = arith.constant 0 : index
    %get3A_0 = arith.constant 0 : index
    %get3A_1 = vector.load %arg1[%get3A, %get3A_0] : memref<4096x6xf32, #tpu.memory_space<vmem>>, vector<4096x6xf32>
    %get3A_2 = arith.constant 0 : index
    %get3A_3 = arith.constant 0 : index
    %get3A_4 = vector.load %arg2[%get3A_2, %get3A_3] : memref<6x64xf32, #tpu.memory_space<vmem>>, vector<6x64xf32>
    %dot_general3A = arith.constant dense<0.000000e+00> : vector<4096x64xf32>
    %dot_general3A_5 = tpu.matmul %get3A_1, %get3A_4, %dot_general3A {dimension_numbers = #tpu.dot_dimension_numbers<[1], [0], [0], [1], [0, 0, 1, 1], [], []>, transpose_lhs_hint = false} : vector<4096x6xf32>, vector<6x64xf32>, vector<4096x64xf32> -> vector<4096x64xf32>
    %get3A_6 = arith.constant 0 : index
    %get3A_7 = arith.constant 0 : index
    %get3A_8 = vector.load %arg3[%get3A_6, %get3A_7] : memref<1x64xf32, #tpu.memory_space<vmem>>, vector<1x64xf32>
    %add3A = vector.broadcast %get3A_8 : vector<1x64xf32> to vector<4096x64xf32>
    %add3A_9 = arith.addf %dot_general3A_5, %add3A : vector<4096x64xf32>
    %get3A_10 = arith.constant 0 : index
    %get3A_11 = arith.constant 0 : index
    %get3A_12 = vector.load %arg8[%get3A_10, %get3A_11] : memref<1x64xf32, #tpu.memory_space<vmem>>, vector<1x64xf32>
    %mul3A = vector.broadcast %get3A_12 : vector<1x64xf32> to vector<4096x64xf32>
    %mul3A_13 = arith.mulf %add3A_9, %mul3A : vector<4096x64xf32>
    %get3A_14 = arith.constant 0 : index
    %get3A_15 = arith.constant 0 : index
    %get3A_16 = vector.load %arg9[%get3A_14, %get3A_15] : memref<1x64xf32, #tpu.memory_space<vmem>>, vector<1x64xf32>
    %add3A_17 = vector.broadcast %get3A_16 : vector<1x64xf32> to vector<4096x64xf32>
    %add3A_18 = arith.addf %mul3A_13, %add3A_17 : vector<4096x64xf32>
    %max3A = arith.constant 0.000000e+00 : f32
    %max3A_19 = vector.broadcast %max3A : f32 to vector<4096x64xf32>
    %max3A_20 = arith.maximumf %add3A_18, %max3A_19 : vector<4096x64xf32>
    %get3A_21 = arith.constant 0 : index
    %get3A_22 = arith.constant 0 : index
    %get3A_23 = vector.load %arg4[%get3A_21, %get3A_22] : memref<64x64xf32, #tpu.memory_space<vmem>>, vector<64x64xf32>
    %dot_general3A_24 = arith.constant dense<0.000000e+00> : vector<4096x64xf32>
    %dot_general3A_25 = tpu.matmul %max3A_20, %get3A_23, %dot_general3A_24 {dimension_numbers = #tpu.dot_dimension_numbers<[1], [0], [0], [1], [0, 0, 1, 1], [], []>, transpose_lhs_hint = false} : vector<4096x64xf32>, vector<64x64xf32>, vector<4096x64xf32> -> vector<4096x64xf32>
    %get3A_26 = arith.constant 0 : index
    %get3A_27 = arith.constant 0 : index
    %get3A_28 = vector.load %arg5[%get3A_26, %get3A_27] : memref<1x64xf32, #tpu.memory_space<vmem>>, vector<1x64xf32>
    %add3A_29 = vector.broadcast %get3A_28 : vector<1x64xf32> to vector<4096x64xf32>
    %add3A_30 = arith.addf %dot_general3A_25, %add3A_29 : vector<4096x64xf32>
    %get3A_31 = arith.constant 0 : index
    %get3A_32 = arith.constant 0 : index
    %get3A_33 = vector.load %arg10[%get3A_31, %get3A_32] : memref<1x64xf32, #tpu.memory_space<vmem>>, vector<1x64xf32>
    %mul3A_34 = vector.broadcast %get3A_33 : vector<1x64xf32> to vector<4096x64xf32>
    %mul3A_35 = arith.mulf %add3A_30, %mul3A_34 : vector<4096x64xf32>
    %get3A_36 = arith.constant 0 : index
    %get3A_37 = arith.constant 0 : index
    %get3A_38 = vector.load %arg11[%get3A_36, %get3A_37] : memref<1x64xf32, #tpu.memory_space<vmem>>, vector<1x64xf32>
    %add3A_39 = vector.broadcast %get3A_38 : vector<1x64xf32> to vector<4096x64xf32>
    %add3A_40 = arith.addf %mul3A_35, %add3A_39 : vector<4096x64xf32>
    %max3A_41 = arith.constant 0.000000e+00 : f32
    %max3A_42 = vector.broadcast %max3A_41 : f32 to vector<4096x64xf32>
    %max3A_43 = arith.maximumf %add3A_40, %max3A_42 : vector<4096x64xf32>
    %get3A_44 = arith.constant 0 : index
    %get3A_45 = arith.constant 0 : index
    %get3A_46 = vector.load %arg6[%get3A_44, %get3A_45] : memref<64x128xf32, #tpu.memory_space<vmem>>, vector<64x128xf32>
    %dot_general3A_47 = arith.constant dense<0.000000e+00> : vector<4096x128xf32>
    %dot_general3A_48 = tpu.matmul %max3A_43, %get3A_46, %dot_general3A_47 {dimension_numbers = #tpu.dot_dimension_numbers<[1], [0], [0], [1], [0, 0, 1, 1], [], []>, transpose_lhs_hint = false} : vector<4096x64xf32>, vector<64x128xf32>, vector<4096x128xf32> -> vector<4096x128xf32>
    %get3A_49 = arith.constant 0 : index
    %get3A_50 = arith.constant 0 : index
    %get3A_51 = vector.load %arg7[%get3A_49, %get3A_50] : memref<1x128xf32, #tpu.memory_space<vmem>>, vector<1x128xf32>
    %add3A_52 = vector.broadcast %get3A_51 : vector<1x128xf32> to vector<4096x128xf32>
    %add3A_53 = arith.addf %dot_general3A_48, %add3A_52 : vector<4096x128xf32>
    %get3A_54 = arith.constant 0 : index
    %get3A_55 = arith.constant 0 : index
    %get3A_56 = vector.load %arg12[%get3A_54, %get3A_55] : memref<1x128xf32, #tpu.memory_space<vmem>>, vector<1x128xf32>
    %mul3A_57 = vector.broadcast %get3A_56 : vector<1x128xf32> to vector<4096x128xf32>
    %mul3A_58 = arith.mulf %add3A_53, %mul3A_57 : vector<4096x128xf32>
    %get3A_59 = arith.constant 0 : index
    %get3A_60 = arith.constant 0 : index
    %get3A_61 = vector.load %arg13[%get3A_59, %get3A_60] : memref<1x128xf32, #tpu.memory_space<vmem>>, vector<1x128xf32>
    %add3A_62 = vector.broadcast %get3A_61 : vector<1x128xf32> to vector<4096x128xf32>
    %add3A_63 = arith.addf %mul3A_58, %add3A_62 : vector<4096x128xf32>
    %max3A_64 = arith.constant 0.000000e+00 : f32
    %max3A_65 = vector.broadcast %max3A_64 : f32 to vector<4096x128xf32>
    %max3A_66 = arith.maximumf %add3A_63, %max3A_65 : vector<4096x128xf32>
    %reshape3A = vector.shape_cast %max3A_66 : vector<4096x128xf32> to vector<128x32x128xf32>
    %reduce_max3A = arith.constant dense<0xFF800000> : vector<128x128xf32>
    %reduce_max3A_67 = vector.multi_reduction <maximumf>, %reshape3A, %reduce_max3A [1] : vector<128x32x128xf32> to vector<128x128xf32>
    %swap3A = arith.constant 0 : index
    %swap3A_68 = arith.constant 0 : index
    %swap3A_69 = vector.load %arg14[%swap3A, %swap3A_68] : memref<128x128xf32, #tpu.memory_space<vmem>>, vector<128x128xf32>
    tpu.vector_store %arg14[%swap3A, %swap3A_68], %reduce_max3A_67 {strides = array<i32>} : memref<128x128xf32, #tpu.memory_space<vmem>>, vector<128x128xf32>,
    return
  }
  func.func @transform_0(%arg0: i32) -> (i32, i32) {
    %c0_i32 = arith.constant 0 : i32
    %c0_i32_0 = arith.constant 0 : i32
    return %arg0, %c0_i32 : i32, i32
  }
  func.func @transform_1(%arg0: i32) -> (i32, i32) {
    %c0_i32 = arith.constant 0 : i32
    %c0_i32_0 = arith.constant 0 : i32
    %c0_i32_1 = arith.constant 0 : i32
    return %c0_i32, %c0_i32_0 : i32, i32
  }
  func.func @transform_2(%arg0: i32) -> (i32, i32) {
    %c0_i32 = arith.constant 0 : i32
    %c0_i32_0 = arith.constant 0 : i32
    %c0_i32_1 = arith.constant 0 : i32
    return %c0_i32, %c0_i32_0 : i32, i32
  }
  func.func @transform_3(%arg0: i32) -> (i32, i32) {
    %c0_i32 = arith.constant 0 : i32
    %c0_i32_0 = arith.constant 0 : i32
    %c0_i32_1 = arith.constant 0 : i32
    return %c0_i32, %c0_i32_0 : i32, i32
  }
  func.func @transform_4(%arg0: i32) -> (i32, i32) {
    %c0_i32 = arith.constant 0 : i32
    %c0_i32_0 = arith.constant 0 : i32
    %c0_i32_1 = arith.constant 0 : i32
    return %c0_i32, %c0_i32_0 : i32, i32
  }
  func.func @transform_5(%arg0: i32) -> (i32, i32) {
    %c0_i32 = arith.constant 0 : i32
    %c0_i32_0 = arith.constant 0 : i32
    %c0_i32_1 = arith.constant 0 : i32
    return %c0_i32, %c0_i32_0 : i32, i32
  }
  func.func @transform_6(%arg0: i32) -> (i32, i32) {
    %c0_i32 = arith.constant 0 : i32
    %c0_i32_0 = arith.constant 0 : i32
    %c0_i32_1 = arith.constant 0 : i32
    return %c0_i32, %c0_i32_0 : i32, i32
  }
  func.func @transform_7(%arg0: i32) -> (i32, i32) {
    %c0_i32 = arith.constant 0 : i32
    %c0_i32_0 = arith.constant 0 : i32
    %c0_i32_1 = arith.constant 0 : i32
    return %c0_i32, %c0_i32_0 : i32, i32
  }
  func.func @transform_8(%arg0: i32) -> (i32, i32) {
    %c0_i32 = arith.constant 0 : i32
    %c0_i32_0 = arith.constant 0 : i32
    %c0_i32_1 = arith.constant 0 : i32
    return %c0_i32, %c0_i32_0 : i32, i32
  }
  func.func @transform_9(%arg0: i32) -> (i32, i32) {
    %c0_i32 = arith.constant 0 : i32
    %c0_i32_0 = arith.constant 0 : i32
    %c0_i32_1 = arith.constant 0 : i32
    return %c0_i32, %c0_i32_0 : i32, i32
  }
  func.func @transform_10(%arg0: i32) -> (i32, i32) {
    %c0_i32 = arith.constant 0 : i32
    %c0_i32_0 = arith.constant 0 : i32
    %c0_i32_1 = arith.constant 0 : i32
    return %c0_i32, %c0_i32_0 : i32, i32
  }
  func.func @transform_11(%arg0: i32) -> (i32, i32) {
    %c0_i32 = arith.constant 0 : i32
    %c0_i32_0 = arith.constant 0 : i32
    %c0_i32_1 = arith.constant 0 : i32
    return %c0_i32, %c0_i32_0 : i32, i32
  }
  func.func @transform_12(%arg0: i32) -> (i32, i32) {
    %c0_i32 = arith.constant 0 : i32
    %c0_i32_0 = arith.constant 0 : i32
    %c0_i32_1 = arith.constant 0 : i32
    return %c0_i32, %c0_i32_0 : i32, i32
  }
  func.func @transform_13(%arg0: i32) -> (i32, i32) {
    %c0_i32 = arith.constant 0 : i32
    %c0_i32_0 = arith.constant 0 : i32
    return %arg0, %c0_i32 : i32, i32
  }
}

module attributes {stable_mosaic.version = 14 : i64} {
  func.func @_chain_max_body(%arg0: i32, %arg1: memref<4096x6xf32, #tpu.memory_space<vmem>>, %arg2: memref<6x64xf32, #tpu.memory_space<vmem>>, %arg3: memref<1x64xf32, #tpu.memory_space<vmem>>, %arg4: memref<64x96xf32, #tpu.memory_space<vmem>>, %arg5: memref<1x96xf32, #tpu.memory_space<vmem>>, %arg6: memref<96x128xf32, #tpu.memory_space<vmem>>, %arg7: memref<1x128xf32, #tpu.memory_space<vmem>>, %arg8: memref<1x64xf32, #tpu.memory_space<vmem>>, %arg9: memref<1x64xf32, #tpu.memory_space<vmem>>, %arg10: memref<1x96xf32, #tpu.memory_space<vmem>>, %arg11: memref<1x96xf32, #tpu.memory_space<vmem>>, %arg12: memref<1x128xf32, #tpu.memory_space<vmem>>, %arg13: memref<1x128xf32, #tpu.memory_space<vmem>>, %arg14: memref<32x128xf32, #tpu.memory_space<vmem>>) attributes {dimension_semantics = [#tpu.dimension_semantics<arbitrary>], iteration_bounds = array<i64: 128>, scalar_prefetch = 0 : i64, scratch_operands = 0 : i64, tpu.core_type = #tpu.core_type<tc>, window_params = [{transform_indices = @transform_0, window_bounds = array<i64: 4096, 6>}, {pipeline_mode = #tpu.pipeline_mode<synchronous>, transform_indices = @transform_1, window_bounds = array<i64: 6, 64>}, {pipeline_mode = #tpu.pipeline_mode<synchronous>, transform_indices = @transform_2, window_bounds = array<i64: 1, 64>}, {pipeline_mode = #tpu.pipeline_mode<synchronous>, transform_indices = @transform_3, window_bounds = array<i64: 64, 96>}, {pipeline_mode = #tpu.pipeline_mode<synchronous>, transform_indices = @transform_4, window_bounds = array<i64: 1, 96>}, {pipeline_mode = #tpu.pipeline_mode<synchronous>, transform_indices = @transform_5, window_bounds = array<i64: 96, 128>}, {pipeline_mode = #tpu.pipeline_mode<synchronous>, transform_indices = @transform_6, window_bounds = array<i64: 1, 128>}, {pipeline_mode = #tpu.pipeline_mode<synchronous>, transform_indices = @transform_7, window_bounds = array<i64: 1, 64>}, {pipeline_mode = #tpu.pipeline_mode<synchronous>, transform_indices = @transform_8, window_bounds = array<i64: 1, 64>}, {pipeline_mode = #tpu.pipeline_mode<synchronous>, transform_indices = @transform_9, window_bounds = array<i64: 1, 96>}, {pipeline_mode = #tpu.pipeline_mode<synchronous>, transform_indices = @transform_10, window_bounds = array<i64: 1, 96>}, {pipeline_mode = #tpu.pipeline_mode<synchronous>, transform_indices = @transform_11, window_bounds = array<i64: 1, 128>}, {pipeline_mode = #tpu.pipeline_mode<synchronous>, transform_indices = @transform_12, window_bounds = array<i64: 1, 128>}, {transform_indices = @transform_13, window_bounds = array<i64: 32, 128>}]} {
    %get3A = arith.constant 0 : index
    %get3A_0 = arith.constant 0 : index
    %get3A_1 = vector.load %arg1[%get3A, %get3A_0] : memref<4096x6xf32, #tpu.memory_space<vmem>>, vector<4096x6xf32>
    %get3A_2 = arith.constant 0 : index
    %get3A_3 = arith.constant 0 : index
    %get3A_4 = vector.load %arg2[%get3A_2, %get3A_3] : memref<6x64xf32, #tpu.memory_space<vmem>>, vector<6x64xf32>
    %dot_general3A = arith.constant dense<0.000000e+00> : vector<4096x64xf32>
    %dot_general3A_5 = tpu.matmul %get3A_1, %get3A_4, %dot_general3A {dimension_numbers = #tpu.dot_dimension_numbers<[1], [0], [0], [1], [0, 0, 1, 1], [], []>, transpose_lhs_hint = false} : vector<4096x6xf32>, vector<6x64xf32>, vector<4096x64xf32> -> vector<4096x64xf32>
    %get3A_6 = arith.constant 0 : index
    %get3A_7 = arith.constant 0 : index
    %get3A_8 = vector.load %arg3[%get3A_6, %get3A_7] : memref<1x64xf32, #tpu.memory_space<vmem>>, vector<1x64xf32>
    %add3A = vector.broadcast %get3A_8 : vector<1x64xf32> to vector<4096x64xf32>
    %add3A_9 = arith.addf %dot_general3A_5, %add3A : vector<4096x64xf32>
    %get3A_10 = arith.constant 0 : index
    %get3A_11 = arith.constant 0 : index
    %get3A_12 = vector.load %arg8[%get3A_10, %get3A_11] : memref<1x64xf32, #tpu.memory_space<vmem>>, vector<1x64xf32>
    %mul3A = vector.broadcast %get3A_12 : vector<1x64xf32> to vector<4096x64xf32>
    %mul3A_13 = arith.mulf %add3A_9, %mul3A : vector<4096x64xf32>
    %get3A_14 = arith.constant 0 : index
    %get3A_15 = arith.constant 0 : index
    %get3A_16 = vector.load %arg9[%get3A_14, %get3A_15] : memref<1x64xf32, #tpu.memory_space<vmem>>, vector<1x64xf32>
    %add3A_17 = vector.broadcast %get3A_16 : vector<1x64xf32> to vector<4096x64xf32>
    %add3A_18 = arith.addf %mul3A_13, %add3A_17 : vector<4096x64xf32>
    %max3A = arith.constant 0.000000e+00 : f32
    %max3A_19 = vector.broadcast %max3A : f32 to vector<4096x64xf32>
    %max3A_20 = arith.maximumf %add3A_18, %max3A_19 : vector<4096x64xf32>
    %get3A_21 = arith.constant 0 : index
    %get3A_22 = arith.constant 0 : index
    %get3A_23 = vector.load %arg4[%get3A_21, %get3A_22] : memref<64x96xf32, #tpu.memory_space<vmem>>, vector<64x96xf32>
    %dot_general3A_24 = arith.constant dense<0.000000e+00> : vector<4096x96xf32>
    %dot_general3A_25 = tpu.matmul %max3A_20, %get3A_23, %dot_general3A_24 {dimension_numbers = #tpu.dot_dimension_numbers<[1], [0], [0], [1], [0, 0, 1, 1], [], []>, transpose_lhs_hint = false} : vector<4096x64xf32>, vector<64x96xf32>, vector<4096x96xf32> -> vector<4096x96xf32>
    %get3A_26 = arith.constant 0 : index
    %get3A_27 = arith.constant 0 : index
    %get3A_28 = vector.load %arg5[%get3A_26, %get3A_27] : memref<1x96xf32, #tpu.memory_space<vmem>>, vector<1x96xf32>
    %add3A_29 = vector.broadcast %get3A_28 : vector<1x96xf32> to vector<4096x96xf32>
    %add3A_30 = arith.addf %dot_general3A_25, %add3A_29 : vector<4096x96xf32>
    %get3A_31 = arith.constant 0 : index
    %get3A_32 = arith.constant 0 : index
    %get3A_33 = vector.load %arg10[%get3A_31, %get3A_32] : memref<1x96xf32, #tpu.memory_space<vmem>>, vector<1x96xf32>
    %mul3A_34 = vector.broadcast %get3A_33 : vector<1x96xf32> to vector<4096x96xf32>
    %mul3A_35 = arith.mulf %add3A_30, %mul3A_34 : vector<4096x96xf32>
    %get3A_36 = arith.constant 0 : index
    %get3A_37 = arith.constant 0 : index
    %get3A_38 = vector.load %arg11[%get3A_36, %get3A_37] : memref<1x96xf32, #tpu.memory_space<vmem>>, vector<1x96xf32>
    %add3A_39 = vector.broadcast %get3A_38 : vector<1x96xf32> to vector<4096x96xf32>
    %add3A_40 = arith.addf %mul3A_35, %add3A_39 : vector<4096x96xf32>
    %max3A_41 = arith.constant 0.000000e+00 : f32
    %max3A_42 = vector.broadcast %max3A_41 : f32 to vector<4096x96xf32>
    %max3A_43 = arith.maximumf %add3A_40, %max3A_42 : vector<4096x96xf32>
    %get3A_44 = arith.constant 0 : index
    %get3A_45 = arith.constant 0 : index
    %get3A_46 = vector.load %arg6[%get3A_44, %get3A_45] : memref<96x128xf32, #tpu.memory_space<vmem>>, vector<96x128xf32>
    %dot_general3A_47 = arith.constant dense<0.000000e+00> : vector<4096x128xf32>
    %dot_general3A_48 = tpu.matmul %max3A_43, %get3A_46, %dot_general3A_47 {dimension_numbers = #tpu.dot_dimension_numbers<[1], [0], [0], [1], [0, 0, 1, 1], [], []>, transpose_lhs_hint = false} : vector<4096x96xf32>, vector<96x128xf32>, vector<4096x128xf32> -> vector<4096x128xf32>
    %get3A_49 = arith.constant 0 : index
    %get3A_50 = arith.constant 0 : index
    %get3A_51 = vector.load %arg7[%get3A_49, %get3A_50] : memref<1x128xf32, #tpu.memory_space<vmem>>, vector<1x128xf32>
    %add3A_52 = vector.broadcast %get3A_51 : vector<1x128xf32> to vector<4096x128xf32>
    %add3A_53 = arith.addf %dot_general3A_48, %add3A_52 : vector<4096x128xf32>
    %get3A_54 = arith.constant 0 : index
    %get3A_55 = arith.constant 0 : index
    %get3A_56 = vector.load %arg12[%get3A_54, %get3A_55] : memref<1x128xf32, #tpu.memory_space<vmem>>, vector<1x128xf32>
    %mul3A_57 = vector.broadcast %get3A_56 : vector<1x128xf32> to vector<4096x128xf32>
    %mul3A_58 = arith.mulf %add3A_53, %mul3A_57 : vector<4096x128xf32>
    %get3A_59 = arith.constant 0 : index
    %get3A_60 = arith.constant 0 : index
    %get3A_61 = vector.load %arg13[%get3A_59, %get3A_60] : memref<1x128xf32, #tpu.memory_space<vmem>>, vector<1x128xf32>
    %add3A_62 = vector.broadcast %get3A_61 : vector<1x128xf32> to vector<4096x128xf32>
    %add3A_63 = arith.addf %mul3A_58, %add3A_62 : vector<4096x128xf32>
    %max3A_64 = arith.constant 0.000000e+00 : f32
    %max3A_65 = vector.broadcast %max3A_64 : f32 to vector<4096x128xf32>
    %max3A_66 = arith.maximumf %add3A_63, %max3A_65 : vector<4096x128xf32>
    %reshape3A = vector.shape_cast %max3A_66 : vector<4096x128xf32> to vector<32x128x128xf32>
    %reduce_max3A = arith.constant dense<0xFF800000> : vector<32x128xf32>
    %reduce_max3A_67 = vector.multi_reduction <maximumf>, %reshape3A, %reduce_max3A [1] : vector<32x128x128xf32> to vector<32x128xf32>
    %swap3A = arith.constant 0 : index
    %swap3A_68 = arith.constant 0 : index
    %swap3A_69 = vector.load %arg14[%swap3A, %swap3A_68] : memref<32x128xf32, #tpu.memory_space<vmem>>, vector<32x128xf32>
    tpu.vector_store %arg14[%swap3A, %swap3A_68], %reduce_max3A_67 {strides = array<i32>} : memref<32x128xf32, #tpu.memory_space<vmem>>, vector<32x128xf32>,
    return
  }
  func.func @transform_0(%arg0: i32) -> (i32, i32) {
    %c0_i32 = arith.constant 0 : i32
    %c0_i32_0 = arith.constant 0 : i32
    return %arg0, %c0_i32 : i32, i32
  }
  func.func @transform_1(%arg0: i32) -> (i32, i32) {
    %c0_i32 = arith.constant 0 : i32
    %c0_i32_0 = arith.constant 0 : i32
    %c0_i32_1 = arith.constant 0 : i32
    return %c0_i32, %c0_i32_0 : i32, i32
  }
  func.func @transform_2(%arg0: i32) -> (i32, i32) {
    %c0_i32 = arith.constant 0 : i32
    %c0_i32_0 = arith.constant 0 : i32
    %c0_i32_1 = arith.constant 0 : i32
    return %c0_i32, %c0_i32_0 : i32, i32
  }
  func.func @transform_3(%arg0: i32) -> (i32, i32) {
    %c0_i32 = arith.constant 0 : i32
    %c0_i32_0 = arith.constant 0 : i32
    %c0_i32_1 = arith.constant 0 : i32
    return %c0_i32, %c0_i32_0 : i32, i32
  }
  func.func @transform_4(%arg0: i32) -> (i32, i32) {
    %c0_i32 = arith.constant 0 : i32
    %c0_i32_0 = arith.constant 0 : i32
    %c0_i32_1 = arith.constant 0 : i32
    return %c0_i32, %c0_i32_0 : i32, i32
  }
  func.func @transform_5(%arg0: i32) -> (i32, i32) {
    %c0_i32 = arith.constant 0 : i32
    %c0_i32_0 = arith.constant 0 : i32
    %c0_i32_1 = arith.constant 0 : i32
    return %c0_i32, %c0_i32_0 : i32, i32
  }
  func.func @transform_6(%arg0: i32) -> (i32, i32) {
    %c0_i32 = arith.constant 0 : i32
    %c0_i32_0 = arith.constant 0 : i32
    %c0_i32_1 = arith.constant 0 : i32
    return %c0_i32, %c0_i32_0 : i32, i32
  }
  func.func @transform_7(%arg0: i32) -> (i32, i32) {
    %c0_i32 = arith.constant 0 : i32
    %c0_i32_0 = arith.constant 0 : i32
    %c0_i32_1 = arith.constant 0 : i32
    return %c0_i32, %c0_i32_0 : i32, i32
  }
  func.func @transform_8(%arg0: i32) -> (i32, i32) {
    %c0_i32 = arith.constant 0 : i32
    %c0_i32_0 = arith.constant 0 : i32
    %c0_i32_1 = arith.constant 0 : i32
    return %c0_i32, %c0_i32_0 : i32, i32
  }
  func.func @transform_9(%arg0: i32) -> (i32, i32) {
    %c0_i32 = arith.constant 0 : i32
    %c0_i32_0 = arith.constant 0 : i32
    %c0_i32_1 = arith.constant 0 : i32
    return %c0_i32, %c0_i32_0 : i32, i32
  }
  func.func @transform_10(%arg0: i32) -> (i32, i32) {
    %c0_i32 = arith.constant 0 : i32
    %c0_i32_0 = arith.constant 0 : i32
    %c0_i32_1 = arith.constant 0 : i32
    return %c0_i32, %c0_i32_0 : i32, i32
  }
  func.func @transform_11(%arg0: i32) -> (i32, i32) {
    %c0_i32 = arith.constant 0 : i32
    %c0_i32_0 = arith.constant 0 : i32
    %c0_i32_1 = arith.constant 0 : i32
    return %c0_i32, %c0_i32_0 : i32, i32
  }
  func.func @transform_12(%arg0: i32) -> (i32, i32) {
    %c0_i32 = arith.constant 0 : i32
    %c0_i32_0 = arith.constant 0 : i32
    %c0_i32_1 = arith.constant 0 : i32
    return %c0_i32, %c0_i32_0 : i32, i32
  }
  func.func @transform_13(%arg0: i32) -> (i32, i32) {
    %c0_i32 = arith.constant 0 : i32
    %c0_i32_0 = arith.constant 0 : i32
    return %arg0, %c0_i32 : i32, i32
  }
}

module attributes {stable_mosaic.version = 14 : i64} {
  func.func @_mm_first_body(%arg0: i32, %arg1: memref<1024x323xf32, #tpu.memory_space<vmem>>, %arg2: memref<323x64xf32, #tpu.memory_space<vmem>>, %arg3: memref<1x64xf32, #tpu.memory_space<vmem>>, %arg4: memref<1024x64xf32, #tpu.memory_space<vmem>>, %arg5: memref<1x8x64xf32, #tpu.memory_space<vmem>>, %arg6: memref<1x8x64xf32, #tpu.memory_space<vmem>>) attributes {dimension_semantics = [#tpu.dimension_semantics<arbitrary>], iteration_bounds = array<i64: 32>, scalar_prefetch = 0 : i64, scratch_operands = 0 : i64, tpu.core_type = #tpu.core_type<tc>, window_params = [{transform_indices = @transform_0, window_bounds = array<i64: 1024, 323>}, {pipeline_mode = #tpu.pipeline_mode<synchronous>, transform_indices = @transform_1, window_bounds = array<i64: 323, 64>}, {pipeline_mode = #tpu.pipeline_mode<synchronous>, transform_indices = @transform_2, window_bounds = array<i64: 1, 64>}, {transform_indices = @transform_3, window_bounds = array<i64: 1024, 64>}, {transform_indices = @transform_4, window_bounds = array<i64: 1, 8, 64>}, {transform_indices = @transform_5, window_bounds = array<i64: 1, 8, 64>}]} {
    %get3A = arith.constant 0 : index
    %get3A_0 = arith.constant 0 : index
    %get3A_1 = vector.load %arg1[%get3A, %get3A_0] : memref<1024x323xf32, #tpu.memory_space<vmem>>, vector<1024x323xf32>
    %get3A_2 = arith.constant 0 : index
    %get3A_3 = arith.constant 0 : index
    %get3A_4 = vector.load %arg2[%get3A_2, %get3A_3] : memref<323x64xf32, #tpu.memory_space<vmem>>, vector<323x64xf32>
    %dot_general3A = arith.constant dense<0.000000e+00> : vector<1024x64xf32>
    %dot_general3A_5 = tpu.matmul %get3A_1, %get3A_4, %dot_general3A {dimension_numbers = #tpu.dot_dimension_numbers<[1], [0], [0], [1], [0, 0, 1, 1], [], []>, transpose_lhs_hint = false} : vector<1024x323xf32>, vector<323x64xf32>, vector<1024x64xf32> -> vector<1024x64xf32>
    %get3A_6 = arith.constant 0 : index
    %get3A_7 = arith.constant 0 : index
    %get3A_8 = vector.load %arg3[%get3A_6, %get3A_7] : memref<1x64xf32, #tpu.memory_space<vmem>>, vector<1x64xf32>
    %add3A = vector.broadcast %get3A_8 : vector<1x64xf32> to vector<1024x64xf32>
    %add3A_9 = arith.addf %dot_general3A_5, %add3A : vector<1024x64xf32>
    %swap3A = arith.constant 0 : index
    %swap3A_10 = arith.constant 0 : index
    %swap3A_11 = vector.load %arg4[%swap3A, %swap3A_10] : memref<1024x64xf32, #tpu.memory_space<vmem>>, vector<1024x64xf32>
    tpu.vector_store %arg4[%swap3A, %swap3A_10], %add3A_9 {strides = array<i32>} : memref<1024x64xf32, #tpu.memory_space<vmem>>, vector<1024x64xf32>,
    %reduce_sum3A = arith.constant dense<0.000000e+00> : vector<64xf32>
    %reduce_sum3A_12 = vector.multi_reduction <add>, %add3A_9, %reduce_sum3A [0] : vector<1024x64xf32> to vector<64xf32>
    %broadcast_in_dim3A = vector.shape_cast %reduce_sum3A_12 : vector<64xf32> to vector<1x64xf32>
    %broadcast_in_dim3A_13 = vector.shape_cast %broadcast_in_dim3A : vector<1x64xf32> to vector<1x64xf32>
    %broadcast_in_dim3A_14 = vector.broadcast %broadcast_in_dim3A_13 : vector<1x64xf32> to vector<8x64xf32>
    %swap3A_15 = arith.constant 0 : index
    %swap3A_16 = arith.constant 0 : index
    %swap3A_17 = arith.constant 0 : index
    %swap3A_18 = vector.load %arg5[%swap3A_15, %swap3A_16, %swap3A_17] : memref<1x8x64xf32, #tpu.memory_space<vmem>>, vector<1x8x64xf32>
    %swap3A_19 = vector.shape_cast %swap3A_18 : vector<1x8x64xf32> to vector<8x64xf32>
    %swap3A_20 = vector.shape_cast %broadcast_in_dim3A_14 : vector<8x64xf32> to vector<1x8x64xf32>
    tpu.vector_store %arg5[%swap3A_15, %swap3A_16, %swap3A_17], %swap3A_20 {strides = array<i32>} : memref<1x8x64xf32, #tpu.memory_space<vmem>>, vector<1x8x64xf32>,
    %mul3A = arith.mulf %add3A_9, %add3A_9 : vector<1024x64xf32>
    %reduce_sum3A_21 = arith.constant dense<0.000000e+00> : vector<64xf32>
    %reduce_sum3A_22 = vector.multi_reduction <add>, %mul3A, %reduce_sum3A_21 [0] : vector<1024x64xf32> to vector<64xf32>
    %broadcast_in_dim3A_23 = vector.shape_cast %reduce_sum3A_22 : vector<64xf32> to vector<1x64xf32>
    %broadcast_in_dim3A_24 = vector.shape_cast %broadcast_in_dim3A_23 : vector<1x64xf32> to vector<1x64xf32>
    %broadcast_in_dim3A_25 = vector.broadcast %broadcast_in_dim3A_24 : vector<1x64xf32> to vector<8x64xf32>
    %swap3A_26 = arith.constant 0 : index
    %swap3A_27 = arith.constant 0 : index
    %swap3A_28 = arith.constant 0 : index
    %swap3A_29 = vector.load %arg6[%swap3A_26, %swap3A_27, %swap3A_28] : memref<1x8x64xf32, #tpu.memory_space<vmem>>, vector<1x8x64xf32>
    %swap3A_30 = vector.shape_cast %swap3A_29 : vector<1x8x64xf32> to vector<8x64xf32>
    %swap3A_31 = vector.shape_cast %broadcast_in_dim3A_25 : vector<8x64xf32> to vector<1x8x64xf32>
    tpu.vector_store %arg6[%swap3A_26, %swap3A_27, %swap3A_28], %swap3A_31 {strides = array<i32>} : memref<1x8x64xf32, #tpu.memory_space<vmem>>, vector<1x8x64xf32>,
    return
  }
  func.func @transform_0(%arg0: i32) -> (i32, i32) {
    %c0_i32 = arith.constant 0 : i32
    %c0_i32_0 = arith.constant 0 : i32
    return %arg0, %c0_i32 : i32, i32
  }
  func.func @transform_1(%arg0: i32) -> (i32, i32) {
    %c0_i32 = arith.constant 0 : i32
    %c0_i32_0 = arith.constant 0 : i32
    %c0_i32_1 = arith.constant 0 : i32
    return %c0_i32, %c0_i32_0 : i32, i32
  }
  func.func @transform_2(%arg0: i32) -> (i32, i32) {
    %c0_i32 = arith.constant 0 : i32
    %c0_i32_0 = arith.constant 0 : i32
    %c0_i32_1 = arith.constant 0 : i32
    return %c0_i32, %c0_i32_0 : i32, i32
  }
  func.func @transform_3(%arg0: i32) -> (i32, i32) {
    %c0_i32 = arith.constant 0 : i32
    %c0_i32_0 = arith.constant 0 : i32
    return %arg0, %c0_i32 : i32, i32
  }
  func.func @transform_4(%arg0: i32) -> (i32, i32, i32) {
    %c0_i32 = arith.constant 0 : i32
    %c0_i32_0 = arith.constant 0 : i32
    %c0_i32_1 = arith.constant 0 : i32
    return %arg0, %c0_i32, %c0_i32_0 : i32, i32, i32
  }
  func.func @transform_5(%arg0: i32) -> (i32, i32, i32) {
    %c0_i32 = arith.constant 0 : i32
    %c0_i32_0 = arith.constant 0 : i32
    %c0_i32_1 = arith.constant 0 : i32
    return %arg0, %c0_i32, %c0_i32_0 : i32, i32, i32
  }
}

module attributes {stable_mosaic.version = 14 : i64} {
  func.func @_mm_aff_body(%arg0: i32, %arg1: memref<1024x64xf32, #tpu.memory_space<vmem>>, %arg2: memref<1x64xf32, #tpu.memory_space<vmem>>, %arg3: memref<1x64xf32, #tpu.memory_space<vmem>>, %arg4: memref<64x64xf32, #tpu.memory_space<vmem>>, %arg5: memref<1x64xf32, #tpu.memory_space<vmem>>, %arg6: memref<1024x64xf32, #tpu.memory_space<vmem>>, %arg7: memref<1x8x64xf32, #tpu.memory_space<vmem>>, %arg8: memref<1x8x64xf32, #tpu.memory_space<vmem>>) attributes {dimension_semantics = [#tpu.dimension_semantics<arbitrary>], iteration_bounds = array<i64: 32>, scalar_prefetch = 0 : i64, scratch_operands = 0 : i64, tpu.core_type = #tpu.core_type<tc>, window_params = [{transform_indices = @transform_0, window_bounds = array<i64: 1024, 64>}, {pipeline_mode = #tpu.pipeline_mode<synchronous>, transform_indices = @transform_1, window_bounds = array<i64: 1, 64>}, {pipeline_mode = #tpu.pipeline_mode<synchronous>, transform_indices = @transform_2, window_bounds = array<i64: 1, 64>}, {pipeline_mode = #tpu.pipeline_mode<synchronous>, transform_indices = @transform_3, window_bounds = array<i64: 64, 64>}, {pipeline_mode = #tpu.pipeline_mode<synchronous>, transform_indices = @transform_4, window_bounds = array<i64: 1, 64>}, {transform_indices = @transform_5, window_bounds = array<i64: 1024, 64>}, {transform_indices = @transform_6, window_bounds = array<i64: 1, 8, 64>}, {transform_indices = @transform_7, window_bounds = array<i64: 1, 8, 64>}]} {
    %get3A = arith.constant 0 : index
    %get3A_0 = arith.constant 0 : index
    %get3A_1 = vector.load %arg1[%get3A, %get3A_0] : memref<1024x64xf32, #tpu.memory_space<vmem>>, vector<1024x64xf32>
    %get3A_2 = arith.constant 0 : index
    %get3A_3 = arith.constant 0 : index
    %get3A_4 = vector.load %arg2[%get3A_2, %get3A_3] : memref<1x64xf32, #tpu.memory_space<vmem>>, vector<1x64xf32>
    %mul3A = vector.broadcast %get3A_4 : vector<1x64xf32> to vector<1024x64xf32>
    %mul3A_5 = arith.mulf %get3A_1, %mul3A : vector<1024x64xf32>
    %get3A_6 = arith.constant 0 : index
    %get3A_7 = arith.constant 0 : index
    %get3A_8 = vector.load %arg3[%get3A_6, %get3A_7] : memref<1x64xf32, #tpu.memory_space<vmem>>, vector<1x64xf32>
    %add3A = vector.broadcast %get3A_8 : vector<1x64xf32> to vector<1024x64xf32>
    %add3A_9 = arith.addf %mul3A_5, %add3A : vector<1024x64xf32>
    %max3A = arith.constant 0.000000e+00 : f32
    %max3A_10 = vector.broadcast %max3A : f32 to vector<1024x64xf32>
    %max3A_11 = arith.maximumf %add3A_9, %max3A_10 : vector<1024x64xf32>
    %get3A_12 = arith.constant 0 : index
    %get3A_13 = arith.constant 0 : index
    %get3A_14 = vector.load %arg4[%get3A_12, %get3A_13] : memref<64x64xf32, #tpu.memory_space<vmem>>, vector<64x64xf32>
    %dot_general3A = arith.constant dense<0.000000e+00> : vector<1024x64xf32>
    %dot_general3A_15 = tpu.matmul %max3A_11, %get3A_14, %dot_general3A {dimension_numbers = #tpu.dot_dimension_numbers<[1], [0], [0], [1], [0, 0, 1, 1], [], []>, transpose_lhs_hint = false} : vector<1024x64xf32>, vector<64x64xf32>, vector<1024x64xf32> -> vector<1024x64xf32>
    %get3A_16 = arith.constant 0 : index
    %get3A_17 = arith.constant 0 : index
    %get3A_18 = vector.load %arg5[%get3A_16, %get3A_17] : memref<1x64xf32, #tpu.memory_space<vmem>>, vector<1x64xf32>
    %add3A_19 = vector.broadcast %get3A_18 : vector<1x64xf32> to vector<1024x64xf32>
    %add3A_20 = arith.addf %dot_general3A_15, %add3A_19 : vector<1024x64xf32>
    %swap3A = arith.constant 0 : index
    %swap3A_21 = arith.constant 0 : index
    %swap3A_22 = vector.load %arg6[%swap3A, %swap3A_21] : memref<1024x64xf32, #tpu.memory_space<vmem>>, vector<1024x64xf32>
    tpu.vector_store %arg6[%swap3A, %swap3A_21], %add3A_20 {strides = array<i32>} : memref<1024x64xf32, #tpu.memory_space<vmem>>, vector<1024x64xf32>,
    %reduce_sum3A = arith.constant dense<0.000000e+00> : vector<64xf32>
    %reduce_sum3A_23 = vector.multi_reduction <add>, %add3A_20, %reduce_sum3A [0] : vector<1024x64xf32> to vector<64xf32>
    %broadcast_in_dim3A = vector.shape_cast %reduce_sum3A_23 : vector<64xf32> to vector<1x64xf32>
    %broadcast_in_dim3A_24 = vector.shape_cast %broadcast_in_dim3A : vector<1x64xf32> to vector<1x64xf32>
    %broadcast_in_dim3A_25 = vector.broadcast %broadcast_in_dim3A_24 : vector<1x64xf32> to vector<8x64xf32>
    %swap3A_26 = arith.constant 0 : index
    %swap3A_27 = arith.constant 0 : index
    %swap3A_28 = arith.constant 0 : index
    %swap3A_29 = vector.load %arg7[%swap3A_26, %swap3A_27, %swap3A_28] : memref<1x8x64xf32, #tpu.memory_space<vmem>>, vector<1x8x64xf32>
    %swap3A_30 = vector.shape_cast %swap3A_29 : vector<1x8x64xf32> to vector<8x64xf32>
    %swap3A_31 = vector.shape_cast %broadcast_in_dim3A_25 : vector<8x64xf32> to vector<1x8x64xf32>
    tpu.vector_store %arg7[%swap3A_26, %swap3A_27, %swap3A_28], %swap3A_31 {strides = array<i32>} : memref<1x8x64xf32, #tpu.memory_space<vmem>>, vector<1x8x64xf32>,
    %mul3A_32 = arith.mulf %add3A_20, %add3A_20 : vector<1024x64xf32>
    %reduce_sum3A_33 = arith.constant dense<0.000000e+00> : vector<64xf32>
    %reduce_sum3A_34 = vector.multi_reduction <add>, %mul3A_32, %reduce_sum3A_33 [0] : vector<1024x64xf32> to vector<64xf32>
    %broadcast_in_dim3A_35 = vector.shape_cast %reduce_sum3A_34 : vector<64xf32> to vector<1x64xf32>
    %broadcast_in_dim3A_36 = vector.shape_cast %broadcast_in_dim3A_35 : vector<1x64xf32> to vector<1x64xf32>
    %broadcast_in_dim3A_37 = vector.broadcast %broadcast_in_dim3A_36 : vector<1x64xf32> to vector<8x64xf32>
    %swap3A_38 = arith.constant 0 : index
    %swap3A_39 = arith.constant 0 : index
    %swap3A_40 = arith.constant 0 : index
    %swap3A_41 = vector.load %arg8[%swap3A_38, %swap3A_39, %swap3A_40] : memref<1x8x64xf32, #tpu.memory_space<vmem>>, vector<1x8x64xf32>
    %swap3A_42 = vector.shape_cast %swap3A_41 : vector<1x8x64xf32> to vector<8x64xf32>
    %swap3A_43 = vector.shape_cast %broadcast_in_dim3A_37 : vector<8x64xf32> to vector<1x8x64xf32>
    tpu.vector_store %arg8[%swap3A_38, %swap3A_39, %swap3A_40], %swap3A_43 {strides = array<i32>} : memref<1x8x64xf32, #tpu.memory_space<vmem>>, vector<1x8x64xf32>,
    return
  }
  func.func @transform_0(%arg0: i32) -> (i32, i32) {
    %c0_i32 = arith.constant 0 : i32
    %c0_i32_0 = arith.constant 0 : i32
    return %arg0, %c0_i32 : i32, i32
  }
  func.func @transform_1(%arg0: i32) -> (i32, i32) {
    %c0_i32 = arith.constant 0 : i32
    %c0_i32_0 = arith.constant 0 : i32
    %c0_i32_1 = arith.constant 0 : i32
    return %c0_i32, %c0_i32_0 : i32, i32
  }
  func.func @transform_2(%arg0: i32) -> (i32, i32) {
    %c0_i32 = arith.constant 0 : i32
    %c0_i32_0 = arith.constant 0 : i32
    %c0_i32_1 = arith.constant 0 : i32
    return %c0_i32, %c0_i32_0 : i32, i32
  }
  func.func @transform_3(%arg0: i32) -> (i32, i32) {
    %c0_i32 = arith.constant 0 : i32
    %c0_i32_0 = arith.constant 0 : i32
    %c0_i32_1 = arith.constant 0 : i32
    return %c0_i32, %c0_i32_0 : i32, i32
  }
  func.func @transform_4(%arg0: i32) -> (i32, i32) {
    %c0_i32 = arith.constant 0 : i32
    %c0_i32_0 = arith.constant 0 : i32
    %c0_i32_1 = arith.constant 0 : i32
    return %c0_i32, %c0_i32_0 : i32, i32
  }
  func.func @transform_5(%arg0: i32) -> (i32, i32) {
    %c0_i32 = arith.constant 0 : i32
    %c0_i32_0 = arith.constant 0 : i32
    return %arg0, %c0_i32 : i32, i32
  }
  func.func @transform_6(%arg0: i32) -> (i32, i32, i32) {
    %c0_i32 = arith.constant 0 : i32
    %c0_i32_0 = arith.constant 0 : i32
    %c0_i32_1 = arith.constant 0 : i32
    return %arg0, %c0_i32, %c0_i32_0 : i32, i32, i32
  }
  func.func @transform_7(%arg0: i32) -> (i32, i32, i32) {
    %c0_i32 = arith.constant 0 : i32
    %c0_i32_0 = arith.constant 0 : i32
    %c0_i32_1 = arith.constant 0 : i32
    return %arg0, %c0_i32, %c0_i32_0 : i32, i32, i32
  }
}

module attributes {stable_mosaic.version = 14 : i64} {
  func.func @_mm_aff_body(%arg0: i32, %arg1: memref<1024x64xf32, #tpu.memory_space<vmem>>, %arg2: memref<1x64xf32, #tpu.memory_space<vmem>>, %arg3: memref<1x64xf32, #tpu.memory_space<vmem>>, %arg4: memref<64x128xf32, #tpu.memory_space<vmem>>, %arg5: memref<1x128xf32, #tpu.memory_space<vmem>>, %arg6: memref<1024x128xf32, #tpu.memory_space<vmem>>, %arg7: memref<1x8x128xf32, #tpu.memory_space<vmem>>, %arg8: memref<1x8x128xf32, #tpu.memory_space<vmem>>) attributes {dimension_semantics = [#tpu.dimension_semantics<arbitrary>], iteration_bounds = array<i64: 32>, scalar_prefetch = 0 : i64, scratch_operands = 0 : i64, tpu.core_type = #tpu.core_type<tc>, window_params = [{transform_indices = @transform_0, window_bounds = array<i64: 1024, 64>}, {pipeline_mode = #tpu.pipeline_mode<synchronous>, transform_indices = @transform_1, window_bounds = array<i64: 1, 64>}, {pipeline_mode = #tpu.pipeline_mode<synchronous>, transform_indices = @transform_2, window_bounds = array<i64: 1, 64>}, {pipeline_mode = #tpu.pipeline_mode<synchronous>, transform_indices = @transform_3, window_bounds = array<i64: 64, 128>}, {pipeline_mode = #tpu.pipeline_mode<synchronous>, transform_indices = @transform_4, window_bounds = array<i64: 1, 128>}, {transform_indices = @transform_5, window_bounds = array<i64: 1024, 128>}, {transform_indices = @transform_6, window_bounds = array<i64: 1, 8, 128>}, {transform_indices = @transform_7, window_bounds = array<i64: 1, 8, 128>}]} {
    %get3A = arith.constant 0 : index
    %get3A_0 = arith.constant 0 : index
    %get3A_1 = vector.load %arg1[%get3A, %get3A_0] : memref<1024x64xf32, #tpu.memory_space<vmem>>, vector<1024x64xf32>
    %get3A_2 = arith.constant 0 : index
    %get3A_3 = arith.constant 0 : index
    %get3A_4 = vector.load %arg2[%get3A_2, %get3A_3] : memref<1x64xf32, #tpu.memory_space<vmem>>, vector<1x64xf32>
    %mul3A = vector.broadcast %get3A_4 : vector<1x64xf32> to vector<1024x64xf32>
    %mul3A_5 = arith.mulf %get3A_1, %mul3A : vector<1024x64xf32>
    %get3A_6 = arith.constant 0 : index
    %get3A_7 = arith.constant 0 : index
    %get3A_8 = vector.load %arg3[%get3A_6, %get3A_7] : memref<1x64xf32, #tpu.memory_space<vmem>>, vector<1x64xf32>
    %add3A = vector.broadcast %get3A_8 : vector<1x64xf32> to vector<1024x64xf32>
    %add3A_9 = arith.addf %mul3A_5, %add3A : vector<1024x64xf32>
    %max3A = arith.constant 0.000000e+00 : f32
    %max3A_10 = vector.broadcast %max3A : f32 to vector<1024x64xf32>
    %max3A_11 = arith.maximumf %add3A_9, %max3A_10 : vector<1024x64xf32>
    %get3A_12 = arith.constant 0 : index
    %get3A_13 = arith.constant 0 : index
    %get3A_14 = vector.load %arg4[%get3A_12, %get3A_13] : memref<64x128xf32, #tpu.memory_space<vmem>>, vector<64x128xf32>
    %dot_general3A = arith.constant dense<0.000000e+00> : vector<1024x128xf32>
    %dot_general3A_15 = tpu.matmul %max3A_11, %get3A_14, %dot_general3A {dimension_numbers = #tpu.dot_dimension_numbers<[1], [0], [0], [1], [0, 0, 1, 1], [], []>, transpose_lhs_hint = false} : vector<1024x64xf32>, vector<64x128xf32>, vector<1024x128xf32> -> vector<1024x128xf32>
    %get3A_16 = arith.constant 0 : index
    %get3A_17 = arith.constant 0 : index
    %get3A_18 = vector.load %arg5[%get3A_16, %get3A_17] : memref<1x128xf32, #tpu.memory_space<vmem>>, vector<1x128xf32>
    %add3A_19 = vector.broadcast %get3A_18 : vector<1x128xf32> to vector<1024x128xf32>
    %add3A_20 = arith.addf %dot_general3A_15, %add3A_19 : vector<1024x128xf32>
    %swap3A = arith.constant 0 : index
    %swap3A_21 = arith.constant 0 : index
    %swap3A_22 = vector.load %arg6[%swap3A, %swap3A_21] : memref<1024x128xf32, #tpu.memory_space<vmem>>, vector<1024x128xf32>
    tpu.vector_store %arg6[%swap3A, %swap3A_21], %add3A_20 {strides = array<i32>} : memref<1024x128xf32, #tpu.memory_space<vmem>>, vector<1024x128xf32>,
    %reduce_sum3A = arith.constant dense<0.000000e+00> : vector<128xf32>
    %reduce_sum3A_23 = vector.multi_reduction <add>, %add3A_20, %reduce_sum3A [0] : vector<1024x128xf32> to vector<128xf32>
    %broadcast_in_dim3A = vector.shape_cast %reduce_sum3A_23 : vector<128xf32> to vector<1x128xf32>
    %broadcast_in_dim3A_24 = vector.shape_cast %broadcast_in_dim3A : vector<1x128xf32> to vector<1x128xf32>
    %broadcast_in_dim3A_25 = vector.broadcast %broadcast_in_dim3A_24 : vector<1x128xf32> to vector<8x128xf32>
    %swap3A_26 = arith.constant 0 : index
    %swap3A_27 = arith.constant 0 : index
    %swap3A_28 = arith.constant 0 : index
    %swap3A_29 = vector.load %arg7[%swap3A_26, %swap3A_27, %swap3A_28] : memref<1x8x128xf32, #tpu.memory_space<vmem>>, vector<1x8x128xf32>
    %swap3A_30 = vector.shape_cast %swap3A_29 : vector<1x8x128xf32> to vector<8x128xf32>
    %swap3A_31 = vector.shape_cast %broadcast_in_dim3A_25 : vector<8x128xf32> to vector<1x8x128xf32>
    tpu.vector_store %arg7[%swap3A_26, %swap3A_27, %swap3A_28], %swap3A_31 {strides = array<i32>} : memref<1x8x128xf32, #tpu.memory_space<vmem>>, vector<1x8x128xf32>,
    %mul3A_32 = arith.mulf %add3A_20, %add3A_20 : vector<1024x128xf32>
    %reduce_sum3A_33 = arith.constant dense<0.000000e+00> : vector<128xf32>
    %reduce_sum3A_34 = vector.multi_reduction <add>, %mul3A_32, %reduce_sum3A_33 [0] : vector<1024x128xf32> to vector<128xf32>
    %broadcast_in_dim3A_35 = vector.shape_cast %reduce_sum3A_34 : vector<128xf32> to vector<1x128xf32>
    %broadcast_in_dim3A_36 = vector.shape_cast %broadcast_in_dim3A_35 : vector<1x128xf32> to vector<1x128xf32>
    %broadcast_in_dim3A_37 = vector.broadcast %broadcast_in_dim3A_36 : vector<1x128xf32> to vector<8x128xf32>
    %swap3A_38 = arith.constant 0 : index
    %swap3A_39 = arith.constant 0 : index
    %swap3A_40 = arith.constant 0 : index
    %swap3A_41 = vector.load %arg8[%swap3A_38, %swap3A_39, %swap3A_40] : memref<1x8x128xf32, #tpu.memory_space<vmem>>, vector<1x8x128xf32>
    %swap3A_42 = vector.shape_cast %swap3A_41 : vector<1x8x128xf32> to vector<8x128xf32>
    %swap3A_43 = vector.shape_cast %broadcast_in_dim3A_37 : vector<8x128xf32> to vector<1x8x128xf32>
    tpu.vector_store %arg8[%swap3A_38, %swap3A_39, %swap3A_40], %swap3A_43 {strides = array<i32>} : memref<1x8x128xf32, #tpu.memory_space<vmem>>, vector<1x8x128xf32>,
    return
  }
  func.func @transform_0(%arg0: i32) -> (i32, i32) {
    %c0_i32 = arith.constant 0 : i32
    %c0_i32_0 = arith.constant 0 : i32
    return %arg0, %c0_i32 : i32, i32
  }
  func.func @transform_1(%arg0: i32) -> (i32, i32) {
    %c0_i32 = arith.constant 0 : i32
    %c0_i32_0 = arith.constant 0 : i32
    %c0_i32_1 = arith.constant 0 : i32
    return %c0_i32, %c0_i32_0 : i32, i32
  }
  func.func @transform_2(%arg0: i32) -> (i32, i32) {
    %c0_i32 = arith.constant 0 : i32
    %c0_i32_0 = arith.constant 0 : i32
    %c0_i32_1 = arith.constant 0 : i32
    return %c0_i32, %c0_i32_0 : i32, i32
  }
  func.func @transform_3(%arg0: i32) -> (i32, i32) {
    %c0_i32 = arith.constant 0 : i32
    %c0_i32_0 = arith.constant 0 : i32
    %c0_i32_1 = arith.constant 0 : i32
    return %c0_i32, %c0_i32_0 : i32, i32
  }
  func.func @transform_4(%arg0: i32) -> (i32, i32) {
    %c0_i32 = arith.constant 0 : i32
    %c0_i32_0 = arith.constant 0 : i32
    %c0_i32_1 = arith.constant 0 : i32
    return %c0_i32, %c0_i32_0 : i32, i32
  }
  func.func @transform_5(%arg0: i32) -> (i32, i32) {
    %c0_i32 = arith.constant 0 : i32
    %c0_i32_0 = arith.constant 0 : i32
    return %arg0, %c0_i32 : i32, i32
  }
  func.func @transform_6(%arg0: i32) -> (i32, i32, i32) {
    %c0_i32 = arith.constant 0 : i32
    %c0_i32_0 = arith.constant 0 : i32
    %c0_i32_1 = arith.constant 0 : i32
    return %arg0, %c0_i32, %c0_i32_0 : i32, i32, i32
  }
  func.func @transform_7(%arg0: i32) -> (i32, i32, i32) {
    %c0_i32 = arith.constant 0 : i32
    %c0_i32_0 = arith.constant 0 : i32
    %c0_i32_1 = arith.constant 0 : i32
    return %arg0, %c0_i32, %c0_i32_0 : i32, i32, i32
  }
}

module attributes {stable_mosaic.version = 14 : i64} {
  func.func @_mm_first_body(%arg0: i32, %arg1: memref<1024x323xf32, #tpu.memory_space<vmem>>, %arg2: memref<323x128xf32, #tpu.memory_space<vmem>>, %arg3: memref<1x128xf32, #tpu.memory_space<vmem>>, %arg4: memref<1024x128xf32, #tpu.memory_space<vmem>>, %arg5: memref<1x8x128xf32, #tpu.memory_space<vmem>>, %arg6: memref<1x8x128xf32, #tpu.memory_space<vmem>>) attributes {dimension_semantics = [#tpu.dimension_semantics<arbitrary>], iteration_bounds = array<i64: 64>, scalar_prefetch = 0 : i64, scratch_operands = 0 : i64, tpu.core_type = #tpu.core_type<tc>, window_params = [{transform_indices = @transform_0, window_bounds = array<i64: 1024, 323>}, {pipeline_mode = #tpu.pipeline_mode<synchronous>, transform_indices = @transform_1, window_bounds = array<i64: 323, 128>}, {pipeline_mode = #tpu.pipeline_mode<synchronous>, transform_indices = @transform_2, window_bounds = array<i64: 1, 128>}, {transform_indices = @transform_3, window_bounds = array<i64: 1024, 128>}, {transform_indices = @transform_4, window_bounds = array<i64: 1, 8, 128>}, {transform_indices = @transform_5, window_bounds = array<i64: 1, 8, 128>}]} {
    %get3A = arith.constant 0 : index
    %get3A_0 = arith.constant 0 : index
    %get3A_1 = vector.load %arg1[%get3A, %get3A_0] : memref<1024x323xf32, #tpu.memory_space<vmem>>, vector<1024x323xf32>
    %get3A_2 = arith.constant 0 : index
    %get3A_3 = arith.constant 0 : index
    %get3A_4 = vector.load %arg2[%get3A_2, %get3A_3] : memref<323x128xf32, #tpu.memory_space<vmem>>, vector<323x128xf32>
    %dot_general3A = arith.constant dense<0.000000e+00> : vector<1024x128xf32>
    %dot_general3A_5 = tpu.matmul %get3A_1, %get3A_4, %dot_general3A {dimension_numbers = #tpu.dot_dimension_numbers<[1], [0], [0], [1], [0, 0, 1, 1], [], []>, transpose_lhs_hint = false} : vector<1024x323xf32>, vector<323x128xf32>, vector<1024x128xf32> -> vector<1024x128xf32>
    %get3A_6 = arith.constant 0 : index
    %get3A_7 = arith.constant 0 : index
    %get3A_8 = vector.load %arg3[%get3A_6, %get3A_7] : memref<1x128xf32, #tpu.memory_space<vmem>>, vector<1x128xf32>
    %add3A = vector.broadcast %get3A_8 : vector<1x128xf32> to vector<1024x128xf32>
    %add3A_9 = arith.addf %dot_general3A_5, %add3A : vector<1024x128xf32>
    %swap3A = arith.constant 0 : index
    %swap3A_10 = arith.constant 0 : index
    %swap3A_11 = vector.load %arg4[%swap3A, %swap3A_10] : memref<1024x128xf32, #tpu.memory_space<vmem>>, vector<1024x128xf32>
    tpu.vector_store %arg4[%swap3A, %swap3A_10], %add3A_9 {strides = array<i32>} : memref<1024x128xf32, #tpu.memory_space<vmem>>, vector<1024x128xf32>,
    %reduce_sum3A = arith.constant dense<0.000000e+00> : vector<128xf32>
    %reduce_sum3A_12 = vector.multi_reduction <add>, %add3A_9, %reduce_sum3A [0] : vector<1024x128xf32> to vector<128xf32>
    %broadcast_in_dim3A = vector.shape_cast %reduce_sum3A_12 : vector<128xf32> to vector<1x128xf32>
    %broadcast_in_dim3A_13 = vector.shape_cast %broadcast_in_dim3A : vector<1x128xf32> to vector<1x128xf32>
    %broadcast_in_dim3A_14 = vector.broadcast %broadcast_in_dim3A_13 : vector<1x128xf32> to vector<8x128xf32>
    %swap3A_15 = arith.constant 0 : index
    %swap3A_16 = arith.constant 0 : index
    %swap3A_17 = arith.constant 0 : index
    %swap3A_18 = vector.load %arg5[%swap3A_15, %swap3A_16, %swap3A_17] : memref<1x8x128xf32, #tpu.memory_space<vmem>>, vector<1x8x128xf32>
    %swap3A_19 = vector.shape_cast %swap3A_18 : vector<1x8x128xf32> to vector<8x128xf32>
    %swap3A_20 = vector.shape_cast %broadcast_in_dim3A_14 : vector<8x128xf32> to vector<1x8x128xf32>
    tpu.vector_store %arg5[%swap3A_15, %swap3A_16, %swap3A_17], %swap3A_20 {strides = array<i32>} : memref<1x8x128xf32, #tpu.memory_space<vmem>>, vector<1x8x128xf32>,
    %mul3A = arith.mulf %add3A_9, %add3A_9 : vector<1024x128xf32>
    %reduce_sum3A_21 = arith.constant dense<0.000000e+00> : vector<128xf32>
    %reduce_sum3A_22 = vector.multi_reduction <add>, %mul3A, %reduce_sum3A_21 [0] : vector<1024x128xf32> to vector<128xf32>
    %broadcast_in_dim3A_23 = vector.shape_cast %reduce_sum3A_22 : vector<128xf32> to vector<1x128xf32>
    %broadcast_in_dim3A_24 = vector.shape_cast %broadcast_in_dim3A_23 : vector<1x128xf32> to vector<1x128xf32>
    %broadcast_in_dim3A_25 = vector.broadcast %broadcast_in_dim3A_24 : vector<1x128xf32> to vector<8x128xf32>
    %swap3A_26 = arith.constant 0 : index
    %swap3A_27 = arith.constant 0 : index
    %swap3A_28 = arith.constant 0 : index
    %swap3A_29 = vector.load %arg6[%swap3A_26, %swap3A_27, %swap3A_28] : memref<1x8x128xf32, #tpu.memory_space<vmem>>, vector<1x8x128xf32>
    %swap3A_30 = vector.shape_cast %swap3A_29 : vector<1x8x128xf32> to vector<8x128xf32>
    %swap3A_31 = vector.shape_cast %broadcast_in_dim3A_25 : vector<8x128xf32> to vector<1x8x128xf32>
    tpu.vector_store %arg6[%swap3A_26, %swap3A_27, %swap3A_28], %swap3A_31 {strides = array<i32>} : memref<1x8x128xf32, #tpu.memory_space<vmem>>, vector<1x8x128xf32>,
    return
  }
  func.func @transform_0(%arg0: i32) -> (i32, i32) {
    %c0_i32 = arith.constant 0 : i32
    %c0_i32_0 = arith.constant 0 : i32
    return %arg0, %c0_i32 : i32, i32
  }
  func.func @transform_1(%arg0: i32) -> (i32, i32) {
    %c0_i32 = arith.constant 0 : i32
    %c0_i32_0 = arith.constant 0 : i32
    %c0_i32_1 = arith.constant 0 : i32
    return %c0_i32, %c0_i32_0 : i32, i32
  }
  func.func @transform_2(%arg0: i32) -> (i32, i32) {
    %c0_i32 = arith.constant 0 : i32
    %c0_i32_0 = arith.constant 0 : i32
    %c0_i32_1 = arith.constant 0 : i32
    return %c0_i32, %c0_i32_0 : i32, i32
  }
  func.func @transform_3(%arg0: i32) -> (i32, i32) {
    %c0_i32 = arith.constant 0 : i32
    %c0_i32_0 = arith.constant 0 : i32
    return %arg0, %c0_i32 : i32, i32
  }
  func.func @transform_4(%arg0: i32) -> (i32, i32, i32) {
    %c0_i32 = arith.constant 0 : i32
    %c0_i32_0 = arith.constant 0 : i32
    %c0_i32_1 = arith.constant 0 : i32
    return %arg0, %c0_i32, %c0_i32_0 : i32, i32, i32
  }
  func.func @transform_5(%arg0: i32) -> (i32, i32, i32) {
    %c0_i32 = arith.constant 0 : i32
    %c0_i32_0 = arith.constant 0 : i32
    %c0_i32_1 = arith.constant 0 : i32
    return %arg0, %c0_i32, %c0_i32_0 : i32, i32, i32
  }
}

module attributes {stable_mosaic.version = 14 : i64} {
  func.func @_mm_aff_body(%arg0: i32, %arg1: memref<1024x128xf32, #tpu.memory_space<vmem>>, %arg2: memref<1x128xf32, #tpu.memory_space<vmem>>, %arg3: memref<1x128xf32, #tpu.memory_space<vmem>>, %arg4: memref<128x128xf32, #tpu.memory_space<vmem>>, %arg5: memref<1x128xf32, #tpu.memory_space<vmem>>, %arg6: memref<1024x128xf32, #tpu.memory_space<vmem>>, %arg7: memref<1x8x128xf32, #tpu.memory_space<vmem>>, %arg8: memref<1x8x128xf32, #tpu.memory_space<vmem>>) attributes {dimension_semantics = [#tpu.dimension_semantics<arbitrary>], iteration_bounds = array<i64: 64>, scalar_prefetch = 0 : i64, scratch_operands = 0 : i64, tpu.core_type = #tpu.core_type<tc>, window_params = [{transform_indices = @transform_0, window_bounds = array<i64: 1024, 128>}, {pipeline_mode = #tpu.pipeline_mode<synchronous>, transform_indices = @transform_1, window_bounds = array<i64: 1, 128>}, {pipeline_mode = #tpu.pipeline_mode<synchronous>, transform_indices = @transform_2, window_bounds = array<i64: 1, 128>}, {pipeline_mode = #tpu.pipeline_mode<synchronous>, transform_indices = @transform_3, window_bounds = array<i64: 128, 128>}, {pipeline_mode = #tpu.pipeline_mode<synchronous>, transform_indices = @transform_4, window_bounds = array<i64: 1, 128>}, {transform_indices = @transform_5, window_bounds = array<i64: 1024, 128>}, {transform_indices = @transform_6, window_bounds = array<i64: 1, 8, 128>}, {transform_indices = @transform_7, window_bounds = array<i64: 1, 8, 128>}]} {
    %get3A = arith.constant 0 : index
    %get3A_0 = arith.constant 0 : index
    %get3A_1 = vector.load %arg1[%get3A, %get3A_0] : memref<1024x128xf32, #tpu.memory_space<vmem>>, vector<1024x128xf32>
    %get3A_2 = arith.constant 0 : index
    %get3A_3 = arith.constant 0 : index
    %get3A_4 = vector.load %arg2[%get3A_2, %get3A_3] : memref<1x128xf32, #tpu.memory_space<vmem>>, vector<1x128xf32>
    %mul3A = vector.broadcast %get3A_4 : vector<1x128xf32> to vector<1024x128xf32>
    %mul3A_5 = arith.mulf %get3A_1, %mul3A : vector<1024x128xf32>
    %get3A_6 = arith.constant 0 : index
    %get3A_7 = arith.constant 0 : index
    %get3A_8 = vector.load %arg3[%get3A_6, %get3A_7] : memref<1x128xf32, #tpu.memory_space<vmem>>, vector<1x128xf32>
    %add3A = vector.broadcast %get3A_8 : vector<1x128xf32> to vector<1024x128xf32>
    %add3A_9 = arith.addf %mul3A_5, %add3A : vector<1024x128xf32>
    %max3A = arith.constant 0.000000e+00 : f32
    %max3A_10 = vector.broadcast %max3A : f32 to vector<1024x128xf32>
    %max3A_11 = arith.maximumf %add3A_9, %max3A_10 : vector<1024x128xf32>
    %get3A_12 = arith.constant 0 : index
    %get3A_13 = arith.constant 0 : index
    %get3A_14 = vector.load %arg4[%get3A_12, %get3A_13] : memref<128x128xf32, #tpu.memory_space<vmem>>, vector<128x128xf32>
    %dot_general3A = arith.constant dense<0.000000e+00> : vector<1024x128xf32>
    %dot_general3A_15 = tpu.matmul %max3A_11, %get3A_14, %dot_general3A {dimension_numbers = #tpu.dot_dimension_numbers<[1], [0], [0], [1], [0, 0, 1, 1], [], []>, transpose_lhs_hint = false} : vector<1024x128xf32>, vector<128x128xf32>, vector<1024x128xf32> -> vector<1024x128xf32>
    %get3A_16 = arith.constant 0 : index
    %get3A_17 = arith.constant 0 : index
    %get3A_18 = vector.load %arg5[%get3A_16, %get3A_17] : memref<1x128xf32, #tpu.memory_space<vmem>>, vector<1x128xf32>
    %add3A_19 = vector.broadcast %get3A_18 : vector<1x128xf32> to vector<1024x128xf32>
    %add3A_20 = arith.addf %dot_general3A_15, %add3A_19 : vector<1024x128xf32>
    %swap3A = arith.constant 0 : index
    %swap3A_21 = arith.constant 0 : index
    %swap3A_22 = vector.load %arg6[%swap3A, %swap3A_21] : memref<1024x128xf32, #tpu.memory_space<vmem>>, vector<1024x128xf32>
    tpu.vector_store %arg6[%swap3A, %swap3A_21], %add3A_20 {strides = array<i32>} : memref<1024x128xf32, #tpu.memory_space<vmem>>, vector<1024x128xf32>,
    %reduce_sum3A = arith.constant dense<0.000000e+00> : vector<128xf32>
    %reduce_sum3A_23 = vector.multi_reduction <add>, %add3A_20, %reduce_sum3A [0] : vector<1024x128xf32> to vector<128xf32>
    %broadcast_in_dim3A = vector.shape_cast %reduce_sum3A_23 : vector<128xf32> to vector<1x128xf32>
    %broadcast_in_dim3A_24 = vector.shape_cast %broadcast_in_dim3A : vector<1x128xf32> to vector<1x128xf32>
    %broadcast_in_dim3A_25 = vector.broadcast %broadcast_in_dim3A_24 : vector<1x128xf32> to vector<8x128xf32>
    %swap3A_26 = arith.constant 0 : index
    %swap3A_27 = arith.constant 0 : index
    %swap3A_28 = arith.constant 0 : index
    %swap3A_29 = vector.load %arg7[%swap3A_26, %swap3A_27, %swap3A_28] : memref<1x8x128xf32, #tpu.memory_space<vmem>>, vector<1x8x128xf32>
    %swap3A_30 = vector.shape_cast %swap3A_29 : vector<1x8x128xf32> to vector<8x128xf32>
    %swap3A_31 = vector.shape_cast %broadcast_in_dim3A_25 : vector<8x128xf32> to vector<1x8x128xf32>
    tpu.vector_store %arg7[%swap3A_26, %swap3A_27, %swap3A_28], %swap3A_31 {strides = array<i32>} : memref<1x8x128xf32, #tpu.memory_space<vmem>>, vector<1x8x128xf32>,
    %mul3A_32 = arith.mulf %add3A_20, %add3A_20 : vector<1024x128xf32>
    %reduce_sum3A_33 = arith.constant dense<0.000000e+00> : vector<128xf32>
    %reduce_sum3A_34 = vector.multi_reduction <add>, %mul3A_32, %reduce_sum3A_33 [0] : vector<1024x128xf32> to vector<128xf32>
    %broadcast_in_dim3A_35 = vector.shape_cast %reduce_sum3A_34 : vector<128xf32> to vector<1x128xf32>
    %broadcast_in_dim3A_36 = vector.shape_cast %broadcast_in_dim3A_35 : vector<1x128xf32> to vector<1x128xf32>
    %broadcast_in_dim3A_37 = vector.broadcast %broadcast_in_dim3A_36 : vector<1x128xf32> to vector<8x128xf32>
    %swap3A_38 = arith.constant 0 : index
    %swap3A_39 = arith.constant 0 : index
    %swap3A_40 = arith.constant 0 : index
    %swap3A_41 = vector.load %arg8[%swap3A_38, %swap3A_39, %swap3A_40] : memref<1x8x128xf32, #tpu.memory_space<vmem>>, vector<1x8x128xf32>
    %swap3A_42 = vector.shape_cast %swap3A_41 : vector<1x8x128xf32> to vector<8x128xf32>
    %swap3A_43 = vector.shape_cast %broadcast_in_dim3A_37 : vector<8x128xf32> to vector<1x8x128xf32>
    tpu.vector_store %arg8[%swap3A_38, %swap3A_39, %swap3A_40], %swap3A_43 {strides = array<i32>} : memref<1x8x128xf32, #tpu.memory_space<vmem>>, vector<1x8x128xf32>,
    return
  }
  func.func @transform_0(%arg0: i32) -> (i32, i32) {
    %c0_i32 = arith.constant 0 : i32
    %c0_i32_0 = arith.constant 0 : i32
    return %arg0, %c0_i32 : i32, i32
  }
  func.func @transform_1(%arg0: i32) -> (i32, i32) {
    %c0_i32 = arith.constant 0 : i32
    %c0_i32_0 = arith.constant 0 : i32
    %c0_i32_1 = arith.constant 0 : i32
    return %c0_i32, %c0_i32_0 : i32, i32
  }
  func.func @transform_2(%arg0: i32) -> (i32, i32) {
    %c0_i32 = arith.constant 0 : i32
    %c0_i32_0 = arith.constant 0 : i32
    %c0_i32_1 = arith.constant 0 : i32
    return %c0_i32, %c0_i32_0 : i32, i32
  }
  func.func @transform_3(%arg0: i32) -> (i32, i32) {
    %c0_i32 = arith.constant 0 : i32
    %c0_i32_0 = arith.constant 0 : i32
    %c0_i32_1 = arith.constant 0 : i32
    return %c0_i32, %c0_i32_0 : i32, i32
  }
  func.func @transform_4(%arg0: i32) -> (i32, i32) {
    %c0_i32 = arith.constant 0 : i32
    %c0_i32_0 = arith.constant 0 : i32
    %c0_i32_1 = arith.constant 0 : i32
    return %c0_i32, %c0_i32_0 : i32, i32
  }
  func.func @transform_5(%arg0: i32) -> (i32, i32) {
    %c0_i32 = arith.constant 0 : i32
    %c0_i32_0 = arith.constant 0 : i32
    return %arg0, %c0_i32 : i32, i32
  }
  func.func @transform_6(%arg0: i32) -> (i32, i32, i32) {
    %c0_i32 = arith.constant 0 : i32
    %c0_i32_0 = arith.constant 0 : i32
    %c0_i32_1 = arith.constant 0 : i32
    return %arg0, %c0_i32, %c0_i32_0 : i32, i32, i32
  }
  func.func @transform_7(%arg0: i32) -> (i32, i32, i32) {
    %c0_i32 = arith.constant 0 : i32
    %c0_i32_0 = arith.constant 0 : i32
    %c0_i32_1 = arith.constant 0 : i32
    return %arg0, %c0_i32, %c0_i32_0 : i32, i32, i32
  }
}

module attributes {stable_mosaic.version = 14 : i64} {
  func.func @_mm_aff_body(%arg0: i32, %arg1: memref<1024x128xf32, #tpu.memory_space<vmem>>, %arg2: memref<1x128xf32, #tpu.memory_space<vmem>>, %arg3: memref<1x128xf32, #tpu.memory_space<vmem>>, %arg4: memref<128x256xf32, #tpu.memory_space<vmem>>, %arg5: memref<1x256xf32, #tpu.memory_space<vmem>>, %arg6: memref<1024x256xf32, #tpu.memory_space<vmem>>, %arg7: memref<1x8x256xf32, #tpu.memory_space<vmem>>, %arg8: memref<1x8x256xf32, #tpu.memory_space<vmem>>) attributes {dimension_semantics = [#tpu.dimension_semantics<arbitrary>], iteration_bounds = array<i64: 64>, scalar_prefetch = 0 : i64, scratch_operands = 0 : i64, tpu.core_type = #tpu.core_type<tc>, window_params = [{transform_indices = @transform_0, window_bounds = array<i64: 1024, 128>}, {pipeline_mode = #tpu.pipeline_mode<synchronous>, transform_indices = @transform_1, window_bounds = array<i64: 1, 128>}, {pipeline_mode = #tpu.pipeline_mode<synchronous>, transform_indices = @transform_2, window_bounds = array<i64: 1, 128>}, {pipeline_mode = #tpu.pipeline_mode<synchronous>, transform_indices = @transform_3, window_bounds = array<i64: 128, 256>}, {pipeline_mode = #tpu.pipeline_mode<synchronous>, transform_indices = @transform_4, window_bounds = array<i64: 1, 256>}, {transform_indices = @transform_5, window_bounds = array<i64: 1024, 256>}, {transform_indices = @transform_6, window_bounds = array<i64: 1, 8, 256>}, {transform_indices = @transform_7, window_bounds = array<i64: 1, 8, 256>}]} {
    %get3A = arith.constant 0 : index
    %get3A_0 = arith.constant 0 : index
    %get3A_1 = vector.load %arg1[%get3A, %get3A_0] : memref<1024x128xf32, #tpu.memory_space<vmem>>, vector<1024x128xf32>
    %get3A_2 = arith.constant 0 : index
    %get3A_3 = arith.constant 0 : index
    %get3A_4 = vector.load %arg2[%get3A_2, %get3A_3] : memref<1x128xf32, #tpu.memory_space<vmem>>, vector<1x128xf32>
    %mul3A = vector.broadcast %get3A_4 : vector<1x128xf32> to vector<1024x128xf32>
    %mul3A_5 = arith.mulf %get3A_1, %mul3A : vector<1024x128xf32>
    %get3A_6 = arith.constant 0 : index
    %get3A_7 = arith.constant 0 : index
    %get3A_8 = vector.load %arg3[%get3A_6, %get3A_7] : memref<1x128xf32, #tpu.memory_space<vmem>>, vector<1x128xf32>
    %add3A = vector.broadcast %get3A_8 : vector<1x128xf32> to vector<1024x128xf32>
    %add3A_9 = arith.addf %mul3A_5, %add3A : vector<1024x128xf32>
    %max3A = arith.constant 0.000000e+00 : f32
    %max3A_10 = vector.broadcast %max3A : f32 to vector<1024x128xf32>
    %max3A_11 = arith.maximumf %add3A_9, %max3A_10 : vector<1024x128xf32>
    %get3A_12 = arith.constant 0 : index
    %get3A_13 = arith.constant 0 : index
    %get3A_14 = vector.load %arg4[%get3A_12, %get3A_13] : memref<128x256xf32, #tpu.memory_space<vmem>>, vector<128x256xf32>
    %dot_general3A = arith.constant dense<0.000000e+00> : vector<1024x256xf32>
    %dot_general3A_15 = tpu.matmul %max3A_11, %get3A_14, %dot_general3A {dimension_numbers = #tpu.dot_dimension_numbers<[1], [0], [0], [1], [0, 0, 1, 1], [], []>, transpose_lhs_hint = false} : vector<1024x128xf32>, vector<128x256xf32>, vector<1024x256xf32> -> vector<1024x256xf32>
    %get3A_16 = arith.constant 0 : index
    %get3A_17 = arith.constant 0 : index
    %get3A_18 = vector.load %arg5[%get3A_16, %get3A_17] : memref<1x256xf32, #tpu.memory_space<vmem>>, vector<1x256xf32>
    %add3A_19 = vector.broadcast %get3A_18 : vector<1x256xf32> to vector<1024x256xf32>
    %add3A_20 = arith.addf %dot_general3A_15, %add3A_19 : vector<1024x256xf32>
    %swap3A = arith.constant 0 : index
    %swap3A_21 = arith.constant 0 : index
    %swap3A_22 = vector.load %arg6[%swap3A, %swap3A_21] : memref<1024x256xf32, #tpu.memory_space<vmem>>, vector<1024x256xf32>
    tpu.vector_store %arg6[%swap3A, %swap3A_21], %add3A_20 {strides = array<i32>} : memref<1024x256xf32, #tpu.memory_space<vmem>>, vector<1024x256xf32>,
    %reduce_sum3A = arith.constant dense<0.000000e+00> : vector<256xf32>
    %reduce_sum3A_23 = vector.multi_reduction <add>, %add3A_20, %reduce_sum3A [0] : vector<1024x256xf32> to vector<256xf32>
    %broadcast_in_dim3A = vector.shape_cast %reduce_sum3A_23 : vector<256xf32> to vector<1x256xf32>
    %broadcast_in_dim3A_24 = vector.shape_cast %broadcast_in_dim3A : vector<1x256xf32> to vector<1x256xf32>
    %broadcast_in_dim3A_25 = vector.broadcast %broadcast_in_dim3A_24 : vector<1x256xf32> to vector<8x256xf32>
    %swap3A_26 = arith.constant 0 : index
    %swap3A_27 = arith.constant 0 : index
    %swap3A_28 = arith.constant 0 : index
    %swap3A_29 = vector.load %arg7[%swap3A_26, %swap3A_27, %swap3A_28] : memref<1x8x256xf32, #tpu.memory_space<vmem>>, vector<1x8x256xf32>
    %swap3A_30 = vector.shape_cast %swap3A_29 : vector<1x8x256xf32> to vector<8x256xf32>
    %swap3A_31 = vector.shape_cast %broadcast_in_dim3A_25 : vector<8x256xf32> to vector<1x8x256xf32>
    tpu.vector_store %arg7[%swap3A_26, %swap3A_27, %swap3A_28], %swap3A_31 {strides = array<i32>} : memref<1x8x256xf32, #tpu.memory_space<vmem>>, vector<1x8x256xf32>,
    %mul3A_32 = arith.mulf %add3A_20, %add3A_20 : vector<1024x256xf32>
    %reduce_sum3A_33 = arith.constant dense<0.000000e+00> : vector<256xf32>
    %reduce_sum3A_34 = vector.multi_reduction <add>, %mul3A_32, %reduce_sum3A_33 [0] : vector<1024x256xf32> to vector<256xf32>
    %broadcast_in_dim3A_35 = vector.shape_cast %reduce_sum3A_34 : vector<256xf32> to vector<1x256xf32>
    %broadcast_in_dim3A_36 = vector.shape_cast %broadcast_in_dim3A_35 : vector<1x256xf32> to vector<1x256xf32>
    %broadcast_in_dim3A_37 = vector.broadcast %broadcast_in_dim3A_36 : vector<1x256xf32> to vector<8x256xf32>
    %swap3A_38 = arith.constant 0 : index
    %swap3A_39 = arith.constant 0 : index
    %swap3A_40 = arith.constant 0 : index
    %swap3A_41 = vector.load %arg8[%swap3A_38, %swap3A_39, %swap3A_40] : memref<1x8x256xf32, #tpu.memory_space<vmem>>, vector<1x8x256xf32>
    %swap3A_42 = vector.shape_cast %swap3A_41 : vector<1x8x256xf32> to vector<8x256xf32>
    %swap3A_43 = vector.shape_cast %broadcast_in_dim3A_37 : vector<8x256xf32> to vector<1x8x256xf32>
    tpu.vector_store %arg8[%swap3A_38, %swap3A_39, %swap3A_40], %swap3A_43 {strides = array<i32>} : memref<1x8x256xf32, #tpu.memory_space<vmem>>, vector<1x8x256xf32>,
    return
  }
  func.func @transform_0(%arg0: i32) -> (i32, i32) {
    %c0_i32 = arith.constant 0 : i32
    %c0_i32_0 = arith.constant 0 : i32
    return %arg0, %c0_i32 : i32, i32
  }
  func.func @transform_1(%arg0: i32) -> (i32, i32) {
    %c0_i32 = arith.constant 0 : i32
    %c0_i32_0 = arith.constant 0 : i32
    %c0_i32_1 = arith.constant 0 : i32
    return %c0_i32, %c0_i32_0 : i32, i32
  }
  func.func @transform_2(%arg0: i32) -> (i32, i32) {
    %c0_i32 = arith.constant 0 : i32
    %c0_i32_0 = arith.constant 0 : i32
    %c0_i32_1 = arith.constant 0 : i32
    return %c0_i32, %c0_i32_0 : i32, i32
  }
  func.func @transform_3(%arg0: i32) -> (i32, i32) {
    %c0_i32 = arith.constant 0 : i32
    %c0_i32_0 = arith.constant 0 : i32
    %c0_i32_1 = arith.constant 0 : i32
    return %c0_i32, %c0_i32_0 : i32, i32
  }
  func.func @transform_4(%arg0: i32) -> (i32, i32) {
    %c0_i32 = arith.constant 0 : i32
    %c0_i32_0 = arith.constant 0 : i32
    %c0_i32_1 = arith.constant 0 : i32
    return %c0_i32, %c0_i32_0 : i32, i32
  }
  func.func @transform_5(%arg0: i32) -> (i32, i32) {
    %c0_i32 = arith.constant 0 : i32
    %c0_i32_0 = arith.constant 0 : i32
    return %arg0, %c0_i32 : i32, i32
  }
  func.func @transform_6(%arg0: i32) -> (i32, i32, i32) {
    %c0_i32 = arith.constant 0 : i32
    %c0_i32_0 = arith.constant 0 : i32
    %c0_i32_1 = arith.constant 0 : i32
    return %arg0, %c0_i32, %c0_i32_0 : i32, i32, i32
  }
  func.func @transform_7(%arg0: i32) -> (i32, i32, i32) {
    %c0_i32 = arith.constant 0 : i32
    %c0_i32_0 = arith.constant 0 : i32
    %c0_i32_1 = arith.constant 0 : i32
    return %arg0, %c0_i32, %c0_i32_0 : i32, i32, i32
  }
}

module attributes {stable_mosaic.version = 14 : i64} {
  func.func @_mm_first_body(%arg0: i32, %arg1: memref<1024x323xf32, #tpu.memory_space<vmem>>, %arg2: memref<323x128xf32, #tpu.memory_space<vmem>>, %arg3: memref<1x128xf32, #tpu.memory_space<vmem>>, %arg4: memref<1024x128xf32, #tpu.memory_space<vmem>>, %arg5: memref<1x8x128xf32, #tpu.memory_space<vmem>>, %arg6: memref<1x8x128xf32, #tpu.memory_space<vmem>>) attributes {dimension_semantics = [#tpu.dimension_semantics<arbitrary>], iteration_bounds = array<i64: 128>, scalar_prefetch = 0 : i64, scratch_operands = 0 : i64, tpu.core_type = #tpu.core_type<tc>, window_params = [{transform_indices = @transform_0, window_bounds = array<i64: 1024, 323>}, {pipeline_mode = #tpu.pipeline_mode<synchronous>, transform_indices = @transform_1, window_bounds = array<i64: 323, 128>}, {pipeline_mode = #tpu.pipeline_mode<synchronous>, transform_indices = @transform_2, window_bounds = array<i64: 1, 128>}, {transform_indices = @transform_3, window_bounds = array<i64: 1024, 128>}, {transform_indices = @transform_4, window_bounds = array<i64: 1, 8, 128>}, {transform_indices = @transform_5, window_bounds = array<i64: 1, 8, 128>}]} {
    %get3A = arith.constant 0 : index
    %get3A_0 = arith.constant 0 : index
    %get3A_1 = vector.load %arg1[%get3A, %get3A_0] : memref<1024x323xf32, #tpu.memory_space<vmem>>, vector<1024x323xf32>
    %get3A_2 = arith.constant 0 : index
    %get3A_3 = arith.constant 0 : index
    %get3A_4 = vector.load %arg2[%get3A_2, %get3A_3] : memref<323x128xf32, #tpu.memory_space<vmem>>, vector<323x128xf32>
    %dot_general3A = arith.constant dense<0.000000e+00> : vector<1024x128xf32>
    %dot_general3A_5 = tpu.matmul %get3A_1, %get3A_4, %dot_general3A {dimension_numbers = #tpu.dot_dimension_numbers<[1], [0], [0], [1], [0, 0, 1, 1], [], []>, transpose_lhs_hint = false} : vector<1024x323xf32>, vector<323x128xf32>, vector<1024x128xf32> -> vector<1024x128xf32>
    %get3A_6 = arith.constant 0 : index
    %get3A_7 = arith.constant 0 : index
    %get3A_8 = vector.load %arg3[%get3A_6, %get3A_7] : memref<1x128xf32, #tpu.memory_space<vmem>>, vector<1x128xf32>
    %add3A = vector.broadcast %get3A_8 : vector<1x128xf32> to vector<1024x128xf32>
    %add3A_9 = arith.addf %dot_general3A_5, %add3A : vector<1024x128xf32>
    %swap3A = arith.constant 0 : index
    %swap3A_10 = arith.constant 0 : index
    %swap3A_11 = vector.load %arg4[%swap3A, %swap3A_10] : memref<1024x128xf32, #tpu.memory_space<vmem>>, vector<1024x128xf32>
    tpu.vector_store %arg4[%swap3A, %swap3A_10], %add3A_9 {strides = array<i32>} : memref<1024x128xf32, #tpu.memory_space<vmem>>, vector<1024x128xf32>,
    %reduce_sum3A = arith.constant dense<0.000000e+00> : vector<128xf32>
    %reduce_sum3A_12 = vector.multi_reduction <add>, %add3A_9, %reduce_sum3A [0] : vector<1024x128xf32> to vector<128xf32>
    %broadcast_in_dim3A = vector.shape_cast %reduce_sum3A_12 : vector<128xf32> to vector<1x128xf32>
    %broadcast_in_dim3A_13 = vector.shape_cast %broadcast_in_dim3A : vector<1x128xf32> to vector<1x128xf32>
    %broadcast_in_dim3A_14 = vector.broadcast %broadcast_in_dim3A_13 : vector<1x128xf32> to vector<8x128xf32>
    %swap3A_15 = arith.constant 0 : index
    %swap3A_16 = arith.constant 0 : index
    %swap3A_17 = arith.constant 0 : index
    %swap3A_18 = vector.load %arg5[%swap3A_15, %swap3A_16, %swap3A_17] : memref<1x8x128xf32, #tpu.memory_space<vmem>>, vector<1x8x128xf32>
    %swap3A_19 = vector.shape_cast %swap3A_18 : vector<1x8x128xf32> to vector<8x128xf32>
    %swap3A_20 = vector.shape_cast %broadcast_in_dim3A_14 : vector<8x128xf32> to vector<1x8x128xf32>
    tpu.vector_store %arg5[%swap3A_15, %swap3A_16, %swap3A_17], %swap3A_20 {strides = array<i32>} : memref<1x8x128xf32, #tpu.memory_space<vmem>>, vector<1x8x128xf32>,
    %mul3A = arith.mulf %add3A_9, %add3A_9 : vector<1024x128xf32>
    %reduce_sum3A_21 = arith.constant dense<0.000000e+00> : vector<128xf32>
    %reduce_sum3A_22 = vector.multi_reduction <add>, %mul3A, %reduce_sum3A_21 [0] : vector<1024x128xf32> to vector<128xf32>
    %broadcast_in_dim3A_23 = vector.shape_cast %reduce_sum3A_22 : vector<128xf32> to vector<1x128xf32>
    %broadcast_in_dim3A_24 = vector.shape_cast %broadcast_in_dim3A_23 : vector<1x128xf32> to vector<1x128xf32>
    %broadcast_in_dim3A_25 = vector.broadcast %broadcast_in_dim3A_24 : vector<1x128xf32> to vector<8x128xf32>
    %swap3A_26 = arith.constant 0 : index
    %swap3A_27 = arith.constant 0 : index
    %swap3A_28 = arith.constant 0 : index
    %swap3A_29 = vector.load %arg6[%swap3A_26, %swap3A_27, %swap3A_28] : memref<1x8x128xf32, #tpu.memory_space<vmem>>, vector<1x8x128xf32>
    %swap3A_30 = vector.shape_cast %swap3A_29 : vector<1x8x128xf32> to vector<8x128xf32>
    %swap3A_31 = vector.shape_cast %broadcast_in_dim3A_25 : vector<8x128xf32> to vector<1x8x128xf32>
    tpu.vector_store %arg6[%swap3A_26, %swap3A_27, %swap3A_28], %swap3A_31 {strides = array<i32>} : memref<1x8x128xf32, #tpu.memory_space<vmem>>, vector<1x8x128xf32>,
    return
  }
  func.func @transform_0(%arg0: i32) -> (i32, i32) {
    %c0_i32 = arith.constant 0 : i32
    %c0_i32_0 = arith.constant 0 : i32
    return %arg0, %c0_i32 : i32, i32
  }
  func.func @transform_1(%arg0: i32) -> (i32, i32) {
    %c0_i32 = arith.constant 0 : i32
    %c0_i32_0 = arith.constant 0 : i32
    %c0_i32_1 = arith.constant 0 : i32
    return %c0_i32, %c0_i32_0 : i32, i32
  }
  func.func @transform_2(%arg0: i32) -> (i32, i32) {
    %c0_i32 = arith.constant 0 : i32
    %c0_i32_0 = arith.constant 0 : i32
    %c0_i32_1 = arith.constant 0 : i32
    return %c0_i32, %c0_i32_0 : i32, i32
  }
  func.func @transform_3(%arg0: i32) -> (i32, i32) {
    %c0_i32 = arith.constant 0 : i32
    %c0_i32_0 = arith.constant 0 : i32
    return %arg0, %c0_i32 : i32, i32
  }
  func.func @transform_4(%arg0: i32) -> (i32, i32, i32) {
    %c0_i32 = arith.constant 0 : i32
    %c0_i32_0 = arith.constant 0 : i32
    %c0_i32_1 = arith.constant 0 : i32
    return %arg0, %c0_i32, %c0_i32_0 : i32, i32, i32
  }
  func.func @transform_5(%arg0: i32) -> (i32, i32, i32) {
    %c0_i32 = arith.constant 0 : i32
    %c0_i32_0 = arith.constant 0 : i32
    %c0_i32_1 = arith.constant 0 : i32
    return %arg0, %c0_i32, %c0_i32_0 : i32, i32, i32
  }
}

module attributes {stable_mosaic.version = 14 : i64} {
  func.func @_mm_aff_body(%arg0: i32, %arg1: memref<1024x128xf32, #tpu.memory_space<vmem>>, %arg2: memref<1x128xf32, #tpu.memory_space<vmem>>, %arg3: memref<1x128xf32, #tpu.memory_space<vmem>>, %arg4: memref<128x128xf32, #tpu.memory_space<vmem>>, %arg5: memref<1x128xf32, #tpu.memory_space<vmem>>, %arg6: memref<1024x128xf32, #tpu.memory_space<vmem>>, %arg7: memref<1x8x128xf32, #tpu.memory_space<vmem>>, %arg8: memref<1x8x128xf32, #tpu.memory_space<vmem>>) attributes {dimension_semantics = [#tpu.dimension_semantics<arbitrary>], iteration_bounds = array<i64: 128>, scalar_prefetch = 0 : i64, scratch_operands = 0 : i64, tpu.core_type = #tpu.core_type<tc>, window_params = [{transform_indices = @transform_0, window_bounds = array<i64: 1024, 128>}, {pipeline_mode = #tpu.pipeline_mode<synchronous>, transform_indices = @transform_1, window_bounds = array<i64: 1, 128>}, {pipeline_mode = #tpu.pipeline_mode<synchronous>, transform_indices = @transform_2, window_bounds = array<i64: 1, 128>}, {pipeline_mode = #tpu.pipeline_mode<synchronous>, transform_indices = @transform_3, window_bounds = array<i64: 128, 128>}, {pipeline_mode = #tpu.pipeline_mode<synchronous>, transform_indices = @transform_4, window_bounds = array<i64: 1, 128>}, {transform_indices = @transform_5, window_bounds = array<i64: 1024, 128>}, {transform_indices = @transform_6, window_bounds = array<i64: 1, 8, 128>}, {transform_indices = @transform_7, window_bounds = array<i64: 1, 8, 128>}]} {
    %get3A = arith.constant 0 : index
    %get3A_0 = arith.constant 0 : index
    %get3A_1 = vector.load %arg1[%get3A, %get3A_0] : memref<1024x128xf32, #tpu.memory_space<vmem>>, vector<1024x128xf32>
    %get3A_2 = arith.constant 0 : index
    %get3A_3 = arith.constant 0 : index
    %get3A_4 = vector.load %arg2[%get3A_2, %get3A_3] : memref<1x128xf32, #tpu.memory_space<vmem>>, vector<1x128xf32>
    %mul3A = vector.broadcast %get3A_4 : vector<1x128xf32> to vector<1024x128xf32>
    %mul3A_5 = arith.mulf %get3A_1, %mul3A : vector<1024x128xf32>
    %get3A_6 = arith.constant 0 : index
    %get3A_7 = arith.constant 0 : index
    %get3A_8 = vector.load %arg3[%get3A_6, %get3A_7] : memref<1x128xf32, #tpu.memory_space<vmem>>, vector<1x128xf32>
    %add3A = vector.broadcast %get3A_8 : vector<1x128xf32> to vector<1024x128xf32>
    %add3A_9 = arith.addf %mul3A_5, %add3A : vector<1024x128xf32>
    %max3A = arith.constant 0.000000e+00 : f32
    %max3A_10 = vector.broadcast %max3A : f32 to vector<1024x128xf32>
    %max3A_11 = arith.maximumf %add3A_9, %max3A_10 : vector<1024x128xf32>
    %get3A_12 = arith.constant 0 : index
    %get3A_13 = arith.constant 0 : index
    %get3A_14 = vector.load %arg4[%get3A_12, %get3A_13] : memref<128x128xf32, #tpu.memory_space<vmem>>, vector<128x128xf32>
    %dot_general3A = arith.constant dense<0.000000e+00> : vector<1024x128xf32>
    %dot_general3A_15 = tpu.matmul %max3A_11, %get3A_14, %dot_general3A {dimension_numbers = #tpu.dot_dimension_numbers<[1], [0], [0], [1], [0, 0, 1, 1], [], []>, transpose_lhs_hint = false} : vector<1024x128xf32>, vector<128x128xf32>, vector<1024x128xf32> -> vector<1024x128xf32>
    %get3A_16 = arith.constant 0 : index
    %get3A_17 = arith.constant 0 : index
    %get3A_18 = vector.load %arg5[%get3A_16, %get3A_17] : memref<1x128xf32, #tpu.memory_space<vmem>>, vector<1x128xf32>
    %add3A_19 = vector.broadcast %get3A_18 : vector<1x128xf32> to vector<1024x128xf32>
    %add3A_20 = arith.addf %dot_general3A_15, %add3A_19 : vector<1024x128xf32>
    %swap3A = arith.constant 0 : index
    %swap3A_21 = arith.constant 0 : index
    %swap3A_22 = vector.load %arg6[%swap3A, %swap3A_21] : memref<1024x128xf32, #tpu.memory_space<vmem>>, vector<1024x128xf32>
    tpu.vector_store %arg6[%swap3A, %swap3A_21], %add3A_20 {strides = array<i32>} : memref<1024x128xf32, #tpu.memory_space<vmem>>, vector<1024x128xf32>,
    %reduce_sum3A = arith.constant dense<0.000000e+00> : vector<128xf32>
    %reduce_sum3A_23 = vector.multi_reduction <add>, %add3A_20, %reduce_sum3A [0] : vector<1024x128xf32> to vector<128xf32>
    %broadcast_in_dim3A = vector.shape_cast %reduce_sum3A_23 : vector<128xf32> to vector<1x128xf32>
    %broadcast_in_dim3A_24 = vector.shape_cast %broadcast_in_dim3A : vector<1x128xf32> to vector<1x128xf32>
    %broadcast_in_dim3A_25 = vector.broadcast %broadcast_in_dim3A_24 : vector<1x128xf32> to vector<8x128xf32>
    %swap3A_26 = arith.constant 0 : index
    %swap3A_27 = arith.constant 0 : index
    %swap3A_28 = arith.constant 0 : index
    %swap3A_29 = vector.load %arg7[%swap3A_26, %swap3A_27, %swap3A_28] : memref<1x8x128xf32, #tpu.memory_space<vmem>>, vector<1x8x128xf32>
    %swap3A_30 = vector.shape_cast %swap3A_29 : vector<1x8x128xf32> to vector<8x128xf32>
    %swap3A_31 = vector.shape_cast %broadcast_in_dim3A_25 : vector<8x128xf32> to vector<1x8x128xf32>
    tpu.vector_store %arg7[%swap3A_26, %swap3A_27, %swap3A_28], %swap3A_31 {strides = array<i32>} : memref<1x8x128xf32, #tpu.memory_space<vmem>>, vector<1x8x128xf32>,
    %mul3A_32 = arith.mulf %add3A_20, %add3A_20 : vector<1024x128xf32>
    %reduce_sum3A_33 = arith.constant dense<0.000000e+00> : vector<128xf32>
    %reduce_sum3A_34 = vector.multi_reduction <add>, %mul3A_32, %reduce_sum3A_33 [0] : vector<1024x128xf32> to vector<128xf32>
    %broadcast_in_dim3A_35 = vector.shape_cast %reduce_sum3A_34 : vector<128xf32> to vector<1x128xf32>
    %broadcast_in_dim3A_36 = vector.shape_cast %broadcast_in_dim3A_35 : vector<1x128xf32> to vector<1x128xf32>
    %broadcast_in_dim3A_37 = vector.broadcast %broadcast_in_dim3A_36 : vector<1x128xf32> to vector<8x128xf32>
    %swap3A_38 = arith.constant 0 : index
    %swap3A_39 = arith.constant 0 : index
    %swap3A_40 = arith.constant 0 : index
    %swap3A_41 = vector.load %arg8[%swap3A_38, %swap3A_39, %swap3A_40] : memref<1x8x128xf32, #tpu.memory_space<vmem>>, vector<1x8x128xf32>
    %swap3A_42 = vector.shape_cast %swap3A_41 : vector<1x8x128xf32> to vector<8x128xf32>
    %swap3A_43 = vector.shape_cast %broadcast_in_dim3A_37 : vector<8x128xf32> to vector<1x8x128xf32>
    tpu.vector_store %arg8[%swap3A_38, %swap3A_39, %swap3A_40], %swap3A_43 {strides = array<i32>} : memref<1x8x128xf32, #tpu.memory_space<vmem>>, vector<1x8x128xf32>,
    return
  }
  func.func @transform_0(%arg0: i32) -> (i32, i32) {
    %c0_i32 = arith.constant 0 : i32
    %c0_i32_0 = arith.constant 0 : i32
    return %arg0, %c0_i32 : i32, i32
  }
  func.func @transform_1(%arg0: i32) -> (i32, i32) {
    %c0_i32 = arith.constant 0 : i32
    %c0_i32_0 = arith.constant 0 : i32
    %c0_i32_1 = arith.constant 0 : i32
    return %c0_i32, %c0_i32_0 : i32, i32
  }
  func.func @transform_2(%arg0: i32) -> (i32, i32) {
    %c0_i32 = arith.constant 0 : i32
    %c0_i32_0 = arith.constant 0 : i32
    %c0_i32_1 = arith.constant 0 : i32
    return %c0_i32, %c0_i32_0 : i32, i32
  }
  func.func @transform_3(%arg0: i32) -> (i32, i32) {
    %c0_i32 = arith.constant 0 : i32
    %c0_i32_0 = arith.constant 0 : i32
    %c0_i32_1 = arith.constant 0 : i32
    return %c0_i32, %c0_i32_0 : i32, i32
  }
  func.func @transform_4(%arg0: i32) -> (i32, i32) {
    %c0_i32 = arith.constant 0 : i32
    %c0_i32_0 = arith.constant 0 : i32
    %c0_i32_1 = arith.constant 0 : i32
    return %c0_i32, %c0_i32_0 : i32, i32
  }
  func.func @transform_5(%arg0: i32) -> (i32, i32) {
    %c0_i32 = arith.constant 0 : i32
    %c0_i32_0 = arith.constant 0 : i32
    return %arg0, %c0_i32 : i32, i32
  }
  func.func @transform_6(%arg0: i32) -> (i32, i32, i32) {
    %c0_i32 = arith.constant 0 : i32
    %c0_i32_0 = arith.constant 0 : i32
    %c0_i32_1 = arith.constant 0 : i32
    return %arg0, %c0_i32, %c0_i32_0 : i32, i32, i32
  }
  func.func @transform_7(%arg0: i32) -> (i32, i32, i32) {
    %c0_i32 = arith.constant 0 : i32
    %c0_i32_0 = arith.constant 0 : i32
    %c0_i32_1 = arith.constant 0 : i32
    return %arg0, %c0_i32, %c0_i32_0 : i32, i32, i32
  }
}

module attributes {stable_mosaic.version = 14 : i64} {
  func.func @_mm_aff_body(%arg0: i32, %arg1: memref<1024x128xf32, #tpu.memory_space<vmem>>, %arg2: memref<1x128xf32, #tpu.memory_space<vmem>>, %arg3: memref<1x128xf32, #tpu.memory_space<vmem>>, %arg4: memref<128x256xf32, #tpu.memory_space<vmem>>, %arg5: memref<1x256xf32, #tpu.memory_space<vmem>>, %arg6: memref<1024x256xf32, #tpu.memory_space<vmem>>, %arg7: memref<1x8x256xf32, #tpu.memory_space<vmem>>, %arg8: memref<1x8x256xf32, #tpu.memory_space<vmem>>) attributes {dimension_semantics = [#tpu.dimension_semantics<arbitrary>], iteration_bounds = array<i64: 128>, scalar_prefetch = 0 : i64, scratch_operands = 0 : i64, tpu.core_type = #tpu.core_type<tc>, window_params = [{transform_indices = @transform_0, window_bounds = array<i64: 1024, 128>}, {pipeline_mode = #tpu.pipeline_mode<synchronous>, transform_indices = @transform_1, window_bounds = array<i64: 1, 128>}, {pipeline_mode = #tpu.pipeline_mode<synchronous>, transform_indices = @transform_2, window_bounds = array<i64: 1, 128>}, {pipeline_mode = #tpu.pipeline_mode<synchronous>, transform_indices = @transform_3, window_bounds = array<i64: 128, 256>}, {pipeline_mode = #tpu.pipeline_mode<synchronous>, transform_indices = @transform_4, window_bounds = array<i64: 1, 256>}, {transform_indices = @transform_5, window_bounds = array<i64: 1024, 256>}, {transform_indices = @transform_6, window_bounds = array<i64: 1, 8, 256>}, {transform_indices = @transform_7, window_bounds = array<i64: 1, 8, 256>}]} {
    %get3A = arith.constant 0 : index
    %get3A_0 = arith.constant 0 : index
    %get3A_1 = vector.load %arg1[%get3A, %get3A_0] : memref<1024x128xf32, #tpu.memory_space<vmem>>, vector<1024x128xf32>
    %get3A_2 = arith.constant 0 : index
    %get3A_3 = arith.constant 0 : index
    %get3A_4 = vector.load %arg2[%get3A_2, %get3A_3] : memref<1x128xf32, #tpu.memory_space<vmem>>, vector<1x128xf32>
    %mul3A = vector.broadcast %get3A_4 : vector<1x128xf32> to vector<1024x128xf32>
    %mul3A_5 = arith.mulf %get3A_1, %mul3A : vector<1024x128xf32>
    %get3A_6 = arith.constant 0 : index
    %get3A_7 = arith.constant 0 : index
    %get3A_8 = vector.load %arg3[%get3A_6, %get3A_7] : memref<1x128xf32, #tpu.memory_space<vmem>>, vector<1x128xf32>
    %add3A = vector.broadcast %get3A_8 : vector<1x128xf32> to vector<1024x128xf32>
    %add3A_9 = arith.addf %mul3A_5, %add3A : vector<1024x128xf32>
    %max3A = arith.constant 0.000000e+00 : f32
    %max3A_10 = vector.broadcast %max3A : f32 to vector<1024x128xf32>
    %max3A_11 = arith.maximumf %add3A_9, %max3A_10 : vector<1024x128xf32>
    %get3A_12 = arith.constant 0 : index
    %get3A_13 = arith.constant 0 : index
    %get3A_14 = vector.load %arg4[%get3A_12, %get3A_13] : memref<128x256xf32, #tpu.memory_space<vmem>>, vector<128x256xf32>
    %dot_general3A = arith.constant dense<0.000000e+00> : vector<1024x256xf32>
    %dot_general3A_15 = tpu.matmul %max3A_11, %get3A_14, %dot_general3A {dimension_numbers = #tpu.dot_dimension_numbers<[1], [0], [0], [1], [0, 0, 1, 1], [], []>, transpose_lhs_hint = false} : vector<1024x128xf32>, vector<128x256xf32>, vector<1024x256xf32> -> vector<1024x256xf32>
    %get3A_16 = arith.constant 0 : index
    %get3A_17 = arith.constant 0 : index
    %get3A_18 = vector.load %arg5[%get3A_16, %get3A_17] : memref<1x256xf32, #tpu.memory_space<vmem>>, vector<1x256xf32>
    %add3A_19 = vector.broadcast %get3A_18 : vector<1x256xf32> to vector<1024x256xf32>
    %add3A_20 = arith.addf %dot_general3A_15, %add3A_19 : vector<1024x256xf32>
    %swap3A = arith.constant 0 : index
    %swap3A_21 = arith.constant 0 : index
    %swap3A_22 = vector.load %arg6[%swap3A, %swap3A_21] : memref<1024x256xf32, #tpu.memory_space<vmem>>, vector<1024x256xf32>
    tpu.vector_store %arg6[%swap3A, %swap3A_21], %add3A_20 {strides = array<i32>} : memref<1024x256xf32, #tpu.memory_space<vmem>>, vector<1024x256xf32>,
    %reduce_sum3A = arith.constant dense<0.000000e+00> : vector<256xf32>
    %reduce_sum3A_23 = vector.multi_reduction <add>, %add3A_20, %reduce_sum3A [0] : vector<1024x256xf32> to vector<256xf32>
    %broadcast_in_dim3A = vector.shape_cast %reduce_sum3A_23 : vector<256xf32> to vector<1x256xf32>
    %broadcast_in_dim3A_24 = vector.shape_cast %broadcast_in_dim3A : vector<1x256xf32> to vector<1x256xf32>
    %broadcast_in_dim3A_25 = vector.broadcast %broadcast_in_dim3A_24 : vector<1x256xf32> to vector<8x256xf32>
    %swap3A_26 = arith.constant 0 : index
    %swap3A_27 = arith.constant 0 : index
    %swap3A_28 = arith.constant 0 : index
    %swap3A_29 = vector.load %arg7[%swap3A_26, %swap3A_27, %swap3A_28] : memref<1x8x256xf32, #tpu.memory_space<vmem>>, vector<1x8x256xf32>
    %swap3A_30 = vector.shape_cast %swap3A_29 : vector<1x8x256xf32> to vector<8x256xf32>
    %swap3A_31 = vector.shape_cast %broadcast_in_dim3A_25 : vector<8x256xf32> to vector<1x8x256xf32>
    tpu.vector_store %arg7[%swap3A_26, %swap3A_27, %swap3A_28], %swap3A_31 {strides = array<i32>} : memref<1x8x256xf32, #tpu.memory_space<vmem>>, vector<1x8x256xf32>,
    %mul3A_32 = arith.mulf %add3A_20, %add3A_20 : vector<1024x256xf32>
    %reduce_sum3A_33 = arith.constant dense<0.000000e+00> : vector<256xf32>
    %reduce_sum3A_34 = vector.multi_reduction <add>, %mul3A_32, %reduce_sum3A_33 [0] : vector<1024x256xf32> to vector<256xf32>
    %broadcast_in_dim3A_35 = vector.shape_cast %reduce_sum3A_34 : vector<256xf32> to vector<1x256xf32>
    %broadcast_in_dim3A_36 = vector.shape_cast %broadcast_in_dim3A_35 : vector<1x256xf32> to vector<1x256xf32>
    %broadcast_in_dim3A_37 = vector.broadcast %broadcast_in_dim3A_36 : vector<1x256xf32> to vector<8x256xf32>
    %swap3A_38 = arith.constant 0 : index
    %swap3A_39 = arith.constant 0 : index
    %swap3A_40 = arith.constant 0 : index
    %swap3A_41 = vector.load %arg8[%swap3A_38, %swap3A_39, %swap3A_40] : memref<1x8x256xf32, #tpu.memory_space<vmem>>, vector<1x8x256xf32>
    %swap3A_42 = vector.shape_cast %swap3A_41 : vector<1x8x256xf32> to vector<8x256xf32>
    %swap3A_43 = vector.shape_cast %broadcast_in_dim3A_37 : vector<8x256xf32> to vector<1x8x256xf32>
    tpu.vector_store %arg8[%swap3A_38, %swap3A_39, %swap3A_40], %swap3A_43 {strides = array<i32>} : memref<1x8x256xf32, #tpu.memory_space<vmem>>, vector<1x8x256xf32>,
    return
  }
  func.func @transform_0(%arg0: i32) -> (i32, i32) {
    %c0_i32 = arith.constant 0 : i32
    %c0_i32_0 = arith.constant 0 : i32
    return %arg0, %c0_i32 : i32, i32
  }
  func.func @transform_1(%arg0: i32) -> (i32, i32) {
    %c0_i32 = arith.constant 0 : i32
    %c0_i32_0 = arith.constant 0 : i32
    %c0_i32_1 = arith.constant 0 : i32
    return %c0_i32, %c0_i32_0 : i32, i32
  }
  func.func @transform_2(%arg0: i32) -> (i32, i32) {
    %c0_i32 = arith.constant 0 : i32
    %c0_i32_0 = arith.constant 0 : i32
    %c0_i32_1 = arith.constant 0 : i32
    return %c0_i32, %c0_i32_0 : i32, i32
  }
  func.func @transform_3(%arg0: i32) -> (i32, i32) {
    %c0_i32 = arith.constant 0 : i32
    %c0_i32_0 = arith.constant 0 : i32
    %c0_i32_1 = arith.constant 0 : i32
    return %c0_i32, %c0_i32_0 : i32, i32
  }
  func.func @transform_4(%arg0: i32) -> (i32, i32) {
    %c0_i32 = arith.constant 0 : i32
    %c0_i32_0 = arith.constant 0 : i32
    %c0_i32_1 = arith.constant 0 : i32
    return %c0_i32, %c0_i32_0 : i32, i32
  }
  func.func @transform_5(%arg0: i32) -> (i32, i32) {
    %c0_i32 = arith.constant 0 : i32
    %c0_i32_0 = arith.constant 0 : i32
    return %arg0, %c0_i32 : i32, i32
  }
  func.func @transform_6(%arg0: i32) -> (i32, i32, i32) {
    %c0_i32 = arith.constant 0 : i32
    %c0_i32_0 = arith.constant 0 : i32
    %c0_i32_1 = arith.constant 0 : i32
    return %arg0, %c0_i32, %c0_i32_0 : i32, i32, i32
  }
  func.func @transform_7(%arg0: i32) -> (i32, i32, i32) {
    %c0_i32 = arith.constant 0 : i32
    %c0_i32_0 = arith.constant 0 : i32
    %c0_i32_1 = arith.constant 0 : i32
    return %arg0, %c0_i32, %c0_i32_0 : i32, i32, i32
  }
}

module attributes {stable_mosaic.version = 14 : i64} {
  func.func @_aff_max_body(%arg0: i32, %arg1: memref<1024x128xf32, #tpu.memory_space<vmem>>, %arg2: memref<1x128xf32, #tpu.memory_space<vmem>>, %arg3: memref<1x128xf32, #tpu.memory_space<vmem>>, %arg4: memref<32x128xf32, #tpu.memory_space<vmem>>) attributes {dimension_semantics = [#tpu.dimension_semantics<arbitrary>], iteration_bounds = array<i64: 32>, scalar_prefetch = 0 : i64, scratch_operands = 0 : i64, tpu.core_type = #tpu.core_type<tc>, window_params = [{transform_indices = @transform_0, window_bounds = array<i64: 1024, 128>}, {pipeline_mode = #tpu.pipeline_mode<synchronous>, transform_indices = @transform_1, window_bounds = array<i64: 1, 128>}, {pipeline_mode = #tpu.pipeline_mode<synchronous>, transform_indices = @transform_2, window_bounds = array<i64: 1, 128>}, {transform_indices = @transform_3, window_bounds = array<i64: 32, 128>}]} {
    %get3A = arith.constant 0 : index
    %get3A_0 = arith.constant 0 : index
    %get3A_1 = vector.load %arg1[%get3A, %get3A_0] : memref<1024x128xf32, #tpu.memory_space<vmem>>, vector<1024x128xf32>
    %get3A_2 = arith.constant 0 : index
    %get3A_3 = arith.constant 0 : index
    %get3A_4 = vector.load %arg2[%get3A_2, %get3A_3] : memref<1x128xf32, #tpu.memory_space<vmem>>, vector<1x128xf32>
    %mul3A = vector.broadcast %get3A_4 : vector<1x128xf32> to vector<1024x128xf32>
    %mul3A_5 = arith.mulf %get3A_1, %mul3A : vector<1024x128xf32>
    %get3A_6 = arith.constant 0 : index
    %get3A_7 = arith.constant 0 : index
    %get3A_8 = vector.load %arg3[%get3A_6, %get3A_7] : memref<1x128xf32, #tpu.memory_space<vmem>>, vector<1x128xf32>
    %add3A = vector.broadcast %get3A_8 : vector<1x128xf32> to vector<1024x128xf32>
    %add3A_9 = arith.addf %mul3A_5, %add3A : vector<1024x128xf32>
    %max3A = arith.constant 0.000000e+00 : f32
    %max3A_10 = vector.broadcast %max3A : f32 to vector<1024x128xf32>
    %max3A_11 = arith.maximumf %add3A_9, %max3A_10 : vector<1024x128xf32>
    %reshape3A = vector.shape_cast %max3A_11 : vector<1024x128xf32> to vector<32x32x128xf32>
    %reduce_max3A = arith.constant dense<0xFF800000> : vector<32x128xf32>
    %reduce_max3A_12 = vector.multi_reduction <maximumf>, %reshape3A, %reduce_max3A [1] : vector<32x32x128xf32> to vector<32x128xf32>
    %swap3A = arith.constant 0 : index
    %swap3A_13 = arith.constant 0 : index
    %swap3A_14 = vector.load %arg4[%swap3A, %swap3A_13] : memref<32x128xf32, #tpu.memory_space<vmem>>, vector<32x128xf32>
    tpu.vector_store %arg4[%swap3A, %swap3A_13], %reduce_max3A_12 {strides = array<i32>} : memref<32x128xf32, #tpu.memory_space<vmem>>, vector<32x128xf32>,
    return
  }
  func.func @transform_0(%arg0: i32) -> (i32, i32) {
    %c0_i32 = arith.constant 0 : i32
    %c0_i32_0 = arith.constant 0 : i32
    return %arg0, %c0_i32 : i32, i32
  }
  func.func @transform_1(%arg0: i32) -> (i32, i32) {
    %c0_i32 = arith.constant 0 : i32
    %c0_i32_0 = arith.constant 0 : i32
    %c0_i32_1 = arith.constant 0 : i32
    return %c0_i32, %c0_i32_0 : i32, i32
  }
  func.func @transform_2(%arg0: i32) -> (i32, i32) {
    %c0_i32 = arith.constant 0 : i32
    %c0_i32_0 = arith.constant 0 : i32
    %c0_i32_1 = arith.constant 0 : i32
    return %c0_i32, %c0_i32_0 : i32, i32
  }
  func.func @transform_3(%arg0: i32) -> (i32, i32) {
    %c0_i32 = arith.constant 0 : i32
    %c0_i32_0 = arith.constant 0 : i32
    return %arg0, %c0_i32 : i32, i32
  }
}

module attributes {stable_mosaic.version = 14 : i64} {
  func.func @_aff_max_body(%arg0: i32, %arg1: memref<1024x256xf32, #tpu.memory_space<vmem>>, %arg2: memref<1x256xf32, #tpu.memory_space<vmem>>, %arg3: memref<1x256xf32, #tpu.memory_space<vmem>>, %arg4: memref<16x256xf32, #tpu.memory_space<vmem>>) attributes {dimension_semantics = [#tpu.dimension_semantics<arbitrary>], iteration_bounds = array<i64: 64>, scalar_prefetch = 0 : i64, scratch_operands = 0 : i64, tpu.core_type = #tpu.core_type<tc>, window_params = [{transform_indices = @transform_0, window_bounds = array<i64: 1024, 256>}, {pipeline_mode = #tpu.pipeline_mode<synchronous>, transform_indices = @transform_1, window_bounds = array<i64: 1, 256>}, {pipeline_mode = #tpu.pipeline_mode<synchronous>, transform_indices = @transform_2, window_bounds = array<i64: 1, 256>}, {transform_indices = @transform_3, window_bounds = array<i64: 16, 256>}]} {
    %get3A = arith.constant 0 : index
    %get3A_0 = arith.constant 0 : index
    %get3A_1 = vector.load %arg1[%get3A, %get3A_0] : memref<1024x256xf32, #tpu.memory_space<vmem>>, vector<1024x256xf32>
    %get3A_2 = arith.constant 0 : index
    %get3A_3 = arith.constant 0 : index
    %get3A_4 = vector.load %arg2[%get3A_2, %get3A_3] : memref<1x256xf32, #tpu.memory_space<vmem>>, vector<1x256xf32>
    %mul3A = vector.broadcast %get3A_4 : vector<1x256xf32> to vector<1024x256xf32>
    %mul3A_5 = arith.mulf %get3A_1, %mul3A : vector<1024x256xf32>
    %get3A_6 = arith.constant 0 : index
    %get3A_7 = arith.constant 0 : index
    %get3A_8 = vector.load %arg3[%get3A_6, %get3A_7] : memref<1x256xf32, #tpu.memory_space<vmem>>, vector<1x256xf32>
    %add3A = vector.broadcast %get3A_8 : vector<1x256xf32> to vector<1024x256xf32>
    %add3A_9 = arith.addf %mul3A_5, %add3A : vector<1024x256xf32>
    %max3A = arith.constant 0.000000e+00 : f32
    %max3A_10 = vector.broadcast %max3A : f32 to vector<1024x256xf32>
    %max3A_11 = arith.maximumf %add3A_9, %max3A_10 : vector<1024x256xf32>
    %reshape3A = vector.shape_cast %max3A_11 : vector<1024x256xf32> to vector<16x64x256xf32>
    %reduce_max3A = arith.constant dense<0xFF800000> : vector<16x256xf32>
    %reduce_max3A_12 = vector.multi_reduction <maximumf>, %reshape3A, %reduce_max3A [1] : vector<16x64x256xf32> to vector<16x256xf32>
    %swap3A = arith.constant 0 : index
    %swap3A_13 = arith.constant 0 : index
    %swap3A_14 = vector.load %arg4[%swap3A, %swap3A_13] : memref<16x256xf32, #tpu.memory_space<vmem>>, vector<16x256xf32>
    tpu.vector_store %arg4[%swap3A, %swap3A_13], %reduce_max3A_12 {strides = array<i32>} : memref<16x256xf32, #tpu.memory_space<vmem>>, vector<16x256xf32>,
    return
  }
  func.func @transform_0(%arg0: i32) -> (i32, i32) {
    %c0_i32 = arith.constant 0 : i32
    %c0_i32_0 = arith.constant 0 : i32
    return %arg0, %c0_i32 : i32, i32
  }
  func.func @transform_1(%arg0: i32) -> (i32, i32) {
    %c0_i32 = arith.constant 0 : i32
    %c0_i32_0 = arith.constant 0 : i32
    %c0_i32_1 = arith.constant 0 : i32
    return %c0_i32, %c0_i32_0 : i32, i32
  }
  func.func @transform_2(%arg0: i32) -> (i32, i32) {
    %c0_i32 = arith.constant 0 : i32
    %c0_i32_0 = arith.constant 0 : i32
    %c0_i32_1 = arith.constant 0 : i32
    return %c0_i32, %c0_i32_0 : i32, i32
  }
  func.func @transform_3(%arg0: i32) -> (i32, i32) {
    %c0_i32 = arith.constant 0 : i32
    %c0_i32_0 = arith.constant 0 : i32
    return %arg0, %c0_i32 : i32, i32
  }
}

module attributes {stable_mosaic.version = 14 : i64} {
  func.func @_aff_max_body(%arg0: i32, %arg1: memref<1024x256xf32, #tpu.memory_space<vmem>>, %arg2: memref<1x256xf32, #tpu.memory_space<vmem>>, %arg3: memref<1x256xf32, #tpu.memory_space<vmem>>, %arg4: memref<8x256xf32, #tpu.memory_space<vmem>>) attributes {dimension_semantics = [#tpu.dimension_semantics<arbitrary>], iteration_bounds = array<i64: 128>, scalar_prefetch = 0 : i64, scratch_operands = 0 : i64, tpu.core_type = #tpu.core_type<tc>, window_params = [{transform_indices = @transform_0, window_bounds = array<i64: 1024, 256>}, {pipeline_mode = #tpu.pipeline_mode<synchronous>, transform_indices = @transform_1, window_bounds = array<i64: 1, 256>}, {pipeline_mode = #tpu.pipeline_mode<synchronous>, transform_indices = @transform_2, window_bounds = array<i64: 1, 256>}, {transform_indices = @transform_3, window_bounds = array<i64: 8, 256>}]} {
    %get3A = arith.constant 0 : index
    %get3A_0 = arith.constant 0 : index
    %get3A_1 = vector.load %arg1[%get3A, %get3A_0] : memref<1024x256xf32, #tpu.memory_space<vmem>>, vector<1024x256xf32>
    %get3A_2 = arith.constant 0 : index
    %get3A_3 = arith.constant 0 : index
    %get3A_4 = vector.load %arg2[%get3A_2, %get3A_3] : memref<1x256xf32, #tpu.memory_space<vmem>>, vector<1x256xf32>
    %mul3A = vector.broadcast %get3A_4 : vector<1x256xf32> to vector<1024x256xf32>
    %mul3A_5 = arith.mulf %get3A_1, %mul3A : vector<1024x256xf32>
    %get3A_6 = arith.constant 0 : index
    %get3A_7 = arith.constant 0 : index
    %get3A_8 = vector.load %arg3[%get3A_6, %get3A_7] : memref<1x256xf32, #tpu.memory_space<vmem>>, vector<1x256xf32>
    %add3A = vector.broadcast %get3A_8 : vector<1x256xf32> to vector<1024x256xf32>
    %add3A_9 = arith.addf %mul3A_5, %add3A : vector<1024x256xf32>
    %max3A = arith.constant 0.000000e+00 : f32
    %max3A_10 = vector.broadcast %max3A : f32 to vector<1024x256xf32>
    %max3A_11 = arith.maximumf %add3A_9, %max3A_10 : vector<1024x256xf32>
    %reshape3A = vector.shape_cast %max3A_11 : vector<1024x256xf32> to vector<8x128x256xf32>
    %reduce_max3A = arith.constant dense<0xFF800000> : vector<8x256xf32>
    %reduce_max3A_12 = vector.multi_reduction <maximumf>, %reshape3A, %reduce_max3A [1] : vector<8x128x256xf32> to vector<8x256xf32>
    %swap3A = arith.constant 0 : index
    %swap3A_13 = arith.constant 0 : index
    %swap3A_14 = vector.load %arg4[%swap3A, %swap3A_13] : memref<8x256xf32, #tpu.memory_space<vmem>>, vector<8x256xf32>
    tpu.vector_store %arg4[%swap3A, %swap3A_13], %reduce_max3A_12 {strides = array<i32>} : memref<8x256xf32, #tpu.memory_space<vmem>>, vector<8x256xf32>,
    return
  }
  func.func @transform_0(%arg0: i32) -> (i32, i32) {
    %c0_i32 = arith.constant 0 : i32
    %c0_i32_0 = arith.constant 0 : i32
    return %arg0, %c0_i32 : i32, i32
  }
  func.func @transform_1(%arg0: i32) -> (i32, i32) {
    %c0_i32 = arith.constant 0 : i32
    %c0_i32_0 = arith.constant 0 : i32
    %c0_i32_1 = arith.constant 0 : i32
    return %c0_i32, %c0_i32_0 : i32, i32
  }
  func.func @transform_2(%arg0: i32) -> (i32, i32) {
    %c0_i32 = arith.constant 0 : i32
    %c0_i32_0 = arith.constant 0 : i32
    %c0_i32_1 = arith.constant 0 : i32
    return %c0_i32, %c0_i32_0 : i32, i32
  }
  func.func @transform_3(%arg0: i32) -> (i32, i32) {
    %c0_i32 = arith.constant 0 : i32
    %c0_i32_0 = arith.constant 0 : i32
    return %arg0, %c0_i32 : i32, i32
  }
}

module attributes {stable_mosaic.version = 14 : i64} {
  func.func @_sa3_head_body(%arg0: i32, %arg1: memref<1024x643xf32, #tpu.memory_space<vmem>>, %arg2: memref<643x256xf32, #tpu.memory_space<vmem>>, %arg3: memref<1x256xf32, #tpu.memory_space<vmem>>, %arg4: memref<1x256xf32, #tpu.memory_space<vmem>>, %arg5: memref<1x256xf32, #tpu.memory_space<vmem>>, %arg6: memref<256x512xf32, #tpu.memory_space<vmem>>, %arg7: memref<1x512xf32, #tpu.memory_space<vmem>>, %arg8: memref<1x512xf32, #tpu.memory_space<vmem>>, %arg9: memref<1x512xf32, #tpu.memory_space<vmem>>, %arg10: memref<512x1024xf32, #tpu.memory_space<vmem>>, %arg11: memref<1x1024xf32, #tpu.memory_space<vmem>>, %arg12: memref<1x1024xf32, #tpu.memory_space<vmem>>, %arg13: memref<1x1024xf32, #tpu.memory_space<vmem>>, %arg14: memref<1024x512xf32, #tpu.memory_space<vmem>>, %arg15: memref<1x512xf32, #tpu.memory_space<vmem>>, %arg16: memref<1x512xf32, #tpu.memory_space<vmem>>, %arg17: memref<1x512xf32, #tpu.memory_space<vmem>>, %arg18: memref<512x256xf32, #tpu.memory_space<vmem>>, %arg19: memref<1x256xf32, #tpu.memory_space<vmem>>, %arg20: memref<1x256xf32, #tpu.memory_space<vmem>>, %arg21: memref<1x256xf32, #tpu.memory_space<vmem>>, %arg22: memref<256x40xf32, #tpu.memory_space<vmem>>, %arg23: memref<1x40xf32, #tpu.memory_space<vmem>>, %arg24: memref<8x1024xf32, #tpu.memory_space<vmem>>, %arg25: memref<8x40xf32, #tpu.memory_space<vmem>>) attributes {dimension_semantics = [#tpu.dimension_semantics<arbitrary>], iteration_bounds = array<i64: 1>, scalar_prefetch = 0 : i64, scratch_operands = 0 : i64, tpu.core_type = #tpu.core_type<tc>, window_params = [{pipeline_mode = #tpu.pipeline_mode<synchronous>, transform_indices = @transform_0, window_bounds = array<i64: 1024, 643>}, {pipeline_mode = #tpu.pipeline_mode<synchronous>, transform_indices = @transform_1, window_bounds = array<i64: 643, 256>}, {pipeline_mode = #tpu.pipeline_mode<synchronous>, transform_indices = @transform_2, window_bounds = array<i64: 1, 256>}, {pipeline_mode = #tpu.pipeline_mode<synchronous>, transform_indices = @transform_3, window_bounds = array<i64: 1, 256>}, {pipeline_mode = #tpu.pipeline_mode<synchronous>, transform_indices = @transform_4, window_bounds = array<i64: 1, 256>}, {pipeline_mode = #tpu.pipeline_mode<synchronous>, transform_indices = @transform_5, window_bounds = array<i64: 256, 512>}, {pipeline_mode = #tpu.pipeline_mode<synchronous>, transform_indices = @transform_6, window_bounds = array<i64: 1, 512>}, {pipeline_mode = #tpu.pipeline_mode<synchronous>, transform_indices = @transform_7, window_bounds = array<i64: 1, 512>}, {pipeline_mode = #tpu.pipeline_mode<synchronous>, transform_indices = @transform_8, window_bounds = array<i64: 1, 512>}, {pipeline_mode = #tpu.pipeline_mode<synchronous>, transform_indices = @transform_9, window_bounds = array<i64: 512, 1024>}, {pipeline_mode = #tpu.pipeline_mode<synchronous>, transform_indices = @transform_10, window_bounds = array<i64: 1, 1024>}, {pipeline_mode = #tpu.pipeline_mode<synchronous>, transform_indices = @transform_11, window_bounds = array<i64: 1, 1024>}, {pipeline_mode = #tpu.pipeline_mode<synchronous>, transform_indices = @transform_12, window_bounds = array<i64: 1, 1024>}, {pipeline_mode = #tpu.pipeline_mode<synchronous>, transform_indices = @transform_13, window_bounds = array<i64: 1024, 512>}, {pipeline_mode = #tpu.pipeline_mode<synchronous>, transform_indices = @transform_14, window_bounds = array<i64: 1, 512>}, {pipeline_mode = #tpu.pipeline_mode<synchronous>, transform_indices = @transform_15, window_bounds = array<i64: 1, 512>}, {pipeline_mode = #tpu.pipeline_mode<synchronous>, transform_indices = @transform_16, window_bounds = array<i64: 1, 512>}, {pipeline_mode = #tpu.pipeline_mode<synchronous>, transform_indices = @transform_17, window_bounds = array<i64: 512, 256>}, {pipeline_mode = #tpu.pipeline_mode<synchronous>, transform_indices = @transform_18, window_bounds = array<i64: 1, 256>}, {pipeline_mode = #tpu.pipeline_mode<synchronous>, transform_indices = @transform_19, window_bounds = array<i64: 1, 256>}, {pipeline_mode = #tpu.pipeline_mode<synchronous>, transform_indices = @transform_20, window_bounds = array<i64: 1, 256>}, {pipeline_mode = #tpu.pipeline_mode<synchronous>, transform_indices = @transform_21, window_bounds = array<i64: 256, 40>}, {pipeline_mode = #tpu.pipeline_mode<synchronous>, transform_indices = @transform_22, window_bounds = array<i64: 1, 40>}, {pipeline_mode = #tpu.pipeline_mode<synchronous>, transform_indices = @transform_23, window_bounds = array<i64: 8, 1024>}, {pipeline_mode = #tpu.pipeline_mode<synchronous>, transform_indices = @transform_24, window_bounds = array<i64: 8, 40>}]} {
    %get3A = arith.constant 0 : index
    %get3A_0 = arith.constant 0 : index
    %get3A_1 = vector.load %arg1[%get3A, %get3A_0] : memref<1024x643xf32, #tpu.memory_space<vmem>>, vector<1024x643xf32>
    %get3A_2 = arith.constant 0 : index
    %get3A_3 = arith.constant 0 : index
    %get3A_4 = vector.load %arg2[%get3A_2, %get3A_3] : memref<643x256xf32, #tpu.memory_space<vmem>>, vector<643x256xf32>
    %dot_general3A = arith.constant dense<0.000000e+00> : vector<1024x256xf32>
    %dot_general3A_5 = tpu.matmul %get3A_1, %get3A_4, %dot_general3A {dimension_numbers = #tpu.dot_dimension_numbers<[1], [0], [0], [1], [0, 0, 1, 1], [], []>, transpose_lhs_hint = false} : vector<1024x643xf32>, vector<643x256xf32>, vector<1024x256xf32> -> vector<1024x256xf32>
    %get3A_6 = arith.constant 0 : index
    %get3A_7 = arith.constant 0 : index
    %get3A_8 = vector.load %arg3[%get3A_6, %get3A_7] : memref<1x256xf32, #tpu.memory_space<vmem>>, vector<1x256xf32>
    %add3A = vector.broadcast %get3A_8 : vector<1x256xf32> to vector<1024x256xf32>
    %add3A_9 = arith.addf %dot_general3A_5, %add3A : vector<1024x256xf32>
    %reduce_sum3A = arith.constant dense<0.000000e+00> : vector<256xf32>
    %reduce_sum3A_10 = vector.multi_reduction <add>, %add3A_9, %reduce_sum3A [0] : vector<1024x256xf32> to vector<256xf32>
    %broadcast_in_dim3A = vector.shape_cast %reduce_sum3A_10 : vector<256xf32> to vector<1x256xf32>
    %div3A = arith.constant 1.024000e+03 : f32
    %div3A_11 = vector.broadcast %div3A : f32 to vector<1x256xf32>
    %div3A_12 = arith.divf %broadcast_in_dim3A, %div3A_11 : vector<1x256xf32>
    %sub3A = vector.broadcast %div3A_12 : vector<1x256xf32> to vector<1024x256xf32>
    %sub3A_13 = arith.subf %add3A_9, %sub3A : vector<1024x256xf32>
    %integer_pow3A = arith.mulf %sub3A_13, %sub3A_13 : vector<1024x256xf32>
    %reduce_sum3A_14 = arith.constant dense<0.000000e+00> : vector<256xf32>
    %reduce_sum3A_15 = vector.multi_reduction <add>, %integer_pow3A, %reduce_sum3A_14 [0] : vector<1024x256xf32> to vector<256xf32>
    %broadcast_in_dim3A_16 = vector.shape_cast %reduce_sum3A_15 : vector<256xf32> to vector<1x256xf32>
    %div3A_17 = arith.constant 1.024000e+03 : f32
    %div3A_18 = vector.broadcast %div3A_17 : f32 to vector<1x256xf32>
    %div3A_19 = arith.divf %broadcast_in_dim3A_16, %div3A_18 : vector<1x256xf32>
    %sub3A_20 = vector.broadcast %div3A_12 : vector<1x256xf32> to vector<1024x256xf32>
    %sub3A_21 = arith.subf %add3A_9, %sub3A_20 : vector<1024x256xf32>
    %add3A_22 = arith.constant 9.99999974E-6 : f32
    %add3A_23 = vector.broadcast %add3A_22 : f32 to vector<1x256xf32>
    %add3A_24 = arith.addf %div3A_19, %add3A_23 : vector<1x256xf32>
    %sqrt3A = math.sqrt %add3A_24 : vector<1x256xf32>
    %div3A_25 = vector.broadcast %sqrt3A : vector<1x256xf32> to vector<1024x256xf32>
    %div3A_26 = arith.divf %sub3A_21, %div3A_25 : vector<1024x256xf32>
    %get3A_27 = arith.constant 0 : index
    %get3A_28 = arith.constant 0 : index
    %get3A_29 = vector.load %arg4[%get3A_27, %get3A_28] : memref<1x256xf32, #tpu.memory_space<vmem>>, vector<1x256xf32>
    %mul3A = vector.broadcast %get3A_29 : vector<1x256xf32> to vector<1024x256xf32>
    %mul3A_30 = arith.mulf %div3A_26, %mul3A : vector<1024x256xf32>
    %get3A_31 = arith.constant 0 : index
    %get3A_32 = arith.constant 0 : index
    %get3A_33 = vector.load %arg5[%get3A_31, %get3A_32] : memref<1x256xf32, #tpu.memory_space<vmem>>, vector<1x256xf32>
    %add3A_34 = vector.broadcast %get3A_33 : vector<1x256xf32> to vector<1024x256xf32>
    %add3A_35 = arith.addf %mul3A_30, %add3A_34 : vector<1024x256xf32>
    %max3A = arith.constant 0.000000e+00 : f32
    %max3A_36 = vector.broadcast %max3A : f32 to vector<1024x256xf32>
    %max3A_37 = arith.maximumf %add3A_35, %max3A_36 : vector<1024x256xf32>
    %get3A_38 = arith.constant 0 : index
    %get3A_39 = arith.constant 0 : index
    %get3A_40 = vector.load %arg6[%get3A_38, %get3A_39] : memref<256x512xf32, #tpu.memory_space<vmem>>, vector<256x512xf32>
    %dot_general3A_41 = arith.constant dense<0.000000e+00> : vector<1024x512xf32>
    %dot_general3A_42 = tpu.matmul %max3A_37, %get3A_40, %dot_general3A_41 {dimension_numbers = #tpu.dot_dimension_numbers<[1], [0], [0], [1], [0, 0, 1, 1], [], []>, transpose_lhs_hint = false} : vector<1024x256xf32>, vector<256x512xf32>, vector<1024x512xf32> -> vector<1024x512xf32>
    %get3A_43 = arith.constant 0 : index
    %get3A_44 = arith.constant 0 : index
    %get3A_45 = vector.load %arg7[%get3A_43, %get3A_44] : memref<1x512xf32, #tpu.memory_space<vmem>>, vector<1x512xf32>
    %add3A_46 = vector.broadcast %get3A_45 : vector<1x512xf32> to vector<1024x512xf32>
    %add3A_47 = arith.addf %dot_general3A_42, %add3A_46 : vector<1024x512xf32>
    %reduce_sum3A_48 = arith.constant dense<0.000000e+00> : vector<512xf32>
    %reduce_sum3A_49 = vector.multi_reduction <add>, %add3A_47, %reduce_sum3A_48 [0] : vector<1024x512xf32> to vector<512xf32>
    %broadcast_in_dim3A_50 = vector.shape_cast %reduce_sum3A_49 : vector<512xf32> to vector<1x512xf32>
    %div3A_51 = arith.constant 1.024000e+03 : f32
    %div3A_52 = vector.broadcast %div3A_51 : f32 to vector<1x512xf32>
    %div3A_53 = arith.divf %broadcast_in_dim3A_50, %div3A_52 : vector<1x512xf32>
    %sub3A_54 = vector.broadcast %div3A_53 : vector<1x512xf32> to vector<1024x512xf32>
    %sub3A_55 = arith.subf %add3A_47, %sub3A_54 : vector<1024x512xf32>
    %integer_pow3A_56 = arith.mulf %sub3A_55, %sub3A_55 : vector<1024x512xf32>
    %reduce_sum3A_57 = arith.constant dense<0.000000e+00> : vector<512xf32>
    %reduce_sum3A_58 = vector.multi_reduction <add>, %integer_pow3A_56, %reduce_sum3A_57 [0] : vector<1024x512xf32> to vector<512xf32>
    %broadcast_in_dim3A_59 = vector.shape_cast %reduce_sum3A_58 : vector<512xf32> to vector<1x512xf32>
    %div3A_60 = arith.constant 1.024000e+03 : f32
    %div3A_61 = vector.broadcast %div3A_60 : f32 to vector<1x512xf32>
    %div3A_62 = arith.divf %broadcast_in_dim3A_59, %div3A_61 : vector<1x512xf32>
    %sub3A_63 = vector.broadcast %div3A_53 : vector<1x512xf32> to vector<1024x512xf32>
    %sub3A_64 = arith.subf %add3A_47, %sub3A_63 : vector<1024x512xf32>
    %add3A_65 = arith.constant 9.99999974E-6 : f32
    %add3A_66 = vector.broadcast %add3A_65 : f32 to vector<1x512xf32>
    %add3A_67 = arith.addf %div3A_62, %add3A_66 : vector<1x512xf32>
    %sqrt3A_68 = math.sqrt %add3A_67 : vector<1x512xf32>
    %div3A_69 = vector.broadcast %sqrt3A_68 : vector<1x512xf32> to vector<1024x512xf32>
    %div3A_70 = arith.divf %sub3A_64, %div3A_69 : vector<1024x512xf32>
    %get3A_71 = arith.constant 0 : index
    %get3A_72 = arith.constant 0 : index
    %get3A_73 = vector.load %arg8[%get3A_71, %get3A_72] : memref<1x512xf32, #tpu.memory_space<vmem>>, vector<1x512xf32>
    %mul3A_74 = vector.broadcast %get3A_73 : vector<1x512xf32> to vector<1024x512xf32>
    %mul3A_75 = arith.mulf %div3A_70, %mul3A_74 : vector<1024x512xf32>
    %get3A_76 = arith.constant 0 : index
    %get3A_77 = arith.constant 0 : index
    %get3A_78 = vector.load %arg9[%get3A_76, %get3A_77] : memref<1x512xf32, #tpu.memory_space<vmem>>, vector<1x512xf32>
    %add3A_79 = vector.broadcast %get3A_78 : vector<1x512xf32> to vector<1024x512xf32>
    %add3A_80 = arith.addf %mul3A_75, %add3A_79 : vector<1024x512xf32>
    %max3A_81 = arith.constant 0.000000e+00 : f32
    %max3A_82 = vector.broadcast %max3A_81 : f32 to vector<1024x512xf32>
    %max3A_83 = arith.maximumf %add3A_80, %max3A_82 : vector<1024x512xf32>
    %get3A_84 = arith.constant 0 : index
    %get3A_85 = arith.constant 0 : index
    %get3A_86 = vector.load %arg10[%get3A_84, %get3A_85] : memref<512x1024xf32, #tpu.memory_space<vmem>>, vector<512x1024xf32>
    %dot_general3A_87 = arith.constant dense<0.000000e+00> : vector<1024x1024xf32>
    %dot_general3A_88 = tpu.matmul %max3A_83, %get3A_86, %dot_general3A_87 {dimension_numbers = #tpu.dot_dimension_numbers<[1], [0], [0], [1], [0, 0, 1, 1], [], []>, transpose_lhs_hint = false} : vector<1024x512xf32>, vector<512x1024xf32>, vector<1024x1024xf32> -> vector<1024x1024xf32>
    %get3A_89 = arith.constant 0 : index
    %get3A_90 = arith.constant 0 : index
    %get3A_91 = vector.load %arg11[%get3A_89, %get3A_90] : memref<1x1024xf32, #tpu.memory_space<vmem>>, vector<1x1024xf32>
    %add3A_92 = vector.broadcast %get3A_91 : vector<1x1024xf32> to vector<1024x1024xf32>
    %add3A_93 = arith.addf %dot_general3A_88, %add3A_92 : vector<1024x1024xf32>
    %reduce_sum3A_94 = arith.constant dense<0.000000e+00> : vector<1024xf32>
    %reduce_sum3A_95 = vector.multi_reduction <add>, %add3A_93, %reduce_sum3A_94 [0] : vector<1024x1024xf32> to vector<1024xf32>
    %broadcast_in_dim3A_96 = vector.shape_cast %reduce_sum3A_95 : vector<1024xf32> to vector<1x1024xf32>
    %div3A_97 = arith.constant 1.024000e+03 : f32
    %div3A_98 = vector.broadcast %div3A_97 : f32 to vector<1x1024xf32>
    %div3A_99 = arith.divf %broadcast_in_dim3A_96, %div3A_98 : vector<1x1024xf32>
    %sub3A_100 = vector.broadcast %div3A_99 : vector<1x1024xf32> to vector<1024x1024xf32>
    %sub3A_101 = arith.subf %add3A_93, %sub3A_100 : vector<1024x1024xf32>
    %integer_pow3A_102 = arith.mulf %sub3A_101, %sub3A_101 : vector<1024x1024xf32>
    %reduce_sum3A_103 = arith.constant dense<0.000000e+00> : vector<1024xf32>
    %reduce_sum3A_104 = vector.multi_reduction <add>, %integer_pow3A_102, %reduce_sum3A_103 [0] : vector<1024x1024xf32> to vector<1024xf32>
    %broadcast_in_dim3A_105 = vector.shape_cast %reduce_sum3A_104 : vector<1024xf32> to vector<1x1024xf32>
    %div3A_106 = arith.constant 1.024000e+03 : f32
    %div3A_107 = vector.broadcast %div3A_106 : f32 to vector<1x1024xf32>
    %div3A_108 = arith.divf %broadcast_in_dim3A_105, %div3A_107 : vector<1x1024xf32>
    %sub3A_109 = vector.broadcast %div3A_99 : vector<1x1024xf32> to vector<1024x1024xf32>
    %sub3A_110 = arith.subf %add3A_93, %sub3A_109 : vector<1024x1024xf32>
    %add3A_111 = arith.constant 9.99999974E-6 : f32
    %add3A_112 = vector.broadcast %add3A_111 : f32 to vector<1x1024xf32>
    %add3A_113 = arith.addf %div3A_108, %add3A_112 : vector<1x1024xf32>
    %sqrt3A_114 = math.sqrt %add3A_113 : vector<1x1024xf32>
    %div3A_115 = vector.broadcast %sqrt3A_114 : vector<1x1024xf32> to vector<1024x1024xf32>
    %div3A_116 = arith.divf %sub3A_110, %div3A_115 : vector<1024x1024xf32>
    %get3A_117 = arith.constant 0 : index
    %get3A_118 = arith.constant 0 : index
    %get3A_119 = vector.load %arg12[%get3A_117, %get3A_118] : memref<1x1024xf32, #tpu.memory_space<vmem>>, vector<1x1024xf32>
    %mul3A_120 = vector.broadcast %get3A_119 : vector<1x1024xf32> to vector<1024x1024xf32>
    %mul3A_121 = arith.mulf %div3A_116, %mul3A_120 : vector<1024x1024xf32>
    %get3A_122 = arith.constant 0 : index
    %get3A_123 = arith.constant 0 : index
    %get3A_124 = vector.load %arg13[%get3A_122, %get3A_123] : memref<1x1024xf32, #tpu.memory_space<vmem>>, vector<1x1024xf32>
    %add3A_125 = vector.broadcast %get3A_124 : vector<1x1024xf32> to vector<1024x1024xf32>
    %add3A_126 = arith.addf %mul3A_121, %add3A_125 : vector<1024x1024xf32>
    %max3A_127 = arith.constant 0.000000e+00 : f32
    %max3A_128 = vector.broadcast %max3A_127 : f32 to vector<1024x1024xf32>
    %max3A_129 = arith.maximumf %add3A_126, %max3A_128 : vector<1024x1024xf32>
    %reshape3A = vector.shape_cast %max3A_129 : vector<1024x1024xf32> to vector<8x128x1024xf32>
    %reduce_max3A = arith.constant dense<0xFF800000> : vector<8x1024xf32>
    %reduce_max3A_130 = vector.multi_reduction <maximumf>, %reshape3A, %reduce_max3A [1] : vector<8x128x1024xf32> to vector<8x1024xf32>
    %swap3A = arith.constant 0 : index
    %swap3A_131 = arith.constant 0 : index
    %swap3A_132 = vector.load %arg24[%swap3A, %swap3A_131] : memref<8x1024xf32, #tpu.memory_space<vmem>>, vector<8x1024xf32>
    tpu.vector_store %arg24[%swap3A, %swap3A_131], %reduce_max3A_130 {strides = array<i32>} : memref<8x1024xf32, #tpu.memory_space<vmem>>, vector<8x1024xf32>,
    %get3A_133 = arith.constant 0 : index
    %get3A_134 = arith.constant 0 : index
    %get3A_135 = vector.load %arg14[%get3A_133, %get3A_134] : memref<1024x512xf32, #tpu.memory_space<vmem>>, vector<1024x512xf32>
    %dot_general3A_136 = arith.constant dense<0.000000e+00> : vector<8x512xf32>
    %dot_general3A_137 = tpu.matmul %reduce_max3A_130, %get3A_135, %dot_general3A_136 {dimension_numbers = #tpu.dot_dimension_numbers<[1], [0], [0], [1], [0, 0, 1, 1], [], []>, transpose_lhs_hint = false} : vector<8x1024xf32>, vector<1024x512xf32>, vector<8x512xf32> -> vector<8x512xf32>
    %get3A_138 = arith.constant 0 : index
    %get3A_139 = arith.constant 0 : index
    %get3A_140 = vector.load %arg15[%get3A_138, %get3A_139] : memref<1x512xf32, #tpu.memory_space<vmem>>, vector<1x512xf32>
    %add3A_141 = vector.broadcast %get3A_140 : vector<1x512xf32> to vector<8x512xf32>
    %add3A_142 = arith.addf %dot_general3A_137, %add3A_141 : vector<8x512xf32>
    %reduce_sum3A_143 = arith.constant dense<0.000000e+00> : vector<512xf32>
    %reduce_sum3A_144 = vector.multi_reduction <add>, %add3A_142, %reduce_sum3A_143 [0] : vector<8x512xf32> to vector<512xf32>
    %broadcast_in_dim3A_145 = vector.shape_cast %reduce_sum3A_144 : vector<512xf32> to vector<1x512xf32>
    %div3A_146 = arith.constant 8.000000e+00 : f32
    %div3A_147 = vector.broadcast %div3A_146 : f32 to vector<1x512xf32>
    %div3A_148 = arith.divf %broadcast_in_dim3A_145, %div3A_147 : vector<1x512xf32>
    %sub3A_149 = vector.broadcast %div3A_148 : vector<1x512xf32> to vector<8x512xf32>
    %sub3A_150 = arith.subf %add3A_142, %sub3A_149 : vector<8x512xf32>
    %integer_pow3A_151 = arith.mulf %sub3A_150, %sub3A_150 : vector<8x512xf32>
    %reduce_sum3A_152 = arith.constant dense<0.000000e+00> : vector<512xf32>
    %reduce_sum3A_153 = vector.multi_reduction <add>, %integer_pow3A_151, %reduce_sum3A_152 [0] : vector<8x512xf32> to vector<512xf32>
    %broadcast_in_dim3A_154 = vector.shape_cast %reduce_sum3A_153 : vector<512xf32> to vector<1x512xf32>
    %div3A_155 = arith.constant 8.000000e+00 : f32
    %div3A_156 = vector.broadcast %div3A_155 : f32 to vector<1x512xf32>
    %div3A_157 = arith.divf %broadcast_in_dim3A_154, %div3A_156 : vector<1x512xf32>
    %sub3A_158 = vector.broadcast %div3A_148 : vector<1x512xf32> to vector<8x512xf32>
    %sub3A_159 = arith.subf %add3A_142, %sub3A_158 : vector<8x512xf32>
    %add3A_160 = arith.constant 9.99999974E-6 : f32
    %add3A_161 = vector.broadcast %add3A_160 : f32 to vector<1x512xf32>
    %add3A_162 = arith.addf %div3A_157, %add3A_161 : vector<1x512xf32>
    %sqrt3A_163 = math.sqrt %add3A_162 : vector<1x512xf32>
    %div3A_164 = vector.broadcast %sqrt3A_163 : vector<1x512xf32> to vector<8x512xf32>
    %div3A_165 = arith.divf %sub3A_159, %div3A_164 : vector<8x512xf32>
    %get3A_166 = arith.constant 0 : index
    %get3A_167 = arith.constant 0 : index
    %get3A_168 = vector.load %arg16[%get3A_166, %get3A_167] : memref<1x512xf32, #tpu.memory_space<vmem>>, vector<1x512xf32>
    %mul3A_169 = vector.broadcast %get3A_168 : vector<1x512xf32> to vector<8x512xf32>
    %mul3A_170 = arith.mulf %div3A_165, %mul3A_169 : vector<8x512xf32>
    %get3A_171 = arith.constant 0 : index
    %get3A_172 = arith.constant 0 : index
    %get3A_173 = vector.load %arg17[%get3A_171, %get3A_172] : memref<1x512xf32, #tpu.memory_space<vmem>>, vector<1x512xf32>
    %add3A_174 = vector.broadcast %get3A_173 : vector<1x512xf32> to vector<8x512xf32>
    %add3A_175 = arith.addf %mul3A_170, %add3A_174 : vector<8x512xf32>
    %max3A_176 = arith.constant 0.000000e+00 : f32
    %max3A_177 = vector.broadcast %max3A_176 : f32 to vector<8x512xf32>
    %max3A_178 = arith.maximumf %add3A_175, %max3A_177 : vector<8x512xf32>
    %get3A_179 = arith.constant 0 : index
    %get3A_180 = arith.constant 0 : index
    %get3A_181 = vector.load %arg18[%get3A_179, %get3A_180] : memref<512x256xf32, #tpu.memory_space<vmem>>, vector<512x256xf32>
    %dot_general3A_182 = arith.constant dense<0.000000e+00> : vector<8x256xf32>
    %dot_general3A_183 = tpu.matmul %max3A_178, %get3A_181, %dot_general3A_182 {dimension_numbers = #tpu.dot_dimension_numbers<[1], [0], [0], [1], [0, 0, 1, 1], [], []>, transpose_lhs_hint = false} : vector<8x512xf32>, vector<512x256xf32>, vector<8x256xf32> -> vector<8x256xf32>
    %get3A_184 = arith.constant 0 : index
    %get3A_185 = arith.constant 0 : index
    %get3A_186 = vector.load %arg19[%get3A_184, %get3A_185] : memref<1x256xf32, #tpu.memory_space<vmem>>, vector<1x256xf32>
    %add3A_187 = vector.broadcast %get3A_186 : vector<1x256xf32> to vector<8x256xf32>
    %add3A_188 = arith.addf %dot_general3A_183, %add3A_187 : vector<8x256xf32>
    %reduce_sum3A_189 = arith.constant dense<0.000000e+00> : vector<256xf32>
    %reduce_sum3A_190 = vector.multi_reduction <add>, %add3A_188, %reduce_sum3A_189 [0] : vector<8x256xf32> to vector<256xf32>
    %broadcast_in_dim3A_191 = vector.shape_cast %reduce_sum3A_190 : vector<256xf32> to vector<1x256xf32>
    %div3A_192 = arith.constant 8.000000e+00 : f32
    %div3A_193 = vector.broadcast %div3A_192 : f32 to vector<1x256xf32>
    %div3A_194 = arith.divf %broadcast_in_dim3A_191, %div3A_193 : vector<1x256xf32>
    %sub3A_195 = vector.broadcast %div3A_194 : vector<1x256xf32> to vector<8x256xf32>
    %sub3A_196 = arith.subf %add3A_188, %sub3A_195 : vector<8x256xf32>
    %integer_pow3A_197 = arith.mulf %sub3A_196, %sub3A_196 : vector<8x256xf32>
    %reduce_sum3A_198 = arith.constant dense<0.000000e+00> : vector<256xf32>
    %reduce_sum3A_199 = vector.multi_reduction <add>, %integer_pow3A_197, %reduce_sum3A_198 [0] : vector<8x256xf32> to vector<256xf32>
    %broadcast_in_dim3A_200 = vector.shape_cast %reduce_sum3A_199 : vector<256xf32> to vector<1x256xf32>
    %div3A_201 = arith.constant 8.000000e+00 : f32
    %div3A_202 = vector.broadcast %div3A_201 : f32 to vector<1x256xf32>
    %div3A_203 = arith.divf %broadcast_in_dim3A_200, %div3A_202 : vector<1x256xf32>
    %sub3A_204 = vector.broadcast %div3A_194 : vector<1x256xf32> to vector<8x256xf32>
    %sub3A_205 = arith.subf %add3A_188, %sub3A_204 : vector<8x256xf32>
    %add3A_206 = arith.constant 9.99999974E-6 : f32
    %add3A_207 = vector.broadcast %add3A_206 : f32 to vector<1x256xf32>
    %add3A_208 = arith.addf %div3A_203, %add3A_207 : vector<1x256xf32>
    %sqrt3A_209 = math.sqrt %add3A_208 : vector<1x256xf32>
    %div3A_210 = vector.broadcast %sqrt3A_209 : vector<1x256xf32> to vector<8x256xf32>
    %div3A_211 = arith.divf %sub3A_205, %div3A_210 : vector<8x256xf32>
    %get3A_212 = arith.constant 0 : index
    %get3A_213 = arith.constant 0 : index
    %get3A_214 = vector.load %arg20[%get3A_212, %get3A_213] : memref<1x256xf32, #tpu.memory_space<vmem>>, vector<1x256xf32>
    %mul3A_215 = vector.broadcast %get3A_214 : vector<1x256xf32> to vector<8x256xf32>
    %mul3A_216 = arith.mulf %div3A_211, %mul3A_215 : vector<8x256xf32>
    %get3A_217 = arith.constant 0 : index
    %get3A_218 = arith.constant 0 : index
    %get3A_219 = vector.load %arg21[%get3A_217, %get3A_218] : memref<1x256xf32, #tpu.memory_space<vmem>>, vector<1x256xf32>
    %add3A_220 = vector.broadcast %get3A_219 : vector<1x256xf32> to vector<8x256xf32>
    %add3A_221 = arith.addf %mul3A_216, %add3A_220 : vector<8x256xf32>
    %max3A_222 = arith.constant 0.000000e+00 : f32
    %max3A_223 = vector.broadcast %max3A_222 : f32 to vector<8x256xf32>
    %max3A_224 = arith.maximumf %add3A_221, %max3A_223 : vector<8x256xf32>
    %get3A_225 = arith.constant 0 : index
    %get3A_226 = arith.constant 0 : index
    %get3A_227 = vector.load %arg22[%get3A_225, %get3A_226] : memref<256x40xf32, #tpu.memory_space<vmem>>, vector<256x40xf32>
    %dot_general3A_228 = arith.constant dense<0.000000e+00> : vector<8x40xf32>
    %dot_general3A_229 = tpu.matmul %max3A_224, %get3A_227, %dot_general3A_228 {dimension_numbers = #tpu.dot_dimension_numbers<[1], [0], [0], [1], [0, 0, 1, 1], [], []>, transpose_lhs_hint = false} : vector<8x256xf32>, vector<256x40xf32>, vector<8x40xf32> -> vector<8x40xf32>
    %get3A_230 = arith.constant 0 : index
    %get3A_231 = arith.constant 0 : index
    %get3A_232 = vector.load %arg23[%get3A_230, %get3A_231] : memref<1x40xf32, #tpu.memory_space<vmem>>, vector<1x40xf32>
    %add3A_233 = vector.broadcast %get3A_232 : vector<1x40xf32> to vector<8x40xf32>
    %add3A_234 = arith.addf %dot_general3A_229, %add3A_233 : vector<8x40xf32>
    %reduce_max3A_235 = arith.constant dense<0xFF800000> : vector<8xf32>
    %reduce_max3A_236 = vector.multi_reduction <maximumf>, %add3A_234, %reduce_max3A_235 [1] : vector<8x40xf32> to vector<8xf32>
    %broadcast_in_dim3A_237 = vector.shape_cast %reduce_max3A_236 : vector<8xf32> to vector<8x1xf32>
    %sub3A_238 = vector.broadcast %broadcast_in_dim3A_237 : vector<8x1xf32> to vector<8x40xf32>
    %sub3A_239 = arith.subf %add3A_234, %sub3A_238 : vector<8x40xf32>
    %exp3A = math.exp %sub3A_239 : vector<8x40xf32>
    %reduce_sum3A_240 = arith.constant dense<0.000000e+00> : vector<8xf32>
    %reduce_sum3A_241 = vector.multi_reduction <add>, %exp3A, %reduce_sum3A_240 [1] : vector<8x40xf32> to vector<8xf32>
    %broadcast_in_dim3A_242 = vector.shape_cast %reduce_sum3A_241 : vector<8xf32> to vector<8x1xf32>
    %log3A = math.log %broadcast_in_dim3A_242 : vector<8x1xf32>
    %sub3A_243 = vector.broadcast %log3A : vector<8x1xf32> to vector<8x40xf32>
    %sub3A_244 = arith.subf %sub3A_239, %sub3A_243 : vector<8x40xf32>
    %swap3A_245 = arith.constant 0 : index
    %swap3A_246 = arith.constant 0 : index
    %swap3A_247 = vector.load %arg25[%swap3A_245, %swap3A_246] : memref<8x40xf32, #tpu.memory_space<vmem>>, vector<8x40xf32>
    tpu.vector_store %arg25[%swap3A_245, %swap3A_246], %sub3A_244 {strides = array<i32>} : memref<8x40xf32, #tpu.memory_space<vmem>>, vector<8x40xf32>,
    return
  }
  func.func @transform_0(%arg0: i32) -> (i32, i32) {
    %c0_i32 = arith.constant 0 : i32
    %c0_i32_0 = arith.constant 0 : i32
    %c0_i32_1 = arith.constant 0 : i32
    return %c0_i32, %c0_i32_0 : i32, i32
  }
  func.func @transform_1(%arg0: i32) -> (i32, i32) {
    %c0_i32 = arith.constant 0 : i32
    %c0_i32_0 = arith.constant 0 : i32
    %c0_i32_1 = arith.constant 0 : i32
    return %c0_i32, %c0_i32_0 : i32, i32
  }
  func.func @transform_2(%arg0: i32) -> (i32, i32) {
    %c0_i32 = arith.constant 0 : i32
    %c0_i32_0 = arith.constant 0 : i32
    %c0_i32_1 = arith.constant 0 : i32
    return %c0_i32, %c0_i32_0 : i32, i32
  }
  func.func @transform_3(%arg0: i32) -> (i32, i32) {
    %c0_i32 = arith.constant 0 : i32
    %c0_i32_0 = arith.constant 0 : i32
    %c0_i32_1 = arith.constant 0 : i32
    return %c0_i32, %c0_i32_0 : i32, i32
  }
  func.func @transform_4(%arg0: i32) -> (i32, i32) {
    %c0_i32 = arith.constant 0 : i32
    %c0_i32_0 = arith.constant 0 : i32
    %c0_i32_1 = arith.constant 0 : i32
    return %c0_i32, %c0_i32_0 : i32, i32
  }
  func.func @transform_5(%arg0: i32) -> (i32, i32) {
    %c0_i32 = arith.constant 0 : i32
    %c0_i32_0 = arith.constant 0 : i32
    %c0_i32_1 = arith.constant 0 : i32
    return %c0_i32, %c0_i32_0 : i32, i32
  }
  func.func @transform_6(%arg0: i32) -> (i32, i32) {
    %c0_i32 = arith.constant 0 : i32
    %c0_i32_0 = arith.constant 0 : i32
    %c0_i32_1 = arith.constant 0 : i32
    return %c0_i32, %c0_i32_0 : i32, i32
  }
  func.func @transform_7(%arg0: i32) -> (i32, i32) {
    %c0_i32 = arith.constant 0 : i32
    %c0_i32_0 = arith.constant 0 : i32
    %c0_i32_1 = arith.constant 0 : i32
    return %c0_i32, %c0_i32_0 : i32, i32
  }
  func.func @transform_8(%arg0: i32) -> (i32, i32) {
    %c0_i32 = arith.constant 0 : i32
    %c0_i32_0 = arith.constant 0 : i32
    %c0_i32_1 = arith.constant 0 : i32
    return %c0_i32, %c0_i32_0 : i32, i32
  }
  func.func @transform_9(%arg0: i32) -> (i32, i32) {
    %c0_i32 = arith.constant 0 : i32
    %c0_i32_0 = arith.constant 0 : i32
    %c0_i32_1 = arith.constant 0 : i32
    return %c0_i32, %c0_i32_0 : i32, i32
  }
  func.func @transform_10(%arg0: i32) -> (i32, i32) {
    %c0_i32 = arith.constant 0 : i32
    %c0_i32_0 = arith.constant 0 : i32
    %c0_i32_1 = arith.constant 0 : i32
    return %c0_i32, %c0_i32_0 : i32, i32
  }
  func.func @transform_11(%arg0: i32) -> (i32, i32) {
    %c0_i32 = arith.constant 0 : i32
    %c0_i32_0 = arith.constant 0 : i32
    %c0_i32_1 = arith.constant 0 : i32
    return %c0_i32, %c0_i32_0 : i32, i32
  }
  func.func @transform_12(%arg0: i32) -> (i32, i32) {
    %c0_i32 = arith.constant 0 : i32
    %c0_i32_0 = arith.constant 0 : i32
    %c0_i32_1 = arith.constant 0 : i32
    return %c0_i32, %c0_i32_0 : i32, i32
  }
  func.func @transform_13(%arg0: i32) -> (i32, i32) {
    %c0_i32 = arith.constant 0 : i32
    %c0_i32_0 = arith.constant 0 : i32
    %c0_i32_1 = arith.constant 0 : i32
    return %c0_i32, %c0_i32_0 : i32, i32
  }
  func.func @transform_14(%arg0: i32) -> (i32, i32) {
    %c0_i32 = arith.constant 0 : i32
    %c0_i32_0 = arith.constant 0 : i32
    %c0_i32_1 = arith.constant 0 : i32
    return %c0_i32, %c0_i32_0 : i32, i32
  }
  func.func @transform_15(%arg0: i32) -> (i32, i32) {
    %c0_i32 = arith.constant 0 : i32
    %c0_i32_0 = arith.constant 0 : i32
    %c0_i32_1 = arith.constant 0 : i32
    return %c0_i32, %c0_i32_0 : i32, i32
  }
  func.func @transform_16(%arg0: i32) -> (i32, i32) {
    %c0_i32 = arith.constant 0 : i32
    %c0_i32_0 = arith.constant 0 : i32
    %c0_i32_1 = arith.constant 0 : i32
    return %c0_i32, %c0_i32_0 : i32, i32
  }
  func.func @transform_17(%arg0: i32) -> (i32, i32) {
    %c0_i32 = arith.constant 0 : i32
    %c0_i32_0 = arith.constant 0 : i32
    %c0_i32_1 = arith.constant 0 : i32
    return %c0_i32, %c0_i32_0 : i32, i32
  }
  func.func @transform_18(%arg0: i32) -> (i32, i32) {
    %c0_i32 = arith.constant 0 : i32
    %c0_i32_0 = arith.constant 0 : i32
    %c0_i32_1 = arith.constant 0 : i32
    return %c0_i32, %c0_i32_0 : i32, i32
  }
  func.func @transform_19(%arg0: i32) -> (i32, i32) {
    %c0_i32 = arith.constant 0 : i32
    %c0_i32_0 = arith.constant 0 : i32
    %c0_i32_1 = arith.constant 0 : i32
    return %c0_i32, %c0_i32_0 : i32, i32
  }
  func.func @transform_20(%arg0: i32) -> (i32, i32) {
    %c0_i32 = arith.constant 0 : i32
    %c0_i32_0 = arith.constant 0 : i32
    %c0_i32_1 = arith.constant 0 : i32
    return %c0_i32, %c0_i32_0 : i32, i32
  }
  func.func @transform_21(%arg0: i32) -> (i32, i32) {
    %c0_i32 = arith.constant 0 : i32
    %c0_i32_0 = arith.constant 0 : i32
    %c0_i32_1 = arith.constant 0 : i32
    return %c0_i32, %c0_i32_0 : i32, i32
  }
  func.func @transform_22(%arg0: i32) -> (i32, i32) {
    %c0_i32 = arith.constant 0 : i32
    %c0_i32_0 = arith.constant 0 : i32
    %c0_i32_1 = arith.constant 0 : i32
    return %c0_i32, %c0_i32_0 : i32, i32
  }
  func.func @transform_23(%arg0: i32) -> (i32, i32) {
    %c0_i32 = arith.constant 0 : i32
    %c0_i32_0 = arith.constant 0 : i32
    %c0_i32_1 = arith.constant 0 : i32
    return %c0_i32, %c0_i32_0 : i32, i32
  }
  func.func @transform_24(%arg0: i32) -> (i32, i32) {
    %c0_i32 = arith.constant 0 : i32
    %c0_i32_0 = arith.constant 0 : i32
    %c0_i32_1 = arith.constant 0 : i32
    return %c0_i32, %c0_i32_0 : i32, i32
  }
}

</mosaic_0001>

<sc_bundles>
// kernel: gather_offload_async_start
scs
__scs_entry_jumppad:
0x0: {  	(pc) =	sbr.rel $0x88, $3  }
0x1: {  	(tag) =	ssettag $0x0;
	lr =	simm.s32 $0x1  }
0x2: {  	[smem:$0x3F41] =	sst lr;
	_ =	strace $0xD0000000  }
0x3: {  	_ = 	snop  }
0x4: {  	_ = 	snop  }
0x5: {  	_ = 	snop  }
0x6: {  	_ = 	snop  }
0x7: {  	_ = 	snop  }
__scs_overlays_trampoline_lowered:
0x8: {  	[smem:$0x3F50] =	sst s0  }
0x9: {  	[smem:$0x3F51] =	sst s1  }
0xa: {  	[smem:$0x3F52] =	sst s2  }
0xb: {  	[smem:$0x3F53] =	sst s3  }
0xc: {  	[smem:$0x3F54] =	sst s4  }
0xd: {  	[smem:$0x3F55] =	sst s5  }
0xe: {  	[smem:$0x3F56] =	sst s6  }
0xf: {  	[smem:$0x3F57] =	sst s7  }
0x10: {  	[smem:$0x3F58] =	sst s8  }
0x11: {  	[smem:$0x3F59] =	sst s9;
	s0 =	simm.s32 @!p0 $0x0  }
0x12: {  	s1 =	sld [smem:$0x3F3F];
	s0 =	simm.s32 @p0 $0x1  }
0x13: {  	[smem:$0x3F5A] =	sst s0;
	s0 =	simm.s32 @!p1 $0x0  }
0x14: {  	s2 =	sld [smem:$0x3F3E];
	s0 =	simm.s32 @p1 $0x1  }
0x15: {  	[smem:$0x3F5B] =	sst s0;
	s0 =	simm.s32 @!p2 $0x0  }
0x16: {  	s3 =	sld [smem:$0x3FDB];
	s0 =	simm.s32 @p2 $0x1  }
0x17: {  	s4 =	simm.s32 $0x1BF5;
	[smem:$0x3F5D] =	sst s0  }
0x18: {  	s0 =	sld [smem:$0x3F40];
	_ =	swait.ge [sflag:s4], $0x0  }
0x19: {  	s7 =	sld [smem:$0x3F41]  }
0x1a: {  	s8 =	sadd.s32 $0xFFFFE003, lr  }
0x1b: {  	s9 =	sadd.s32 $0xFFFFFEF7, lr;
	s5 =	simm.s32 $0xFFFFFFFF;
	p2 =	slt.u32 s8, $0xFFFFF086  }
0x1c: {  	p1 =	slt.u32 s9, $0xF7A;
	s5 =	simm.s32 @!p2 $0x0  }
0x1d: {  	s5 =	simm.s32 @p1 $0x1;
	p0 =	seq.s32 s7, s2  }
0x1e: {  	s7 =	smul.u32 @!p0 $0xF7A, s2;
	p2 =	seq.s32 @!p0 s5, $0x0  }
0x1f: {  	s9 =	smul.u32 $0xF7A, s1;
	s8 =	simm.s32 @!p0 $0x1BF5;
	p2 =	por !p2, p0  }
0x20: {  	[sflag:s8] =	ssyncset.s32 @!p0 $0xFFFFF086;
	s6 =	sadd.s32 @!p0 s3, s7;
	s7 =	simm.s32 @!p0 $0x108  }
0x21: {  	s3 =	sadd.s32 s3, s9;
	s6 =	sadd.s32 @!p0 $0x88, s6;
	s7 =	simm.s32 @p2 $0x1082  }
0x22: {  	[simem:s7], [sflag:s8] =	dma.local @!p0 [hbm:s6], $0xF7A  }
0x23: {  	s9 =	sor.u32 $0xD0000000, s2;
	s6 =	simm.s32 $0x108;
	_ =	swait.ge @!p0 [sflag:s8], $0x0  }
0x24: {  	s3 =	sadd.s32 $0x88, s3;
	s6 =	simm.s32 @!p1 $0x1082;
	[sflag:s4] =	ssyncset.s32 $0xFFFFF086  }
0x25: {  	[simem:s6], [sflag:s4] =	dma.local [hbm:s3], $0xF7A  }
0x26: {  	[smem:$0x3F41] =	sst s1;
	(tag) =	ssettag s2;
	_ =	strace s9  }
0x27: {  	s1 =	sld [smem:$0x3F51]  }
0x28: {  	s2 =	sld [smem:$0x3F52]  }
0x29: {  	s4 =	sld [smem:$0x3F54]  }
0x2a: {  	p0 =	seq.s32 s5, $0x0;
	s5 =	sld [smem:$0x3F55]  }
0x2b: {  	s6 =	sld [smem:$0x3F56]  }
0x2c: {  	s7 =	sld [smem:$0x3F57]  }
0x2d: {  	s3 =	simm.s32 $0x108;
	s8 =	sld [smem:$0x3F58]  }
0x2e: {  	s3 =	simm.s32 @!p0 $0x1082;
	s9 =	sld [smem:$0x3F59]  }
0x2f: {  	lr =	sadd.s32 s0, s3;
	s0 =	sld [smem:$0x3F50]  }
0x30: {  	s3 =	sld [smem:$0x3F53]  }
0x31: {  	[smem:$0x3F5C] =	sst s10  }
0x32: {  	s10 =	sld [smem:$0x3F5A];
	_ =	sdelay $0x3  }
0x33: {  	p0 =	seq.s32 s10, $0x1;
	s10 =	sld [smem:$0x3F5C];
	_ =	sdelay $0x3  }
0x34: {  	[smem:$0x3F5C] =	sst s10  }
0x35: {  	s10 =	sld [smem:$0x3F5B];
	_ =	sdelay $0x3  }
0x36: {  	p1 =	seq.s32 s10, $0x1;
	s10 =	sld [smem:$0x3F5C];
	_ =	sdelay $0x3  }
0x37: {  	[smem:$0x3F5C] =	sst s10  }
0x38: {  	s10 =	sld [smem:$0x3F5D]  }
0x39: {  	_ = 	snop;
	(pc) =	sbr.ind lr, $3  }
0x3a: {  	_ = 	snop  }
0x3b: {  	_ = 	snop  }
0x3c: {  	p2 =	seq.s32 s10, $0x1;
	s10 =	sld [smem:$0x3F5C]  }
0x3d: {  	_ =	shalt  }
0x3e: {  	_ =	shalt  }
0x3f: {  	_ =	shalt  }
0x40: {  	_ =	shalt  }
0x41: {  	_ =	shalt  }
0x42: {  	_ =	shalt  }
0x43: {  	_ =	shalt  }
0x44: {  	_ =	shalt  }
0x45: {  	_ =	shalt  }
0x46: {  	_ =	shalt  }
0x47: {  	_ =	shalt  }
0x48: {  	_ =	shalt  }
0x49: {  	_ =	shalt  }
0x4a: {  	_ =	shalt  }
0x4b: {  	_ =	shalt  }
0x4c: {  	_ =	shalt  }
0x4d: {  	_ =	shalt  }
0x4e: {  	_ =	shalt  }
0x4f: {  	_ =	shalt  }
0x50: {  	_ =	shalt  }
0x51: {  	_ =	shalt  }
0x52: {  	_ =	shalt  }
0x53: {  	_ =	shalt  }
0x54: {  	_ =	shalt  }
0x55: {  	_ =	shalt  }
0x56: {  	_ =	shalt  }
0x57: {  	_ =	shalt  }
0x58: {  	_ =	shalt  }
0x59: {  	_ =	shalt  }
0x5a: {  	_ =	shalt  }
0x5b: {  	_ =	shalt  }
0x5c: {  	_ =	shalt  }
0x5d: {  	_ =	shalt  }
0x5e: {  	_ =	shalt  }
0x5f: {  	_ =	shalt  }
0x60: {  	_ =	shalt  }
0x61: {  	_ =	shalt  }
0x62: {  	_ =	shalt  }
0x63: {  	_ =	shalt  }
0x64: {  	_ =	shalt  }
0x65: {  	_ =	shalt  }
0x66: {  	_ =	shalt  }
0x67: {  	_ =	shalt  }
0x68: {  	_ =	shalt  }
0x69: {  	_ =	shalt  }
0x6a: {  	_ =	shalt  }
0x6b: {  	_ =	shalt  }
0x6c: {  	_ =	shalt  }
0x6d: {  	_ =	shalt  }
0x6e: {  	_ =	shalt  }
0x6f: {  	_ =	shalt  }
0x70: {  	_ =	shalt  }
0x71: {  	_ =	shalt  }
0x72: {  	_ =	shalt  }
0x73: {  	_ =	shalt  }
0x74: {  	_ =	shalt  }
0x75: {  	_ =	shalt  }
0x76: {  	_ =	shalt  }
0x77: {  	_ =	shalt  }
0x78: {  	_ =	shalt  }
0x79: {  	_ =	shalt  }
0x7a: {  	_ =	shalt  }
0x7b: {  	_ =	shalt  }
0x7c: {  	_ =	shalt  }
0x7d: {  	_ =	shalt  }
0x7e: {  	_ =	shalt  }
0x7f: {  	_ =	shalt  }
0x80: {  	_ =	shalt  }
0x81: {  	_ =	shalt  }
0x82: {  	_ =	shalt  }
0x83: {  	_ =	shalt  }
0x84: {  	_ =	shalt  }
0x85: {  	_ =	shalt  }
0x86: {  	_ =	shalt  }
0x87: {  	_ =	shalt  }
.Lfunc_end0:
.L_simem_size_0:
called_computation_lowered:
.L_overlay_start_0:
0x88: {  	s2 =	sld [smem:$0x3FD9]  }
0x89: {  	s3 =	sld [smem:$0x3FFE];
	_ =	sdelay $0x1  }
0x8a: {  	s1 =	srdreg.scid  }
0x8b: {  	s0 =	sand.u32 $0x1, s1  }
0x8c: {  	s14 =	sshll.u32 s0, $0xA;
	s2 =	sadd.s32 s3, s2  }
0x8d: {  	s2 =	sadd.s32 s2, s14  }
0x8e: {  	[smem:$0x3F68] =	sst s2  }
0x8f: {  	_ = 	snop  }
0x90: {  	s2 =	sld [smem:$0x3FD0];
	_ =	sdelay $0x2  }
0x91: {  	s15 =	simm.s32 $0xA;
	s4 =	simm.s32 $0x10  }
0x92: {  	[smem:s4], [sflag:s15] =	dma.local [hbm:s2], $0x1  }
0x93: {  	_ =	swait.eq [sflag:s15], $0x1  }
0x94: {  	[sflag:s15] =	ssyncset.done $0x0  }
0x95: {  	[sflag:s15] =	ssyncadd.s32 $0xFFFFFFFF  }
0x96: {  	s16 =	sld [smem:$0x11];
	(tm) =	ssettm $0x1  }
0x97: {  	s17 =	sld [smem:$0x3FFB];
	_ =	sdelay $0x3  }
0x98: {  	_ =	strace s17  }
0x99: {  	s3 =	sld [smem:$0x3FFC];
	_ =	sdelay $0x3  }
0x9a: {  	_ =	strace s3  }
0x9b: {  	s3 =	sld [smem:$0x3FFD];
	_ =	sdelay $0x3  }
0x9c: {  	_ =	strace s3  }
0x9d: {  	_ =	strace $0x8FFFFFFF  }
0x9e: {  	s18 =	sld [smem:$0x3FDB];
	_ =	sdelay $0x1  }
0x9f: {  	s19 =	simm.s32 $_scs_section_size  }
0xa0: {  	s5 =	simm.s32 $_size__tile_overlayer_lowered;
	s6 =	simm.s32 $_tile_overlayer_lowered  }
0xa1: {  	s22 =	simm.s32 $0x1BFF;
	s21 =	sshll.u32 s6, $0x1;
	s3 =	sadd.s32 s19, s18  }
0xa2: {  	s7 =	simm.s32 $0x0;
	s20 =	sshll.u32 s5, $0x1;
	s5 =	sadd.s32 s21, s3  }
0xa3: {  	[timem:s7], [sflag:s22] =	dma.local [hbm:s5], s20  }
0xa4: {  	_ =	swait.ge [sflag:s22], s20  }
0xa5: {  	s4 =	ssub.s32 $0x0, s20;
	[sflag:s22] =	ssyncset.done $0x0  }
0xa6: {  	[sflag:s22] =	ssyncadd.s32 s4;
	_ =	sdelay $0x1  }
0xa7: {  	s23 =	simm.s32 $0x1B8B  }
0xa8: {  	_ =	swait.ge [sflag:s23], $0x1  }
0xa9: {  	[sflag:s23] =	ssyncset.done $0x0  }
0xaa: {  	s25 =	simm.s32 $0x1B8E;
	s24 =	sld [smem:$0x3FFE];
	[sflag:s23] =	ssyncadd.s32 $0xFFFFFFFF  }
0xab: {  	s26 =	simm.s32 $execute0_lowered;
	[smem:$0x3FD2] =	sst s25  }
0xac: {  	s5 =	sshll.u32 s26, $0x1;
	_ =	strace $0x80000046;
	[dreg:$0x1] =	wrdreg $0xFFFFFFFF  }
0xad: {  	s28 =	simm.s32 $_size_execute0_lowered;
	s3 =	sadd.s32 s3, s5;
	[dreg:$0x0] =	wrdreg $0x0  }
0xae: {  	s5 =	sshll.u32 s28, $0x1;
	[dreg:$0x2] =	wrdreg s3  }
0xaf: {  	[dreg:$0x3] =	wrdreg s5  }
0xb0: {  	[dreg:$0x4] =	wrdreg $0xC0  }
0xb1: {  	_ =	task [dreg:s7], $0x5FFFF  }
0xb2: {  	[dreg:$0x1] =	wrdreg $0xFFFFFFFF  }
0xb3: {  	[dreg:$0x0] =	wrdreg $0x60  }
0xb4: {  	[dreg:$0x2] =	wrdreg s24  }
0xb5: {  	[dreg:$0x3] =	wrdreg s16  }
0xb6: {  	[dreg:$0x4] =	wrdreg $0x9  }
0xb7: {  	_ =	task.clear_ibuf [dreg:s7], $0x5FFFF;
	_ =	strace $0x90000046  }
0xb8: {  	s29 =	simm.s32 $0x9;
	_ =	strace $0x80000048  }
0xb9: {  	_ =	swait.ge [sflag:s29], $0x1  }
0xba: {  	[sflag:s29] =	ssyncadd.s32 $0xFFFFFFFF  }
0xbb: {  	_ =	strace $0x90000048  }
0xbc: {  	_ =	sfence  }
0xbd: {  	s30 =	sld [smem:$0x0];
	_ =	sdelay $0x2  }
0xbe: {  	s31 =	sshll.u32 s1, $0xD;
	s1 =	sshrl.u32 s1, $0x2  }
0xbf: {  	s3 =	sand.u32 $0x4000, s31;
	s1 =	sadd.s32 s1, s30  }
0xc0: {  	s0 =	sor.u32 s3, s0;
	s1 =	sshll.u32 s1, $0x11  }
0xc1: {  	s0 =	sor.u32 s1, s0  }
0xc2: {  	s0 =	sadd.s32 $0x8F2B, s0  }
0xc3: {  	[sflag:s0] =	ssyncadd.remote.s32 $0x1  }
0xc4: {  	_ =	sfence.sel $0xFFFF  }
0xc5: {  	[dreg:$0x0] =	wrdreg $0xFFFFFFFF;
	(pc) =	sbr.abs _section_cstart, $3  }
0xc6: {  	[dreg:$0x1] =	wrdreg $0xFFFFFFFF  }
0xc7: {  	_ =	task.clear_ibuf [dreg:s7], $0x2FFFF;
	_ =	strace $0x9FFFFFFF  }
0xc8: {  	(tm) =	ssettm $0x7FFFFFFF  }
0xc9: {  	_ =	shalt  }
tec
execute0_lowered:
.L_overlay_start_1:
0x0: {  	(tag) =	ssettag $0x1  }
0x1: {  	s7 =	rddreg [dreg:$0x0]  }
0x2: {  	s2 =	rddreg [dreg:$0x1]  }
0x3: {  	s0 =	rddreg [dreg:$0x2]  }
0x4: {  	s1 =	srdreg.scid;
	_ =	strace $0x80000047;
	s4 =	simm.s32 $0x1  }
0x5: {  	s9 =	simm.s32 $0x3;
	s12 =	simm.s32 $0x0;
	s5 =	sshll.u32 s1, $0x4  }
.Ltmp0:
0x6: {  	s1 =	stileid.u32;
	s5 =	sand.u32 $0x10, s5;
	(pc) =	sbr.rel .LBB2_1-.Ltmp0, $4  }
0x7: {  	s10 =	simm.s32 $0x0;
	s3 =	sadd.s32 $0xA000, s7;
	s6 =	sor.u32 s1, s5  }
0x8: {  	[sflag:s4] =	ssyncpa.u1 $0x0;
	s5 =	simm.s32 $0x2;
	s6 =	sshll.u32 s6, $0x7  }
0x9: {  	s7 =	sadd.s32 $0x4A800, s7;
	[sflag:s5] =	ssyncpa.u1 $0x0;
	s8 =	sadd.s32 $0x80, s6  }
0xa: {  	vm0 =	vmmov $0xff;
	vm1 =	vcmask $0x3F20;
	[sflag:s9] =	ssyncpa.u1 $0x0;
	s9 =	simm.s32 $0x80;
	s11 =	smov.u32 s6  }
.LBB2_9:
0xb: {  	p0 =	seq.s32 s10, $0x2  }
.Ltmp1:
0xc: {  	_ = 	snop;
	(pc) =	sbr.rel @p0 .LBB2_11-.Ltmp1, $1  }
0xd: {  	_ =	sdelay $0x3  }
.LBB2_10:
0xe: {  	s12 =	sadd.s32 $0x80, s11  }
0xf: {  	s13 =	smov.u32 s6;
	p0 =	slt.s32 s12, s8  }
0x10: {  	s13 =	smov.u32 @p0 s12  }
0x11: {  	s10 =	sadd.s32 $0x1, s10;
	s12 =	smov.u32 s11;
	s11 =	smov.u32 s13  }
.LBB2_1:
0x12: {  	p0 =	sne.s32 s10, $0x0  }
.Ltmp2:
0x13: {  	_ = 	snop;
	(pc) =	sbr.rel @!p0 .LBB2_2-.Ltmp2, $1  }
0x14: {  	_ =	sdelay $0x3  }
0x15: {  	s13 =	sand.u32 $0x1, s10  }
0x16: {  	p0 =	seq.s32 s13, $0x0  }
.Ltmp3:
0x17: {  	_ = 	snop;
	(pc) =	sbr.rel @p0 .LBB2_9-.Ltmp3, $1  }
0x18: {  	_ =	sdelay $0x3  }
0x19: {  	_ =	swait.ge [sflag:s5], $0x80  }
0x1a: {  	[sflag:s5] =	ssyncset.done $0x0  }
0x1b: {  	s13 =	simm.s32 $0x0;
	[sflag:s5] =	ssyncadd.s32 $0xFFFFFF80  }
0x1c: {  	v0 =	vld.msk [tilespmem:s13+$0x80 ss:$0x1], $0xffff;
	_ =	sdelay $0x4  }
0x1d: {  	v1 =	vshll.u32 v0, $0x4  }
0x1e: {  	vm2 =	veq.s32 v0, $0x80000000;
	v0 =	vshll.u32 v0, $0x12;
	v1 =	vand.u32 $0x3FF80, v1  }
0x1f: {  	v0 =	vand.u32 $0x1C0000, v0;
	v1 =	vsel vm2, $0xFFFFFF80, v1  }
0x20: {  	v0 =	vsel vm2, $0xFFFC0000, v0;
	v2 =	vand.u32 $0xFFFFFC00, v1  }
0x21: {  	v1 =	vand.u32 $0x380, v1;
	v0 =	vadd.s32 v0, v2  }
0x22: {  	v0 =	vor.u32 v1, v0  }
0x23: {  	v0 =	vshrl.u32 v0, $0x3;
	_ =	sdelay $0x3  }
0x24: {  	s13 =	simm.s32 $0x4100  }
0x25: {  	[tilespmem:s13], [sflag:$0x1] =	stream.indirect_vreg.gather [hbm:s3], $0x80, v0, vm0, $0x38;
	[tilespmem:$0x8100] =	vst v63  }
0x26: {  	s14 =	simm.s32 $0x4500;
	s31 =	simm.s32 $0x10  }
0x27: {  	[tilespmem:s14], [sflag:$0x1] =	stream.indirect_vreg.gather [hbm:s3], $0x80, v0, vm1, $0x38;
	[tilespmem:$0x8100] =	vst v63  }
0x28: {  	s14 =	simm.s32 $0x80;
	v0 =	vld.msk [tilespmem:s31+$0x80 ss:$0x1], $0xffff  }
.LBB2_5:
0x29: {  	p0 =	sne.s32 s14, $0x1C0;
	_ =	sdelay $0x4  }
0x2a: {  	v1 =	vshll.u32 v0, $0x4  }
0x2b: {  	vm2 =	veq.s32 v0, $0x80000000;
	v0 =	vshll.u32 v0, $0x12;
	v1 =	vand.u32 $0x3FF80, v1  }
0x2c: {  	v0 =	vand.u32 $0x1C0000, v0;
	v1 =	vsel vm2, $0xFFFFFF80, v1  }
0x2d: {  	v0 =	vsel vm2, $0xFFFC0000, v0;
	v2 =	vand.u32 $0xFFFFFC00, v1  }
0x2e: {  	v1 =	vand.u32 $0x380, v1;
	v0 =	vadd.s32 v0, v2  }
0x2f: {  	v0 =	vor.u32 v1, v0  }
0x30: {  	v0 =	vshrl.u32 v0, $0x3;
	_ =	sdelay $0x3  }
.Ltmp4:
0x31: {  	s13 =	sadd.s32 $0x800, s13;
	(pc) =	sbr.rel @p0 .LBB2_5-.Ltmp4, $4  }
0x32: {  	[tilespmem:s13], [sflag:$0x1] =	stream.indirect_vreg.gather [hbm:s3], $0x80, v0, vm0, $0x38;
	[tilespmem:$0x8100] =	vst v63  }
0x33: {  	s15 =	sshra.s32 s14, $0x2;
	s16 =	sadd.s32 $0x400, s13  }
0x34: {  	[tilespmem:s16], [sflag:$0x1] =	stream.indirect_vreg.gather [hbm:s3], $0x80, v0, vm1, $0x38;
	[tilespmem:$0x8100] =	vst v63  }
0x35: {  	s14 =	sadd.s32 $0x40, s14;
	v0 =	vld.msk [tilespmem:s15+$0x80 ss:$0x1], $0xffff  }
0x36: {  	_ =	sdelay $0x3  }
0x37: {  	v1 =	vshll.u32 v0, $0x4  }
0x38: {  	vm2 =	veq.s32 v0, $0x80000000;
	v63 =	vshll.u32 v0, $0x12;
	v1 =	vand.u32 $0x3FF80, v1  }
0x39: {  	v0 =	vand.u32 $0x1C0000, v63;
	v1 =	vsel vm2, $0xFFFFFF80, v1  }
0x3a: {  	v0 =	vsel vm2, $0xFFFC0000, v0;
	v2 =	vand.u32 $0xFFFFFC00, v1  }
0x3b: {  	v1 =	vand.u32 $0x380, v1;
	v0 =	vadd.s32 v0, v2  }
0x3c: {  	v0 =	vor.u32 v1, v0  }
0x3d: {  	v0 =	vshrl.u32 v0, $0x3;
	_ =	sdelay $0x3  }
0x3e: {  	s13 =	sadd.s32 $0x800, s13  }
0x3f: {  	[tilespmem:s13], [sflag:$0x1] =	stream.indirect_vreg.gather [hbm:s3], $0x80, v0, vm0, $0x38;
	[tilespmem:$0x8100] =	vst v63  }
0x40: {  	s13 =	sadd.s32 $0x400, s13  }
0x41: {  	[tilespmem:s13], [sflag:$0x1] =	stream.indirect_vreg.gather [hbm:s3], $0x80, v0, vm1, $0x38;
	[tilespmem:$0x8100] =	vst v63  }
0x42: {  	s12 =	sshll.u32 s12, $0x4;
	s14 =	simm.s32 $0x80;
	_ =	swait.ge [sflag:s4], $0x4000  }
0x43: {  	s15 =	simm.s32 $0x4500;
	s12 =	sadd.s32 s12, s7;
	[sflag:s4] =	ssyncset.done $0x0  }
0x44: {  	s16 =	sadd.s32 $0x0, s12;
	s13 =	simm.s32 $0x4100;
	[sflag:s4] =	ssyncadd.s32 $0xFFFFC000  }
.LBB2_7:
0x45: {  	[hbm:s16] =	stream.linear.scatter [tilespmem:s13], [sflag:$0x3], $0x400, $0x38;
	[tilespmem:$0x8100] =	vst v63  }
0x46: {  	s16 =	smov.u32 s14;
	s13 =	smov.u32 s15;
	p0 =	sne.s32 s14, $0x780  }
.Ltmp5:
0x47: {  	s14 =	sadd.s32 $0x80, s14;
	(pc) =	sbr.rel @p0 .LBB2_7-.Ltmp5, $2  }
0x48: {  	_ =	sdelay $0x2  }
0x49: {  	s15 =	sadd.s32 $0x400, s15;
	s16 =	sadd.s32 s16, s12  }
.Ltmp6:
0x4a: {  	(pc) =	sbr.rel .LBB2_9-.Ltmp6, $2  }
0x4b: {  	_ =	sdelay $0x2  }
0x4c: {  	[hbm:s16] =	stream.linear.scatter [tilespmem:s13], [sflag:$0x3], $0x400, $0x38;
	[tilespmem:$0x8100] =	vst v63  }
.LBB2_2:
.Ltmp7:
0x4d: {  	(pc) =	sbr.rel .LBB2_10-.Ltmp7, $4  }
0x4e: {  	_ = 	snop  }
0x4f: {  	s12 =	sshrl.u32 s11, $0x3  }
0x50: {  	s13 =	sand.u32 $0x7, s11;
	s12 =	sadd.s32 s2, s12  }
0x51: {  	[tilespmem:s9], [sflag:$0x2] =	stream.linear.gather [hbm4b:s12+s13], $0x80, $0x38;
	[tilespmem:$0x8100] =	vst v63  }
.LBB2_11:
0x52: {  	s2 =	simm.s32 $0x3  }
0x53: {  	_ =	swait.ge [sflag:s2], $0x4000  }
0x54: {  	[sflag:s2] =	ssyncset.done $0x0  }
0x55: {  	[sflag:s2] =	ssyncadd.s32 $0xFFFFC000  }
0x56: {  	_ =	sfence.sel $0x180000  }
0x57: {  	s3 =	simm.s32 $0x2;
	[bflag:$0x0] =	sbarrier.arrive $0xFFFF  }
0x58: {  	[sflag:s3] =	ssyncpa.u1 $0x1  }
0x59: {  	s31 =	simm.s32 $0x1;
	[sflag:s2] =	ssyncpa.u1 $0x1  }
0x5a: {  	[sflag:s31] =	ssyncpa.u1 $0x1  }
0x5b: {  	p0 =	sne.s32 s1, $0x0;
	_ =	strace $0x90000047  }
0x5c: {  	s0 =	sadd.s32 @!p0 $0x100000, s0;
	[bflag:$0x2] =	sbarrier.arrive $0xFFFF  }
0x5d: {  	[sflag:s0] =	ssyncadd.tile.s32 @!p0 $0x1;
	_ =	shalt  }
.Lfunc_end2:
_tile_overlayer_lowered:
.L_overlay_start_2:
0x5e: {  	(tag) =	ssettag $0x2  }
0x5f: {  	s0 =	rddreg [dreg:$0x0];
	s2 =	stileid.u32  }
0x60: {  	s1 =	rddreg [dreg:$0x1];
	p0 =	sne.s32 s2, $0x0  }
0x61: {  	s3 =	rddreg [dreg:$0x2];
	[bflag:$0x3] =	sbarrier.arrive $0xFFFF;
	s2 =	simm.s32 @!p0 $0x1C01  }
0x62: {  	[timem:s3], [sflag:s2] =	dma.local @!p0 [hbm:s0], s1  }
0x63: {  	s0 =	simm.s32 @!p0 $0x1  }
0x64: {  	_ =	swait.ge @!p0 [sflag:s0], s1  }
0x65: {  	s1 =	ssub.s32 @!p0 $0x0, s1;
	[sflag:s0] =	ssyncset.done @!p0 $0x0  }
0x66: {  	[sflag:s0] =	ssyncadd.s32 @!p0 s1  }
0x67: {  	[bflag:$0x3] =	sbarrier.arrive $0xFFFF  }
0x68: {  	_ =	shalt  }

</sc_bundles>
